<compile_context>
chip_gen: v7x
topology: tpu7x:2x2x1
jax: 0.10.2.dev20260603
libtpu: 0.0.44.dev20260713+nightly
codegen_flags: <defaults>
</compile_context>

<pallas_src>
import functools

import jax
import jax.numpy as jnp
from jax import lax
from jax.experimental import pallas as pl
from jax.experimental.pallas import tpu as pltpu
from jax.experimental.pallas import tpu_sc as plsc

N = 10000
D = 128
G = 64
E = 320000

NC = 2
NS = 16
NW = NC * NS

NP = 10240
HALF = NP // 2
ACCR = HALF + 8
K = 128
CHS = 160
EPS = NS * CHS * K
RPS = HALF // NS
NID = 5
IDW = RPS // NID
PADN = N


@functools.lru_cache(maxsize=None)
def _sc_mesh():
    return plsc.VectorSubcoreMesh(
        core_axis_name="c", subcore_axis_name="s",
        num_cores=NC, num_subcores=NS)


def _fill_identity(idz, s, iota16):
    def fill_idz(r, _):
        row0 = s * RPS + r * IDW
        for k16 in range(IDW // 16):
            idz[r, pl.ds(k16 * 16, 16)] = iota16 + (row0 + k16 * 16)
        return 0
    lax.fori_loop(0, NID, fill_idz, 0)


def _remap_dst(dst_v, base):
    def remap(j, _):
        for k8 in range(K // 16):
            d = dst_v[j, pl.ds(k8 * 16, 16)]
            l = d - base
            ok = (l >= 0) & (l < HALF)
            dst_v[j, pl.ds(k8 * 16, 16)] = jnp.where(ok, l, HALF)
        return 0
    lax.fori_loop(0, CHS, remap, 0)


@functools.lru_cache(maxsize=None)
def _get_deg_sc():
    return functools.partial(
        pl.kernel,
        out_type=jax.ShapeDtypeStruct((NC, HALF, 16), jnp.float32),
        mesh=_sc_mesh(),
        scratch_types=[
            pltpu.VMEM((CHS, K), jnp.int32),
            pltpu.VMEM((K, 16), jnp.float32),
            pltpu.VMEM((IDW, 16), jnp.float32),
            pltpu.VMEM((NID, IDW), jnp.int32),
            pltpu.VMEM((IDW, 16), jnp.float32),
            pltpu.VMEM_SHARED((ACCR, 16), jnp.float32),
        ],
    )(_deg_sc_body)


def _deg_sc_body(dst_hbm, out_hbm, dst_v, ones_v, zero_v, idz, bounce, acc_sh):
    c = lax.axis_index("c")
    s = lax.axis_index("s")
    base = c * HALF

    ones16 = jnp.full((16,), 1.0, jnp.float32)
    zeros16 = jnp.zeros((16,), jnp.float32)
    iota16 = lax.iota(jnp.int32, 16)

    def fill_ones(i, _):
        ones_v[i, :] = ones16
        return 0
    lax.fori_loop(0, K, fill_ones, 0)
    for i in range(IDW):
        zero_v[i, :] = zeros16
    _fill_identity(idz, s, iota16)

    def zinit(r, _):
        pltpu.sync_copy(zero_v, acc_sh.at[idz.at[r]])
        return 0
    lax.fori_loop(0, NID, zinit, 0)
    plsc.subcore_barrier()

    pltpu.sync_copy(dst_hbm.at[s], dst_v)
    _remap_dst(dst_v, base)

    def body(j, _):
        pltpu.sync_copy(ones_v, acc_sh.at[dst_v.at[j]], add=True)
        return 0
    lax.fori_loop(0, CHS, body, 0)
    plsc.subcore_barrier()

    def cout(r, _):
        pltpu.sync_copy(acc_sh.at[idz.at[r]], bounce)
        pltpu.sync_copy(bounce,
                        out_hbm.at[c, pl.ds(s * RPS + r * IDW, IDW)])
        return 0
    lax.fori_loop(0, NID, cout, 0)


@functools.lru_cache(maxsize=None)
def _get_scatter_sc():
    return functools.partial(
        pl.kernel,
        out_type=jax.ShapeDtypeStruct((NC, HALF, D), jnp.float32),
        mesh=_sc_mesh(),
        scratch_types=[
            pltpu.VMEM((CHS, K), jnp.int32),
            pltpu.VMEM((CHS, K), jnp.int32),
            pltpu.VMEM((K, D), jnp.float32),
            pltpu.VMEM((IDW, D), jnp.float32),
            pltpu.VMEM((NID, IDW), jnp.int32),
            pltpu.VMEM((IDW, D), jnp.float32),
            pltpu.VMEM_SHARED((ACCR, D), jnp.float32),
            pltpu.SemaphoreType.DMA,
        ],
    )(_scatter_sc_body)


def _scatter_sc_body(y_hbm, src_hbm, dst_hbm, out_hbm,
                     src_v, dst_v, rows_v, zero_v, idz, bounce, acc_sh, sem):
    c = lax.axis_index("c")
    s = lax.axis_index("s")
    base = c * HALF

    zeros16 = jnp.zeros((16,), jnp.float32)
    iota16 = lax.iota(jnp.int32, 16)

    def fill_zero(i, _):
        for k8 in range(D // 16):
            zero_v[i, pl.ds(k8 * 16, 16)] = zeros16
        return 0
    lax.fori_loop(0, IDW, fill_zero, 0)
    _fill_identity(idz, s, iota16)

    def zinit(r, _):
        pltpu.sync_copy(zero_v, acc_sh.at[idz.at[r]])
        return 0
    lax.fori_loop(0, NID, zinit, 0)
    plsc.subcore_barrier()

    pltpu.sync_copy(src_hbm.at[s], src_v)
    pltpu.sync_copy(dst_hbm.at[s], dst_v)
    _remap_dst(dst_v, base)

    def body(j, _):
        pltpu.async_copy(y_hbm.at[src_v.at[j]], rows_v, sem).wait()
        pltpu.sync_copy(rows_v, acc_sh.at[dst_v.at[j]], add=True)
        return 0
    lax.fori_loop(0, CHS, body, 0)
    plsc.subcore_barrier()

    def cout(r, _):
        pltpu.sync_copy(acc_sh.at[idz.at[r]], bounce)
        pltpu.sync_copy(bounce,
                        out_hbm.at[c, pl.ds(s * RPS + r * IDW, IDW)])
        return 0
    lax.fori_loop(0, NID, cout, 0)


BR = 640
BR5 = 320
_NBH = HALF // BR
_NBH5 = HALF // BR5


def _dis_block(deg_ref):
    return lax.rsqrt(deg_ref[0, :, 0] + 1.0)


def _k1_body(deg_ref, x_ref, w_ref, y_ref):
    dis = _dis_block(deg_ref)
    xw = jnp.dot(x_ref[...], w_ref[...], preferred_element_type=jnp.float32)
    y_ref[...] = dis[:, None] * xw


def _k1(deg2, x_pad, W1):
    return pl.pallas_call(
        _k1_body,
        grid=(NP // BR,),
        in_specs=[
            pl.BlockSpec((1, BR, 16), lambda i: (i // _NBH, i % _NBH, 0)),
            pl.BlockSpec((BR, D), lambda i: (i, 0)),
            pl.BlockSpec((D, D), lambda i: (0, 0)),
        ],
        out_specs=pl.BlockSpec((BR, D), lambda i: (i, 0)),
        out_shape=jax.ShapeDtypeStruct((NP, D), jnp.float32),
    )(deg2, x_pad, W1)


def _k3_body(deg_ref, acc_ref, y_ref, b_ref, w_ref, out_ref):
    dis = _dis_block(deg_ref)
    t = acc_ref[0] + y_ref[...]
    h = jnp.maximum(dis[:, None] * t + b_ref[...], 0.0)
    hw = jnp.dot(h, w_ref[...], preferred_element_type=jnp.float32)
    out_ref[...] = dis[:, None] * hw


def _k3(deg2, acc, y1, b1r, W2):
    return pl.pallas_call(
        _k3_body,
        grid=(NP // BR,),
        in_specs=[
            pl.BlockSpec((1, BR, 16), lambda i: (i // _NBH, i % _NBH, 0)),
            pl.BlockSpec((1, BR, D), lambda i: (i // _NBH, i % _NBH, 0)),
            pl.BlockSpec((BR, D), lambda i: (i, 0)),
            pl.BlockSpec((1, D), lambda i: (0, 0)),
            pl.BlockSpec((D, D), lambda i: (0, 0)),
        ],
        out_specs=pl.BlockSpec((BR, D), lambda i: (i, 0)),
        out_shape=jax.ShapeDtypeStruct((NP, D), jnp.float32),
    )(deg2, acc, y1, b1r, W2)


def _k5_body(deg_ref, acc_ref, y_ref, b_ref, batch_ref,
             m1_ref, mb1_ref, m2_ref, mb2_ref, out_ref, pooled):
    i = pl.program_id(0)
    dis = _dis_block(deg_ref)
    t = acc_ref[0] + y_ref[...]
    h2 = jnp.maximum(dis[:, None] * t + b_ref[...], 0.0)

    b = batch_ref[0, 0, :]
    gid = lax.broadcasted_iota(jnp.int32, (BR5, 128), 1)
    oh = (b[:, None] == gid).astype(jnp.float32)
    contrib = lax.dot_general(oh, h2, (((0,), (0,)), ((), ())),
                              preferred_element_type=jnp.float32)

    @pl.when(i == 0)
    def _():
        pooled[...] = contrib

    @pl.when(i > 0)
    def _():
        pooled[...] = pooled[...] + contrib

    @pl.when(i == pl.num_programs(0) - 1)
    def _():
        z = jnp.maximum(
            jnp.dot(pooled[0:G, :], m1_ref[...],
                    preferred_element_type=jnp.float32) + mb1_ref[...], 0.0)
        out_ref[...] = jnp.dot(
            z, m2_ref[...], preferred_element_type=jnp.float32) + mb2_ref[...]


def _k5(deg2, acc, y2, b2r, batch3, M1, mb1r, M2, mb2r):
    return pl.pallas_call(
        _k5_body,
        grid=(NP // BR5,),
        in_specs=[
            pl.BlockSpec((1, BR5, 16), lambda i: (i // _NBH5, i % _NBH5, 0)),
            pl.BlockSpec((1, BR5, D), lambda i: (i // _NBH5, i % _NBH5, 0)),
            pl.BlockSpec((BR5, D), lambda i: (i, 0)),
            pl.BlockSpec((1, D), lambda i: (0, 0)),
            pl.BlockSpec((1, 1, BR5), lambda i: (i, 0, 0)),
            pl.BlockSpec((D, D), lambda i: (0, 0)),
            pl.BlockSpec((1, D), lambda i: (0, 0)),
            pl.BlockSpec((D, D), lambda i: (0, 0)),
            pl.BlockSpec((1, D), lambda i: (0, 0)),
        ],
        out_specs=pl.BlockSpec((G, D), lambda i: (0, 0)),
        out_shape=jax.ShapeDtypeStruct((G, D), jnp.float32),
        scratch_shapes=[pltpu.VMEM((128, D), jnp.float32)],
    )(deg2, acc, y2, b2r, batch3, M1, mb1r, M2, mb2r)


@jax.jit
def kernel(x, edge_index, batch, W1, b1, W2, b2, M1, mb1, M2, mb2):
    x_pad = jnp.zeros((NP, D), jnp.float32).at[:N].set(x)
    pads = jnp.full((EPS - E,), PADN, jnp.int32)
    src3 = jnp.concatenate([edge_index[0], pads]).reshape(NS, CHS, K)
    dst3 = jnp.concatenate([edge_index[1], pads]).reshape(NS, CHS, K)
    batch3 = jnp.concatenate(
        [batch, jnp.full((NP - N,), G, jnp.int32)]).reshape(NP // BR5, 1, BR5)
    b1r = b1.reshape(1, D)
    b2r = b2.reshape(1, D)
    mb1r = mb1.reshape(1, D)
    mb2r = mb2.reshape(1, D)

    deg2 = _get_deg_sc()(dst3)
    y1 = _k1(deg2, x_pad, W1)
    acc1 = _get_scatter_sc()(y1, src3, dst3)
    y2 = _k3(deg2, acc1, y1, b1r, W2)
    acc2 = _get_scatter_sc()(y2, src3, dst3)
    return _k5(deg2, acc2, y2, b2r, batch3, M1, mb1r, M2, mb2r)

# --- scband reference (transcript-rebuilt; emitter-appended) ---
"""Pipeline reference for scband-gcn-83511344103765 (READ-ONLY COPY).

The authoritative reference and input builder live on the scoring server;
editing this copy changes nothing except your own understanding.
"""

import jax, jax.numpy as jnp
import numpy as np

N = 10000
E = 320000
D = 128
H = 128
O = 128
G = 64


def setup_inputs(seed: int = 0) -> dict:
    key = jax.random.key(seed)
    ks = jax.random.split(key, 12)
    x = jax.random.normal(ks[0], (N, D), dtype=jnp.float32)
    edge_index = jax.random.randint(ks[1], (2, E), 0, N, dtype=jnp.int32)
    batch = jnp.sort(jax.random.randint(ks[2], (N,), 0, G, dtype=jnp.int32))
    s = 1.0 / np.sqrt(D)
    W1 = jax.random.uniform(ks[3], (D, H), dtype=jnp.float32, minval=-s, maxval=s)
    b1 = jnp.zeros((H,), dtype=jnp.float32)
    W2 = jax.random.uniform(ks[4], (H, H), dtype=jnp.float32, minval=-s, maxval=s)
    b2 = jnp.zeros((H,), dtype=jnp.float32)
    M1 = jax.random.uniform(ks[5], (H, H), dtype=jnp.float32, minval=-s, maxval=s)
    mb1 = jnp.zeros((H,), dtype=jnp.float32)
    M2 = jax.random.uniform(ks[6], (H, O), dtype=jnp.float32, minval=-s, maxval=s)
    mb2 = jnp.zeros((O,), dtype=jnp.float32)
    return {"x": x, "edge_index": edge_index, "batch": batch,
            "W1": W1, "b1": b1, "W2": W2, "b2": b2,
            "M1": M1, "mb1": mb1, "M2": M2, "mb2": mb2}


def _gcn_conv(x, src, dst, W, b):
    # GCNConv with self-loops and symmetric normalization: D^{-1/2} A_hat D^{-1/2} X W + b
    deg = jax.ops.segment_sum(jnp.ones_like(dst, dtype=x.dtype), dst, num_segments=N)
    dis = jnp.where(deg > 0, jax.lax.rsqrt(jnp.maximum(deg, 1e-12)), 0.0)
    norm = dis[src] * dis[dst]
    xw = x @ W
    msg = jnp.take(xw, src, axis=0) * norm[:, None]
    agg = jax.ops.segment_sum(msg, dst, num_segments=N)
    return agg + b


def reference(x, edge_index, batch, W1, b1, W2, b2, M1, mb1, M2, mb2):
    loop = jnp.arange(N, dtype=edge_index.dtype)
    src = jnp.concatenate([edge_index[0], loop])
    dst = jnp.concatenate([edge_index[1], loop])
    h = jax.nn.relu(_gcn_conv(x, src, dst, W1, b1))
    h = jax.nn.relu(_gcn_conv(h, src, dst, W2, b2))
    # global_add_pool
    pooled = jax.ops.segment_sum(h, batch, num_segments=G)
    # MLP([H, H, O], num_layers=2), norm=None, dropout inactive in eval
    z = jax.nn.relu(pooled @ M1 + mb1)
    out = z @ M2 + mb2
    return out

if __name__ == "__main__":
    import jax
    _d = setup_inputs()
    print(jax.jit(kernel)(*tuple(_d.values())))

</pallas_src>

<mosaic_0001>
#map = affine_map<(d0, d1) -> (0, 0)>
#map1 = affine_map<(d0, d1) -> (0, 0, 0)>
module attributes {stable_mosaic.version = 14 : i64} {
  func.func @_scatter_sc_body(%arg0: i32, %arg1: i32, %arg2: memref<10240x128xf32, #tpu.memory_space<hbm>>, %arg3: memref<16x160x128xi32, #tpu.memory_space<hbm>>, %arg4: memref<16x160x128xi32, #tpu.memory_space<hbm>>, %arg5: memref<2x5120x128xf32, #tpu.memory_space<hbm>>, %arg6: memref<160x128xi32, #tpu.memory_space<vmem>>, %arg7: memref<160x128xi32, #tpu.memory_space<vmem>>, %arg8: memref<128x128xf32, #tpu.memory_space<vmem>>, %arg9: memref<64x128xf32, #tpu.memory_space<vmem>>, %arg10: memref<5x64xi32, #tpu.memory_space<vmem>>, %arg11: memref<64x128xf32, #tpu.memory_space<vmem>>, %arg12: memref<5128x128xf32, #tpu.memory_space<vmem_shared>>, %arg13: memref<!tpu.dma_semaphore, #tpu.memory_space<semaphore_mem>>) attributes {dimension_semantics = [#tpu.dimension_semantics<core_parallel>, #tpu.dimension_semantics<subcore_parallel>], iteration_bounds = array<i64: 2, 16>, scalar_prefetch = 0 : i64, scratch_operands = 8 : i64, tpu.core_type = #tpu.core_type<sc_vector_subcore>, window_params = [{transform_indices = #map}, {transform_indices = #map1}, {transform_indices = #map1}, {transform_indices = #map1}]} {
    %mul3A = arith.constant 5120 : i32
    %mul3A_0 = arith.muli %arg0, %mul3A : i32
    %broadcast_in_dim3A = arith.constant 0.000000e+00 : f32
    %broadcast_in_dim3A_1 = vector.broadcast %broadcast_in_dim3A : f32 to vector<16xf32>
    %iota3A = tpu.iota {dimensions = array<i32: 0>} : vector<16xi32>
    %scan3A = arith.constant 0 : i32
    %scan3A_2 = arith.constant 0 : i32
    %scan3A_3 = arith.constant 64 : i32
    %scan3A_4 = arith.addi %scan3A_2, %scan3A_3 : i32
    %scan3A_5 = arith.constant 1 : i32
    %scan3A_6 = scf.for %scan3A_44 = %scan3A_2 to %scan3A_4 step %scan3A_5 iter_args(%scan3A_45 = %scan3A) -> (i32)  : i32 {
      %swap3A = arith.index_cast %scan3A_44 : i32 to index
      %swap3A_46 = arith.constant 0 : index
      %swap3A_47 = tpu.vector_load %arg9[%swap3A, %swap3A_46] {strides = array<i32>} : memref<64x128xf32, #tpu.memory_space<vmem>>, vector<1x16xf32>,
      %swap3A_48 = vector.shape_cast %swap3A_47 : vector<1x16xf32> to vector<16xf32>
      %swap3A_49 = vector.shape_cast %broadcast_in_dim3A_1 : vector<16xf32> to vector<1x16xf32>
      tpu.vector_store %arg9[%swap3A, %swap3A_46], %swap3A_49 {strides = array<i32>} : memref<64x128xf32, #tpu.memory_space<vmem>>, vector<1x16xf32>,
      %swap3A_50 = arith.index_cast %scan3A_44 : i32 to index
      %swap3A_51 = arith.constant 16 : index
      %swap3A_52 = tpu.vector_load %arg9[%swap3A_50, %swap3A_51] {strides = array<i32>} : memref<64x128xf32, #tpu.memory_space<vmem>>, vector<1x16xf32>,
      %swap3A_53 = vector.shape_cast %swap3A_52 : vector<1x16xf32> to vector<16xf32>
      %swap3A_54 = vector.shape_cast %broadcast_in_dim3A_1 : vector<16xf32> to vector<1x16xf32>
      tpu.vector_store %arg9[%swap3A_50, %swap3A_51], %swap3A_54 {strides = array<i32>} : memref<64x128xf32, #tpu.memory_space<vmem>>, vector<1x16xf32>,
      %swap3A_55 = arith.index_cast %scan3A_44 : i32 to index
      %swap3A_56 = arith.constant 32 : index
      %swap3A_57 = tpu.vector_load %arg9[%swap3A_55, %swap3A_56] {strides = array<i32>} : memref<64x128xf32, #tpu.memory_space<vmem>>, vector<1x16xf32>,
      %swap3A_58 = vector.shape_cast %swap3A_57 : vector<1x16xf32> to vector<16xf32>
      %swap3A_59 = vector.shape_cast %broadcast_in_dim3A_1 : vector<16xf32> to vector<1x16xf32>
      tpu.vector_store %arg9[%swap3A_55, %swap3A_56], %swap3A_59 {strides = array<i32>} : memref<64x128xf32, #tpu.memory_space<vmem>>, vector<1x16xf32>,
      %swap3A_60 = arith.index_cast %scan3A_44 : i32 to index
      %swap3A_61 = arith.constant 48 : index
      %swap3A_62 = tpu.vector_load %arg9[%swap3A_60, %swap3A_61] {strides = array<i32>} : memref<64x128xf32, #tpu.memory_space<vmem>>, vector<1x16xf32>,
      %swap3A_63 = vector.shape_cast %swap3A_62 : vector<1x16xf32> to vector<16xf32>
      %swap3A_64 = vector.shape_cast %broadcast_in_dim3A_1 : vector<16xf32> to vector<1x16xf32>
      tpu.vector_store %arg9[%swap3A_60, %swap3A_61], %swap3A_64 {strides = array<i32>} : memref<64x128xf32, #tpu.memory_space<vmem>>, vector<1x16xf32>,
      %swap3A_65 = arith.index_cast %scan3A_44 : i32 to index
      %swap3A_66 = arith.constant 64 : index
      %swap3A_67 = tpu.vector_load %arg9[%swap3A_65, %swap3A_66] {strides = array<i32>} : memref<64x128xf32, #tpu.memory_space<vmem>>, vector<1x16xf32>,
      %swap3A_68 = vector.shape_cast %swap3A_67 : vector<1x16xf32> to vector<16xf32>
      %swap3A_69 = vector.shape_cast %broadcast_in_dim3A_1 : vector<16xf32> to vector<1x16xf32>
      tpu.vector_store %arg9[%swap3A_65, %swap3A_66], %swap3A_69 {strides = array<i32>} : memref<64x128xf32, #tpu.memory_space<vmem>>, vector<1x16xf32>,
      %swap3A_70 = arith.index_cast %scan3A_44 : i32 to index
      %swap3A_71 = arith.constant 80 : index
      %swap3A_72 = tpu.vector_load %arg9[%swap3A_70, %swap3A_71] {strides = array<i32>} : memref<64x128xf32, #tpu.memory_space<vmem>>, vector<1x16xf32>,
      %swap3A_73 = vector.shape_cast %swap3A_72 : vector<1x16xf32> to vector<16xf32>
      %swap3A_74 = vector.shape_cast %broadcast_in_dim3A_1 : vector<16xf32> to vector<1x16xf32>
      tpu.vector_store %arg9[%swap3A_70, %swap3A_71], %swap3A_74 {strides = array<i32>} : memref<64x128xf32, #tpu.memory_space<vmem>>, vector<1x16xf32>,
      %swap3A_75 = arith.index_cast %scan3A_44 : i32 to index
      %swap3A_76 = arith.constant 96 : index
      %swap3A_77 = tpu.vector_load %arg9[%swap3A_75, %swap3A_76] {strides = array<i32>} : memref<64x128xf32, #tpu.memory_space<vmem>>, vector<1x16xf32>,
      %swap3A_78 = vector.shape_cast %swap3A_77 : vector<1x16xf32> to vector<16xf32>
      %swap3A_79 = vector.shape_cast %broadcast_in_dim3A_1 : vector<16xf32> to vector<1x16xf32>
      tpu.vector_store %arg9[%swap3A_75, %swap3A_76], %swap3A_79 {strides = array<i32>} : memref<64x128xf32, #tpu.memory_space<vmem>>, vector<1x16xf32>,
      %swap3A_80 = arith.index_cast %scan3A_44 : i32 to index
      %swap3A_81 = arith.constant 112 : index
      %swap3A_82 = tpu.vector_load %arg9[%swap3A_80, %swap3A_81] {strides = array<i32>} : memref<64x128xf32, #tpu.memory_space<vmem>>, vector<1x16xf32>,
      %swap3A_83 = vector.shape_cast %swap3A_82 : vector<1x16xf32> to vector<16xf32>
      %swap3A_84 = vector.shape_cast %broadcast_in_dim3A_1 : vector<16xf32> to vector<1x16xf32>
      tpu.vector_store %arg9[%swap3A_80, %swap3A_81], %swap3A_84 {strides = array<i32>} : memref<64x128xf32, #tpu.memory_space<vmem>>, vector<1x16xf32>,
      %scan3A_85 = arith.constant 0 : i32
      scf.yield %scan3A_85 : i32
    }
    %scan3A_7 = arith.constant 64 : i32
    %scan3A_8 = arith.constant 0 : i32
    %scan3A_9 = arith.constant 0 : i32
    %scan3A_10 = arith.constant 5 : i32
    %scan3A_11 = arith.addi %scan3A_9, %scan3A_10 : i32
    %scan3A_12 = arith.constant 1 : i32
    %scan3A_13 = scf.for %scan3A_44 = %scan3A_9 to %scan3A_11 step %scan3A_12 iter_args(%scan3A_45 = %scan3A_8) -> (i32)  : i32 {
      %mul3A_46 = arith.constant 320 : i32
      %mul3A_47 = arith.muli %arg1, %mul3A_46 : i32
      %mul3A_48 = arith.constant 64 : i32
      %mul3A_49 = arith.muli %scan3A_44, %mul3A_48 : i32
      %add3A = arith.addi %mul3A_47, %mul3A_49 : i32
      %add3A_50 = arith.constant 0 : i32
      %add3A_51 = arith.addi %add3A, %add3A_50 : i32
      %add3A_52 = vector.broadcast %add3A_51 : i32 to vector<16xi32>
      %add3A_53 = arith.addi %iota3A, %add3A_52 : vector<16xi32>
      %swap3A = arith.index_cast %scan3A_44 : i32 to index
      %swap3A_54 = arith.constant 0 : index
      %swap3A_55 = tpu.vector_load %arg10[%swap3A, %swap3A_54] {strides = array<i32>} : memref<5x64xi32, #tpu.memory_space<vmem>>, vector<1x16xi32>,
      %swap3A_56 = vector.shape_cast %swap3A_55 : vector<1x16xi32> to vector<16xi32>
      %swap3A_57 = vector.shape_cast %add3A_53 : vector<16xi32> to vector<1x16xi32>
      tpu.vector_store %arg10[%swap3A, %swap3A_54], %swap3A_57 {strides = array<i32>} : memref<5x64xi32, #tpu.memory_space<vmem>>, vector<1x16xi32>,
      %add3A_58 = arith.constant 16 : i32
      %add3A_59 = arith.addi %add3A, %add3A_58 : i32
      %add3A_60 = vector.broadcast %add3A_59 : i32 to vector<16xi32>
      %add3A_61 = arith.addi %iota3A, %add3A_60 : vector<16xi32>
      %swap3A_62 = arith.index_cast %scan3A_44 : i32 to index
      %swap3A_63 = arith.constant 16 : index
      %swap3A_64 = tpu.vector_load %arg10[%swap3A_62, %swap3A_63] {strides = array<i32>} : memref<5x64xi32, #tpu.memory_space<vmem>>, vector<1x16xi32>,
      %swap3A_65 = vector.shape_cast %swap3A_64 : vector<1x16xi32> to vector<16xi32>
      %swap3A_66 = vector.shape_cast %add3A_61 : vector<16xi32> to vector<1x16xi32>
      tpu.vector_store %arg10[%swap3A_62, %swap3A_63], %swap3A_66 {strides = array<i32>} : memref<5x64xi32, #tpu.memory_space<vmem>>, vector<1x16xi32>,
      %add3A_67 = arith.constant 32 : i32
      %add3A_68 = arith.addi %add3A, %add3A_67 : i32
      %add3A_69 = vector.broadcast %add3A_68 : i32 to vector<16xi32>
      %add3A_70 = arith.addi %iota3A, %add3A_69 : vector<16xi32>
      %swap3A_71 = arith.index_cast %scan3A_44 : i32 to index
      %swap3A_72 = arith.constant 32 : index
      %swap3A_73 = tpu.vector_load %arg10[%swap3A_71, %swap3A_72] {strides = array<i32>} : memref<5x64xi32, #tpu.memory_space<vmem>>, vector<1x16xi32>,
      %swap3A_74 = vector.shape_cast %swap3A_73 : vector<1x16xi32> to vector<16xi32>
      %swap3A_75 = vector.shape_cast %add3A_70 : vector<16xi32> to vector<1x16xi32>
      tpu.vector_store %arg10[%swap3A_71, %swap3A_72], %swap3A_75 {strides = array<i32>} : memref<5x64xi32, #tpu.memory_space<vmem>>, vector<1x16xi32>,
      %add3A_76 = arith.constant 48 : i32
      %add3A_77 = arith.addi %add3A, %add3A_76 : i32
      %add3A_78 = vector.broadcast %add3A_77 : i32 to vector<16xi32>
      %add3A_79 = arith.addi %iota3A, %add3A_78 : vector<16xi32>
      %swap3A_80 = arith.index_cast %scan3A_44 : i32 to index
      %swap3A_81 = arith.constant 48 : index
      %swap3A_82 = tpu.vector_load %arg10[%swap3A_80, %swap3A_81] {strides = array<i32>} : memref<5x64xi32, #tpu.memory_space<vmem>>, vector<1x16xi32>,
      %swap3A_83 = vector.shape_cast %swap3A_82 : vector<1x16xi32> to vector<16xi32>
      %swap3A_84 = vector.shape_cast %add3A_79 : vector<16xi32> to vector<1x16xi32>
      tpu.vector_store %arg10[%swap3A_80, %swap3A_81], %swap3A_84 {strides = array<i32>} : memref<5x64xi32, #tpu.memory_space<vmem>>, vector<1x16xi32>,
      %scan3A_85 = arith.constant 0 : i32
      scf.yield %scan3A_85 : i32
    }
    %scan3A_14 = arith.constant 5 : i32
    %scan3A_15 = arith.constant 0 : i32
    %scan3A_16 = arith.constant 0 : i32
    %scan3A_17 = arith.constant 5 : i32
    %scan3A_18 = arith.addi %scan3A_16, %scan3A_17 : i32
    %scan3A_19 = arith.constant 1 : i32
    %scan3A_20 = scf.for %scan3A_44 = %scan3A_16 to %scan3A_18 step %scan3A_19 iter_args(%scan3A_45 = %scan3A_15) -> (i32)  : i32 {
      "tpu.region"() ({
        %run_scoped3A = tpu.sem_alloc : memref<!tpu.dma_semaphore, #tpu.memory_space<semaphore_mem>>
        %dma_start3A = arith.constant 0 : i32
        %dma_start3A_47 = tpu.memref_slice %arg10[%scan3A_44, %dma_start3A] : memref<5x64xi32, #tpu.memory_space<vmem>> -> memref<1x64xi32, #tpu.memory_space<vmem>>
        %dma_start3A_48 = tpu.memref_squeeze %dma_start3A_47 : memref<1x64xi32, #tpu.memory_space<vmem>> -> memref<64xi32, #tpu.memory_space<vmem>>
        %dma_start3A_49 = arith.constant 0 : i32
        %dma_start3A_50 = arith.constant 0 : i32
        %dma_start3A_51 = tpu.memref_slice %arg12[%dma_start3A_49, %dma_start3A_50] : memref<5128x128xf32, #tpu.memory_space<vmem_shared>> -> memref<5128x128xf32, #tpu.memory_space<vmem_shared>>
        tpu.enqueue_indirect_dma source(%arg9 : memref<64x128xf32, #tpu.memory_space<vmem>>) target(%dma_start3A_51 : memref<5128x128xf32, #tpu.memory_space<vmem_shared>>) offsets(%dma_start3A_48 : memref<64xi32, #tpu.memory_space<vmem>>) semaphore(%run_scoped3A : memref<!tpu.dma_semaphore, #tpu.memory_space<semaphore_mem>>)
        %dma_wait3A = arith.constant 0 : i32
        %dma_wait3A_52 = tpu.memref_slice %arg10[%scan3A_44, %dma_wait3A] : memref<5x64xi32, #tpu.memory_space<vmem>> -> memref<1x64xi32, #tpu.memory_space<vmem>>
        %dma_wait3A_53 = tpu.memref_squeeze %dma_wait3A_52 : memref<1x64xi32, #tpu.memory_space<vmem>> -> memref<64xi32, #tpu.memory_space<vmem>>
        %dma_wait3A_54 = arith.constant 0 : i32
        %dma_wait3A_55 = arith.constant 0 : i32
        %dma_wait3A_56 = tpu.memref_slice %arg12[%dma_wait3A_54, %dma_wait3A_55] : memref<5128x128xf32, #tpu.memory_space<vmem_shared>> -> memref<5128x128xf32, #tpu.memory_space<vmem_shared>>
        tpu.wait_indirect_dma semaphore(%run_scoped3A : memref<!tpu.dma_semaphore, #tpu.memory_space<semaphore_mem>>) src(%arg9 : memref<64x128xf32, #tpu.memory_space<vmem>>) dst(%dma_wait3A_56 : memref<5128x128xf32, #tpu.memory_space<vmem_shared>>)
        tpu.yield
      }) : () -> ()
      %scan3A_46 = arith.constant 0 : i32
      scf.yield %scan3A_46 : i32
    }
    %scan3A_21 = arith.constant 5 : i32
    %barrier3A = arith.constant 0 : index
    tpu.barrier barrier_id(%barrier3A)
    "tpu.region"() ({
      %run_scoped3A = tpu.sem_alloc : memref<!tpu.dma_semaphore, #tpu.memory_space<semaphore_mem>>
      %dma_start3A = arith.constant 0 : i32
      %dma_start3A_44 = arith.constant 0 : i32
      %dma_start3A_45 = tpu.memref_slice %arg3[%arg1, %dma_start3A, %dma_start3A_44] : memref<16x160x128xi32, #tpu.memory_space<hbm>> -> memref<1x160x128xi32, #tpu.memory_space<hbm>>
      %dma_start3A_46 = tpu.memref_squeeze %dma_start3A_45 : memref<1x160x128xi32, #tpu.memory_space<hbm>> -> memref<160x128xi32, #tpu.memory_space<hbm>>
      %dma_start3A_47 = arith.constant 0 : i32
      %dma_start3A_48 = arith.constant 0 : i32
      %dma_start3A_49 = tpu.memref_slice %arg3[%arg1, %dma_start3A_47, %dma_start3A_48] : memref<16x160x128xi32, #tpu.memory_space<hbm>> -> memref<1x160x128xi32, #tpu.memory_space<hbm>>
      %dma_start3A_50 = tpu.memref_squeeze %dma_start3A_49 : memref<1x160x128xi32, #tpu.memory_space<hbm>> -> memref<160x128xi32, #tpu.memory_space<hbm>>
      tpu.enqueue_dma source(%dma_start3A_50 : memref<160x128xi32, #tpu.memory_space<hbm>>) target(%arg6 : memref<160x128xi32, #tpu.memory_space<vmem>>) target_semaphore(%run_scoped3A : memref<!tpu.dma_semaphore, #tpu.memory_space<semaphore_mem>>)
      %dma_wait3A = arith.constant 0 : i32
      %dma_wait3A_51 = arith.constant 0 : i32
      %dma_wait3A_52 = tpu.memref_slice %arg3[%arg1, %dma_wait3A, %dma_wait3A_51] : memref<16x160x128xi32, #tpu.memory_space<hbm>> -> memref<1x160x128xi32, #tpu.memory_space<hbm>>
      %dma_wait3A_53 = tpu.memref_squeeze %dma_wait3A_52 : memref<1x160x128xi32, #tpu.memory_space<hbm>> -> memref<160x128xi32, #tpu.memory_space<hbm>>
      %dma_wait3A_54 = arith.constant 0 : i32
      %dma_wait3A_55 = arith.constant 0 : i32
      %dma_wait3A_56 = tpu.memref_slice %arg3[%arg1, %dma_wait3A_54, %dma_wait3A_55] : memref<16x160x128xi32, #tpu.memory_space<hbm>> -> memref<1x160x128xi32, #tpu.memory_space<hbm>>
      %dma_wait3A_57 = tpu.memref_squeeze %dma_wait3A_56 : memref<1x160x128xi32, #tpu.memory_space<hbm>> -> memref<160x128xi32, #tpu.memory_space<hbm>>
      tpu.wait_dma2 semaphore(%run_scoped3A : memref<!tpu.dma_semaphore, #tpu.memory_space<semaphore_mem>>) src(%dma_wait3A_57 : memref<160x128xi32, #tpu.memory_space<hbm>>) dst(%arg6 : memref<160x128xi32, #tpu.memory_space<vmem>>)
      tpu.yield
    }) : () -> ()
    "tpu.region"() ({
      %run_scoped3A = tpu.sem_alloc : memref<!tpu.dma_semaphore, #tpu.memory_space<semaphore_mem>>
      %dma_start3A = arith.constant 0 : i32
      %dma_start3A_44 = arith.constant 0 : i32
      %dma_start3A_45 = tpu.memref_slice %arg4[%arg1, %dma_start3A, %dma_start3A_44] : memref<16x160x128xi32, #tpu.memory_space<hbm>> -> memref<1x160x128xi32, #tpu.memory_space<hbm>>
      %dma_start3A_46 = tpu.memref_squeeze %dma_start3A_45 : memref<1x160x128xi32, #tpu.memory_space<hbm>> -> memref<160x128xi32, #tpu.memory_space<hbm>>
      %dma_start3A_47 = arith.constant 0 : i32
      %dma_start3A_48 = arith.constant 0 : i32
      %dma_start3A_49 = tpu.memref_slice %arg4[%arg1, %dma_start3A_47, %dma_start3A_48] : memref<16x160x128xi32, #tpu.memory_space<hbm>> -> memref<1x160x128xi32, #tpu.memory_space<hbm>>
      %dma_start3A_50 = tpu.memref_squeeze %dma_start3A_49 : memref<1x160x128xi32, #tpu.memory_space<hbm>> -> memref<160x128xi32, #tpu.memory_space<hbm>>
      tpu.enqueue_dma source(%dma_start3A_50 : memref<160x128xi32, #tpu.memory_space<hbm>>) target(%arg7 : memref<160x128xi32, #tpu.memory_space<vmem>>) target_semaphore(%run_scoped3A : memref<!tpu.dma_semaphore, #tpu.memory_space<semaphore_mem>>)
      %dma_wait3A = arith.constant 0 : i32
      %dma_wait3A_51 = arith.constant 0 : i32
      %dma_wait3A_52 = tpu.memref_slice %arg4[%arg1, %dma_wait3A, %dma_wait3A_51] : memref<16x160x128xi32, #tpu.memory_space<hbm>> -> memref<1x160x128xi32, #tpu.memory_space<hbm>>
      %dma_wait3A_53 = tpu.memref_squeeze %dma_wait3A_52 : memref<1x160x128xi32, #tpu.memory_space<hbm>> -> memref<160x128xi32, #tpu.memory_space<hbm>>
      %dma_wait3A_54 = arith.constant 0 : i32
      %dma_wait3A_55 = arith.constant 0 : i32
      %dma_wait3A_56 = tpu.memref_slice %arg4[%arg1, %dma_wait3A_54, %dma_wait3A_55] : memref<16x160x128xi32, #tpu.memory_space<hbm>> -> memref<1x160x128xi32, #tpu.memory_space<hbm>>
      %dma_wait3A_57 = tpu.memref_squeeze %dma_wait3A_56 : memref<1x160x128xi32, #tpu.memory_space<hbm>> -> memref<160x128xi32, #tpu.memory_space<hbm>>
      tpu.wait_dma2 semaphore(%run_scoped3A : memref<!tpu.dma_semaphore, #tpu.memory_space<semaphore_mem>>) src(%dma_wait3A_57 : memref<160x128xi32, #tpu.memory_space<hbm>>) dst(%arg7 : memref<160x128xi32, #tpu.memory_space<vmem>>)
      tpu.yield
    }) : () -> ()
    %scan3A_22 = arith.constant 0 : i32
    %scan3A_23 = arith.constant 0 : i32
    %scan3A_24 = arith.constant 160 : i32
    %scan3A_25 = arith.addi %scan3A_23, %scan3A_24 : i32
    %scan3A_26 = arith.constant 1 : i32
    %scan3A_27 = scf.for %scan3A_44 = %scan3A_23 to %scan3A_25 step %scan3A_26 iter_args(%scan3A_45 = %scan3A_22) -> (i32)  : i32 {
      %get3A = arith.index_cast %scan3A_44 : i32 to index
      %get3A_46 = arith.constant 0 : index
      %get3A_47 = tpu.vector_load %arg7[%get3A, %get3A_46] {strides = array<i32>} : memref<160x128xi32, #tpu.memory_space<vmem>>, vector<1x16xi32>,
      %get3A_48 = vector.shape_cast %get3A_47 : vector<1x16xi32> to vector<16xi32>
      %sub3A = vector.broadcast %mul3A_0 : i32 to vector<16xi32>
      %sub3A_49 = arith.subi %get3A_48, %sub3A : vector<16xi32>
      %ge3A = arith.constant 0 : i32
      %ge3A_50 = vector.broadcast %ge3A : i32 to vector<16xi32>
      %ge3A_51 = arith.cmpi sge, %sub3A_49, %ge3A_50 : vector<16xi32>
      %lt3A = arith.constant 5120 : i32
      %lt3A_52 = vector.broadcast %lt3A : i32 to vector<16xi32>
      %lt3A_53 = arith.cmpi slt, %sub3A_49, %lt3A_52 : vector<16xi32>
      %and3A = arith.andi %ge3A_51, %lt3A_53 : vector<16xi1>
      %jit3A = arith.constant 5120 : i32
      %broadcast_in_dim3A_54 = vector.broadcast %jit3A : i32 to vector<16xi32>
      %select_n3A = arith.select %and3A, %sub3A_49, %broadcast_in_dim3A_54 : vector<16xi1>, vector<16xi32>
      %swap3A = arith.index_cast %scan3A_44 : i32 to index
      %swap3A_55 = arith.constant 0 : index
      %swap3A_56 = tpu.vector_load %arg7[%swap3A, %swap3A_55] {strides = array<i32>} : memref<160x128xi32, #tpu.memory_space<vmem>>, vector<1x16xi32>,
      %swap3A_57 = vector.shape_cast %swap3A_56 : vector<1x16xi32> to vector<16xi32>
      %swap3A_58 = vector.shape_cast %select_n3A : vector<16xi32> to vector<1x16xi32>
      tpu.vector_store %arg7[%swap3A, %swap3A_55], %swap3A_58 {strides = array<i32>} : memref<160x128xi32, #tpu.memory_space<vmem>>, vector<1x16xi32>,
      %get3A_59 = arith.index_cast %scan3A_44 : i32 to index
      %get3A_60 = arith.constant 16 : index
      %get3A_61 = tpu.vector_load %arg7[%get3A_59, %get3A_60] {strides = array<i32>} : memref<160x128xi32, #tpu.memory_space<vmem>>, vector<1x16xi32>,
      %get3A_62 = vector.shape_cast %get3A_61 : vector<1x16xi32> to vector<16xi32>
      %sub3A_63 = vector.broadcast %mul3A_0 : i32 to vector<16xi32>
      %sub3A_64 = arith.subi %get3A_62, %sub3A_63 : vector<16xi32>
      %ge3A_65 = arith.constant 0 : i32
      %ge3A_66 = vector.broadcast %ge3A_65 : i32 to vector<16xi32>
      %ge3A_67 = arith.cmpi sge, %sub3A_64, %ge3A_66 : vector<16xi32>
      %lt3A_68 = arith.constant 5120 : i32
      %lt3A_69 = vector.broadcast %lt3A_68 : i32 to vector<16xi32>
      %lt3A_70 = arith.cmpi slt, %sub3A_64, %lt3A_69 : vector<16xi32>
      %and3A_71 = arith.andi %ge3A_67, %lt3A_70 : vector<16xi1>
      %jit3A_72 = arith.constant 5120 : i32
      %broadcast_in_dim3A_73 = vector.broadcast %jit3A_72 : i32 to vector<16xi32>
      %select_n3A_74 = arith.select %and3A_71, %sub3A_64, %broadcast_in_dim3A_73 : vector<16xi1>, vector<16xi32>
      %swap3A_75 = arith.index_cast %scan3A_44 : i32 to index
      %swap3A_76 = arith.constant 16 : index
      %swap3A_77 = tpu.vector_load %arg7[%swap3A_75, %swap3A_76] {strides = array<i32>} : memref<160x128xi32, #tpu.memory_space<vmem>>, vector<1x16xi32>,
      %swap3A_78 = vector.shape_cast %swap3A_77 : vector<1x16xi32> to vector<16xi32>
      %swap3A_79 = vector.shape_cast %select_n3A_74 : vector<16xi32> to vector<1x16xi32>
      tpu.vector_store %arg7[%swap3A_75, %swap3A_76], %swap3A_79 {strides = array<i32>} : memref<160x128xi32, #tpu.memory_space<vmem>>, vector<1x16xi32>,
      %get3A_80 = arith.index_cast %scan3A_44 : i32 to index
      %get3A_81 = arith.constant 32 : index
      %get3A_82 = tpu.vector_load %arg7[%get3A_80, %get3A_81] {strides = array<i32>} : memref<160x128xi32, #tpu.memory_space<vmem>>, vector<1x16xi32>,
      %get3A_83 = vector.shape_cast %get3A_82 : vector<1x16xi32> to vector<16xi32>
      %sub3A_84 = vector.broadcast %mul3A_0 : i32 to vector<16xi32>
      %sub3A_85 = arith.subi %get3A_83, %sub3A_84 : vector<16xi32>
      %ge3A_86 = arith.constant 0 : i32
      %ge3A_87 = vector.broadcast %ge3A_86 : i32 to vector<16xi32>
      %ge3A_88 = arith.cmpi sge, %sub3A_85, %ge3A_87 : vector<16xi32>
      %lt3A_89 = arith.constant 5120 : i32
      %lt3A_90 = vector.broadcast %lt3A_89 : i32 to vector<16xi32>
      %lt3A_91 = arith.cmpi slt, %sub3A_85, %lt3A_90 : vector<16xi32>
      %and3A_92 = arith.andi %ge3A_88, %lt3A_91 : vector<16xi1>
      %jit3A_93 = arith.constant 5120 : i32
      %broadcast_in_dim3A_94 = vector.broadcast %jit3A_93 : i32 to vector<16xi32>
      %select_n3A_95 = arith.select %and3A_92, %sub3A_85, %broadcast_in_dim3A_94 : vector<16xi1>, vector<16xi32>
      %swap3A_96 = arith.index_cast %scan3A_44 : i32 to index
      %swap3A_97 = arith.constant 32 : index
      %swap3A_98 = tpu.vector_load %arg7[%swap3A_96, %swap3A_97] {strides = array<i32>} : memref<160x128xi32, #tpu.memory_space<vmem>>, vector<1x16xi32>,
      %swap3A_99 = vector.shape_cast %swap3A_98 : vector<1x16xi32> to vector<16xi32>
      %swap3A_100 = vector.shape_cast %select_n3A_95 : vector<16xi32> to vector<1x16xi32>
      tpu.vector_store %arg7[%swap3A_96, %swap3A_97], %swap3A_100 {strides = array<i32>} : memref<160x128xi32, #tpu.memory_space<vmem>>, vector<1x16xi32>,
      %get3A_101 = arith.index_cast %scan3A_44 : i32 to index
      %get3A_102 = arith.constant 48 : index
      %get3A_103 = tpu.vector_load %arg7[%get3A_101, %get3A_102] {strides = array<i32>} : memref<160x128xi32, #tpu.memory_space<vmem>>, vector<1x16xi32>,
      %get3A_104 = vector.shape_cast %get3A_103 : vector<1x16xi32> to vector<16xi32>
      %sub3A_105 = vector.broadcast %mul3A_0 : i32 to vector<16xi32>
      %sub3A_106 = arith.subi %get3A_104, %sub3A_105 : vector<16xi32>
      %ge3A_107 = arith.constant 0 : i32
      %ge3A_108 = vector.broadcast %ge3A_107 : i32 to vector<16xi32>
      %ge3A_109 = arith.cmpi sge, %sub3A_106, %ge3A_108 : vector<16xi32>
      %lt3A_110 = arith.constant 5120 : i32
      %lt3A_111 = vector.broadcast %lt3A_110 : i32 to vector<16xi32>
      %lt3A_112 = arith.cmpi slt, %sub3A_106, %lt3A_111 : vector<16xi32>
      %and3A_113 = arith.andi %ge3A_109, %lt3A_112 : vector<16xi1>
      %jit3A_114 = arith.constant 5120 : i32
      %broadcast_in_dim3A_115 = vector.broadcast %jit3A_114 : i32 to vector<16xi32>
      %select_n3A_116 = arith.select %and3A_113, %sub3A_106, %broadcast_in_dim3A_115 : vector<16xi1>, vector<16xi32>
      %swap3A_117 = arith.index_cast %scan3A_44 : i32 to index
      %swap3A_118 = arith.constant 48 : index
      %swap3A_119 = tpu.vector_load %arg7[%swap3A_117, %swap3A_118] {strides = array<i32>} : memref<160x128xi32, #tpu.memory_space<vmem>>, vector<1x16xi32>,
      %swap3A_120 = vector.shape_cast %swap3A_119 : vector<1x16xi32> to vector<16xi32>
      %swap3A_121 = vector.shape_cast %select_n3A_116 : vector<16xi32> to vector<1x16xi32>
      tpu.vector_store %arg7[%swap3A_117, %swap3A_118], %swap3A_121 {strides = array<i32>} : memref<160x128xi32, #tpu.memory_space<vmem>>, vector<1x16xi32>,
      %get3A_122 = arith.index_cast %scan3A_44 : i32 to index
      %get3A_123 = arith.constant 64 : index
      %get3A_124 = tpu.vector_load %arg7[%get3A_122, %get3A_123] {strides = array<i32>} : memref<160x128xi32, #tpu.memory_space<vmem>>, vector<1x16xi32>,
      %get3A_125 = vector.shape_cast %get3A_124 : vector<1x16xi32> to vector<16xi32>
      %sub3A_126 = vector.broadcast %mul3A_0 : i32 to vector<16xi32>
      %sub3A_127 = arith.subi %get3A_125, %sub3A_126 : vector<16xi32>
      %ge3A_128 = arith.constant 0 : i32
      %ge3A_129 = vector.broadcast %ge3A_128 : i32 to vector<16xi32>
      %ge3A_130 = arith.cmpi sge, %sub3A_127, %ge3A_129 : vector<16xi32>
      %lt3A_131 = arith.constant 5120 : i32
      %lt3A_132 = vector.broadcast %lt3A_131 : i32 to vector<16xi32>
      %lt3A_133 = arith.cmpi slt, %sub3A_127, %lt3A_132 : vector<16xi32>
      %and3A_134 = arith.andi %ge3A_130, %lt3A_133 : vector<16xi1>
      %jit3A_135 = arith.constant 5120 : i32
      %broadcast_in_dim3A_136 = vector.broadcast %jit3A_135 : i32 to vector<16xi32>
      %select_n3A_137 = arith.select %and3A_134, %sub3A_127, %broadcast_in_dim3A_136 : vector<16xi1>, vector<16xi32>
      %swap3A_138 = arith.index_cast %scan3A_44 : i32 to index
      %swap3A_139 = arith.constant 64 : index
      %swap3A_140 = tpu.vector_load %arg7[%swap3A_138, %swap3A_139] {strides = array<i32>} : memref<160x128xi32, #tpu.memory_space<vmem>>, vector<1x16xi32>,
      %swap3A_141 = vector.shape_cast %swap3A_140 : vector<1x16xi32> to vector<16xi32>
      %swap3A_142 = vector.shape_cast %select_n3A_137 : vector<16xi32> to vector<1x16xi32>
      tpu.vector_store %arg7[%swap3A_138, %swap3A_139], %swap3A_142 {strides = array<i32>} : memref<160x128xi32, #tpu.memory_space<vmem>>, vector<1x16xi32>,
      %get3A_143 = arith.index_cast %scan3A_44 : i32 to index
      %get3A_144 = arith.constant 80 : index
      %get3A_145 = tpu.vector_load %arg7[%get3A_143, %get3A_144] {strides = array<i32>} : memref<160x128xi32, #tpu.memory_space<vmem>>, vector<1x16xi32>,
      %get3A_146 = vector.shape_cast %get3A_145 : vector<1x16xi32> to vector<16xi32>
      %sub3A_147 = vector.broadcast %mul3A_0 : i32 to vector<16xi32>
      %sub3A_148 = arith.subi %get3A_146, %sub3A_147 : vector<16xi32>
      %ge3A_149 = arith.constant 0 : i32
      %ge3A_150 = vector.broadcast %ge3A_149 : i32 to vector<16xi32>
      %ge3A_151 = arith.cmpi sge, %sub3A_148, %ge3A_150 : vector<16xi32>
      %lt3A_152 = arith.constant 5120 : i32
      %lt3A_153 = vector.broadcast %lt3A_152 : i32 to vector<16xi32>
      %lt3A_154 = arith.cmpi slt, %sub3A_148, %lt3A_153 : vector<16xi32>
      %and3A_155 = arith.andi %ge3A_151, %lt3A_154 : vector<16xi1>
      %jit3A_156 = arith.constant 5120 : i32
      %broadcast_in_dim3A_157 = vector.broadcast %jit3A_156 : i32 to vector<16xi32>
      %select_n3A_158 = arith.select %and3A_155, %sub3A_148, %broadcast_in_dim3A_157 : vector<16xi1>, vector<16xi32>
      %swap3A_159 = arith.index_cast %scan3A_44 : i32 to index
      %swap3A_160 = arith.constant 80 : index
      %swap3A_161 = tpu.vector_load %arg7[%swap3A_159, %swap3A_160] {strides = array<i32>} : memref<160x128xi32, #tpu.memory_space<vmem>>, vector<1x16xi32>,
      %swap3A_162 = vector.shape_cast %swap3A_161 : vector<1x16xi32> to vector<16xi32>
      %swap3A_163 = vector.shape_cast %select_n3A_158 : vector<16xi32> to vector<1x16xi32>
      tpu.vector_store %arg7[%swap3A_159, %swap3A_160], %swap3A_163 {strides = array<i32>} : memref<160x128xi32, #tpu.memory_space<vmem>>, vector<1x16xi32>,
      %get3A_164 = arith.index_cast %scan3A_44 : i32 to index
      %get3A_165 = arith.constant 96 : index
      %get3A_166 = tpu.vector_load %arg7[%get3A_164, %get3A_165] {strides = array<i32>} : memref<160x128xi32, #tpu.memory_space<vmem>>, vector<1x16xi32>,
      %get3A_167 = vector.shape_cast %get3A_166 : vector<1x16xi32> to vector<16xi32>
      %sub3A_168 = vector.broadcast %mul3A_0 : i32 to vector<16xi32>
      %sub3A_169 = arith.subi %get3A_167, %sub3A_168 : vector<16xi32>
      %ge3A_170 = arith.constant 0 : i32
      %ge3A_171 = vector.broadcast %ge3A_170 : i32 to vector<16xi32>
      %ge3A_172 = arith.cmpi sge, %sub3A_169, %ge3A_171 : vector<16xi32>
      %lt3A_173 = arith.constant 5120 : i32
      %lt3A_174 = vector.broadcast %lt3A_173 : i32 to vector<16xi32>
      %lt3A_175 = arith.cmpi slt, %sub3A_169, %lt3A_174 : vector<16xi32>
      %and3A_176 = arith.andi %ge3A_172, %lt3A_175 : vector<16xi1>
      %jit3A_177 = arith.constant 5120 : i32
      %broadcast_in_dim3A_178 = vector.broadcast %jit3A_177 : i32 to vector<16xi32>
      %select_n3A_179 = arith.select %and3A_176, %sub3A_169, %broadcast_in_dim3A_178 : vector<16xi1>, vector<16xi32>
      %swap3A_180 = arith.index_cast %scan3A_44 : i32 to index
      %swap3A_181 = arith.constant 96 : index
      %swap3A_182 = tpu.vector_load %arg7[%swap3A_180, %swap3A_181] {strides = array<i32>} : memref<160x128xi32, #tpu.memory_space<vmem>>, vector<1x16xi32>,
      %swap3A_183 = vector.shape_cast %swap3A_182 : vector<1x16xi32> to vector<16xi32>
      %swap3A_184 = vector.shape_cast %select_n3A_179 : vector<16xi32> to vector<1x16xi32>
      tpu.vector_store %arg7[%swap3A_180, %swap3A_181], %swap3A_184 {strides = array<i32>} : memref<160x128xi32, #tpu.memory_space<vmem>>, vector<1x16xi32>,
      %get3A_185 = arith.index_cast %scan3A_44 : i32 to index
      %get3A_186 = arith.constant 112 : index
      %get3A_187 = tpu.vector_load %arg7[%get3A_185, %get3A_186] {strides = array<i32>} : memref<160x128xi32, #tpu.memory_space<vmem>>, vector<1x16xi32>,
      %get3A_188 = vector.shape_cast %get3A_187 : vector<1x16xi32> to vector<16xi32>
      %sub3A_189 = vector.broadcast %mul3A_0 : i32 to vector<16xi32>
      %sub3A_190 = arith.subi %get3A_188, %sub3A_189 : vector<16xi32>
      %ge3A_191 = arith.constant 0 : i32
      %ge3A_192 = vector.broadcast %ge3A_191 : i32 to vector<16xi32>
      %ge3A_193 = arith.cmpi sge, %sub3A_190, %ge3A_192 : vector<16xi32>
      %lt3A_194 = arith.constant 5120 : i32
      %lt3A_195 = vector.broadcast %lt3A_194 : i32 to vector<16xi32>
      %lt3A_196 = arith.cmpi slt, %sub3A_190, %lt3A_195 : vector<16xi32>
      %and3A_197 = arith.andi %ge3A_193, %lt3A_196 : vector<16xi1>
      %jit3A_198 = arith.constant 5120 : i32
      %broadcast_in_dim3A_199 = vector.broadcast %jit3A_198 : i32 to vector<16xi32>
      %select_n3A_200 = arith.select %and3A_197, %sub3A_190, %broadcast_in_dim3A_199 : vector<16xi1>, vector<16xi32>
      %swap3A_201 = arith.index_cast %scan3A_44 : i32 to index
      %swap3A_202 = arith.constant 112 : index
      %swap3A_203 = tpu.vector_load %arg7[%swap3A_201, %swap3A_202] {strides = array<i32>} : memref<160x128xi32, #tpu.memory_space<vmem>>, vector<1x16xi32>,
      %swap3A_204 = vector.shape_cast %swap3A_203 : vector<1x16xi32> to vector<16xi32>
      %swap3A_205 = vector.shape_cast %select_n3A_200 : vector<16xi32> to vector<1x16xi32>
      tpu.vector_store %arg7[%swap3A_201, %swap3A_202], %swap3A_205 {strides = array<i32>} : memref<160x128xi32, #tpu.memory_space<vmem>>, vector<1x16xi32>,
      %scan3A_206 = arith.constant 0 : i32
      scf.yield %scan3A_206 : i32
    }
    %scan3A_28 = arith.constant 160 : i32
    %scan3A_29 = arith.constant 0 : i32
    %scan3A_30 = arith.constant 0 : i32
    %scan3A_31 = arith.constant 160 : i32
    %scan3A_32 = arith.addi %scan3A_30, %scan3A_31 : i32
    %scan3A_33 = arith.constant 1 : i32
    %scan3A_34 = scf.for %scan3A_44 = %scan3A_30 to %scan3A_32 step %scan3A_33 iter_args(%scan3A_45 = %scan3A_29) -> (i32)  : i32 {
      %dma_start3A = arith.constant 0 : i32
      %dma_start3A_46 = tpu.memref_slice %arg6[%scan3A_44, %dma_start3A] : memref<160x128xi32, #tpu.memory_space<vmem>> -> memref<1x128xi32, #tpu.memory_space<vmem>>
      %dma_start3A_47 = tpu.memref_squeeze %dma_start3A_46 : memref<1x128xi32, #tpu.memory_space<vmem>> -> memref<128xi32, #tpu.memory_space<vmem>>
      %dma_start3A_48 = arith.constant 0 : i32
      %dma_start3A_49 = arith.constant 0 : i32
      %dma_start3A_50 = tpu.memref_slice %arg2[%dma_start3A_48, %dma_start3A_49] : memref<10240x128xf32, #tpu.memory_space<hbm>> -> memref<10240x128xf32, #tpu.memory_space<hbm>>
      tpu.enqueue_indirect_dma source(%dma_start3A_50 : memref<10240x128xf32, #tpu.memory_space<hbm>>) target(%arg8 : memref<128x128xf32, #tpu.memory_space<vmem>>) offsets(%dma_start3A_47 : memref<128xi32, #tpu.memory_space<vmem>>) semaphore(%arg13 : memref<!tpu.dma_semaphore, #tpu.memory_space<semaphore_mem>>)
      %dma_wait3A = arith.constant 0 : i32
      %dma_wait3A_51 = tpu.memref_slice %arg6[%scan3A_44, %dma_wait3A] : memref<160x128xi32, #tpu.memory_space<vmem>> -> memref<1x128xi32, #tpu.memory_space<vmem>>
      %dma_wait3A_52 = tpu.memref_squeeze %dma_wait3A_51 : memref<1x128xi32, #tpu.memory_space<vmem>> -> memref<128xi32, #tpu.memory_space<vmem>>
      %dma_wait3A_53 = arith.constant 0 : i32
      %dma_wait3A_54 = arith.constant 0 : i32
      %dma_wait3A_55 = tpu.memref_slice %arg2[%dma_wait3A_53, %dma_wait3A_54] : memref<10240x128xf32, #tpu.memory_space<hbm>> -> memref<10240x128xf32, #tpu.memory_space<hbm>>
      tpu.wait_indirect_dma semaphore(%arg13 : memref<!tpu.dma_semaphore, #tpu.memory_space<semaphore_mem>>) src(%dma_wait3A_55 : memref<10240x128xf32, #tpu.memory_space<hbm>>) dst(%arg8 : memref<128x128xf32, #tpu.memory_space<vmem>>)
      "tpu.region"() ({
        %run_scoped3A = tpu.sem_alloc : memref<!tpu.dma_semaphore, #tpu.memory_space<semaphore_mem>>
        %dma_start3A_57 = arith.constant 0 : i32
        %dma_start3A_58 = tpu.memref_slice %arg7[%scan3A_44, %dma_start3A_57] : memref<160x128xi32, #tpu.memory_space<vmem>> -> memref<1x128xi32, #tpu.memory_space<vmem>>
        %dma_start3A_59 = tpu.memref_squeeze %dma_start3A_58 : memref<1x128xi32, #tpu.memory_space<vmem>> -> memref<128xi32, #tpu.memory_space<vmem>>
        %dma_start3A_60 = arith.constant 0 : i32
        %dma_start3A_61 = arith.constant 0 : i32
        %dma_start3A_62 = tpu.memref_slice %arg12[%dma_start3A_60, %dma_start3A_61] : memref<5128x128xf32, #tpu.memory_space<vmem_shared>> -> memref<5128x128xf32, #tpu.memory_space<vmem_shared>>
        tpu.enqueue_indirect_dma source(%arg8 : memref<128x128xf32, #tpu.memory_space<vmem>>) target(%dma_start3A_62 : memref<5128x128xf32, #tpu.memory_space<vmem_shared>>) offsets(%dma_start3A_59 : memref<128xi32, #tpu.memory_space<vmem>>) semaphore(%run_scoped3A : memref<!tpu.dma_semaphore, #tpu.memory_space<semaphore_mem>>) {add = true}
        %dma_wait3A_63 = arith.constant 0 : i32
        %dma_wait3A_64 = tpu.memref_slice %arg7[%scan3A_44, %dma_wait3A_63] : memref<160x128xi32, #tpu.memory_space<vmem>> -> memref<1x128xi32, #tpu.memory_space<vmem>>
        %dma_wait3A_65 = tpu.memref_squeeze %dma_wait3A_64 : memref<1x128xi32, #tpu.memory_space<vmem>> -> memref<128xi32, #tpu.memory_space<vmem>>
        %dma_wait3A_66 = arith.constant 0 : i32
        %dma_wait3A_67 = arith.constant 0 : i32
        %dma_wait3A_68 = tpu.memref_slice %arg12[%dma_wait3A_66, %dma_wait3A_67] : memref<5128x128xf32, #tpu.memory_space<vmem_shared>> -> memref<5128x128xf32, #tpu.memory_space<vmem_shared>>
        tpu.wait_indirect_dma semaphore(%run_scoped3A : memref<!tpu.dma_semaphore, #tpu.memory_space<semaphore_mem>>) src(%arg8 : memref<128x128xf32, #tpu.memory_space<vmem>>) dst(%dma_wait3A_68 : memref<5128x128xf32, #tpu.memory_space<vmem_shared>>)
        tpu.yield
      }) : () -> ()
      %scan3A_56 = arith.constant 0 : i32
      scf.yield %scan3A_56 : i32
    }
    %scan3A_35 = arith.constant 160 : i32
    %barrier3A_36 = arith.constant 0 : index
    tpu.barrier barrier_id(%barrier3A_36)
    %scan3A_37 = arith.constant 0 : i32
    %scan3A_38 = arith.constant 0 : i32
    %scan3A_39 = arith.constant 5 : i32
    %scan3A_40 = arith.addi %scan3A_38, %scan3A_39 : i32
    %scan3A_41 = arith.constant 1 : i32
    %scan3A_42 = scf.for %scan3A_44 = %scan3A_38 to %scan3A_40 step %scan3A_41 iter_args(%scan3A_45 = %scan3A_37) -> (i32)  : i32 {
      "tpu.region"() ({
        %run_scoped3A = tpu.sem_alloc : memref<!tpu.dma_semaphore, #tpu.memory_space<semaphore_mem>>
        %dma_start3A = arith.constant 0 : i32
        %dma_start3A_51 = tpu.memref_slice %arg10[%scan3A_44, %dma_start3A] : memref<5x64xi32, #tpu.memory_space<vmem>> -> memref<1x64xi32, #tpu.memory_space<vmem>>
        %dma_start3A_52 = tpu.memref_squeeze %dma_start3A_51 : memref<1x64xi32, #tpu.memory_space<vmem>> -> memref<64xi32, #tpu.memory_space<vmem>>
        %dma_start3A_53 = arith.constant 0 : i32
        %dma_start3A_54 = arith.constant 0 : i32
        %dma_start3A_55 = tpu.memref_slice %arg12[%dma_start3A_53, %dma_start3A_54] : memref<5128x128xf32, #tpu.memory_space<vmem_shared>> -> memref<5128x128xf32, #tpu.memory_space<vmem_shared>>
        tpu.enqueue_indirect_dma source(%dma_start3A_55 : memref<5128x128xf32, #tpu.memory_space<vmem_shared>>) target(%arg11 : memref<64x128xf32, #tpu.memory_space<vmem>>) offsets(%dma_start3A_52 : memref<64xi32, #tpu.memory_space<vmem>>) semaphore(%run_scoped3A : memref<!tpu.dma_semaphore, #tpu.memory_space<semaphore_mem>>)
        %dma_wait3A = arith.constant 0 : i32
        %dma_wait3A_56 = tpu.memref_slice %arg10[%scan3A_44, %dma_wait3A] : memref<5x64xi32, #tpu.memory_space<vmem>> -> memref<1x64xi32, #tpu.memory_space<vmem>>
        %dma_wait3A_57 = tpu.memref_squeeze %dma_wait3A_56 : memref<1x64xi32, #tpu.memory_space<vmem>> -> memref<64xi32, #tpu.memory_space<vmem>>
        %dma_wait3A_58 = arith.constant 0 : i32
        %dma_wait3A_59 = arith.constant 0 : i32
        %dma_wait3A_60 = tpu.memref_slice %arg12[%dma_wait3A_58, %dma_wait3A_59] : memref<5128x128xf32, #tpu.memory_space<vmem_shared>> -> memref<5128x128xf32, #tpu.memory_space<vmem_shared>>
        tpu.wait_indirect_dma semaphore(%run_scoped3A : memref<!tpu.dma_semaphore, #tpu.memory_space<semaphore_mem>>) src(%dma_wait3A_60 : memref<5128x128xf32, #tpu.memory_space<vmem_shared>>) dst(%arg11 : memref<64x128xf32, #tpu.memory_space<vmem>>)
        tpu.yield
      }) : () -> ()
      %mul3A_46 = arith.constant 320 : i32
      %mul3A_47 = arith.muli %arg1, %mul3A_46 : i32
      %mul3A_48 = arith.constant 64 : i32
      %mul3A_49 = arith.muli %scan3A_44, %mul3A_48 : i32
      %add3A = arith.addi %mul3A_47, %mul3A_49 : i32
      "tpu.region"() ({
        %run_scoped3A = tpu.sem_alloc : memref<!tpu.dma_semaphore, #tpu.memory_space<semaphore_mem>>
        %dma_start3A = arith.constant 0 : i32
        %dma_start3A_51 = tpu.memref_slice %arg5[%arg0, %add3A, %dma_start3A] : memref<2x5120x128xf32, #tpu.memory_space<hbm>> -> memref<1x64x128xf32, #tpu.memory_space<hbm>>
        %dma_start3A_52 = tpu.memref_squeeze %dma_start3A_51 : memref<1x64x128xf32, #tpu.memory_space<hbm>> -> memref<64x128xf32, #tpu.memory_space<hbm>>
        %dma_start3A_53 = arith.constant 0 : i32
        %dma_start3A_54 = tpu.memref_slice %arg5[%arg0, %add3A, %dma_start3A_53] : memref<2x5120x128xf32, #tpu.memory_space<hbm>> -> memref<1x64x128xf32, #tpu.memory_space<hbm>>
        %dma_start3A_55 = tpu.memref_squeeze %dma_start3A_54 : memref<1x64x128xf32, #tpu.memory_space<hbm>> -> memref<64x128xf32, #tpu.memory_space<hbm>>
        tpu.enqueue_dma source(%arg11 : memref<64x128xf32, #tpu.memory_space<vmem>>) target(%dma_start3A_55 : memref<64x128xf32, #tpu.memory_space<hbm>>) target_semaphore(%run_scoped3A : memref<!tpu.dma_semaphore, #tpu.memory_space<semaphore_mem>>)
        %dma_wait3A = arith.constant 0 : i32
        %dma_wait3A_56 = tpu.memref_slice %arg5[%arg0, %add3A, %dma_wait3A] : memref<2x5120x128xf32, #tpu.memory_space<hbm>> -> memref<1x64x128xf32, #tpu.memory_space<hbm>>
        %dma_wait3A_57 = tpu.memref_squeeze %dma_wait3A_56 : memref<1x64x128xf32, #tpu.memory_space<hbm>> -> memref<64x128xf32, #tpu.memory_space<hbm>>
        %dma_wait3A_58 = arith.constant 0 : i32
        %dma_wait3A_59 = tpu.memref_slice %arg5[%arg0, %add3A, %dma_wait3A_58] : memref<2x5120x128xf32, #tpu.memory_space<hbm>> -> memref<1x64x128xf32, #tpu.memory_space<hbm>>
        %dma_wait3A_60 = tpu.memref_squeeze %dma_wait3A_59 : memref<1x64x128xf32, #tpu.memory_space<hbm>> -> memref<64x128xf32, #tpu.memory_space<hbm>>
        tpu.wait_dma2 semaphore(%run_scoped3A : memref<!tpu.dma_semaphore, #tpu.memory_space<semaphore_mem>>) src(%arg11 : memref<64x128xf32, #tpu.memory_space<vmem>>) dst(%dma_wait3A_60 : memref<64x128xf32, #tpu.memory_space<hbm>>)
        tpu.yield
      }) : () -> ()
      %scan3A_50 = arith.constant 0 : i32
      scf.yield %scan3A_50 : i32
    }
    %scan3A_43 = arith.constant 5 : i32
    return
  }
}

#map = affine_map<(d0, d1) -> (0, 0, 0)>
module attributes {stable_mosaic.version = 14 : i64} {
  func.func @_deg_sc_body(%arg0: i32, %arg1: i32, %arg2: memref<16x160x128xi32, #tpu.memory_space<hbm>>, %arg3: memref<2x5120x16xf32, #tpu.memory_space<hbm>>, %arg4: memref<160x128xi32, #tpu.memory_space<vmem>>, %arg5: memref<128x16xf32, #tpu.memory_space<vmem>>, %arg6: memref<64x16xf32, #tpu.memory_space<vmem>>, %arg7: memref<5x64xi32, #tpu.memory_space<vmem>>, %arg8: memref<64x16xf32, #tpu.memory_space<vmem>>, %arg9: memref<5128x16xf32, #tpu.memory_space<vmem_shared>>) attributes {dimension_semantics = [#tpu.dimension_semantics<core_parallel>, #tpu.dimension_semantics<subcore_parallel>], iteration_bounds = array<i64: 2, 16>, scalar_prefetch = 0 : i64, scratch_operands = 6 : i64, tpu.core_type = #tpu.core_type<sc_vector_subcore>, window_params = [{transform_indices = #map}, {transform_indices = #map}]} {
    %mul3A = arith.constant 5120 : i32
    %mul3A_0 = arith.muli %arg0, %mul3A : i32
    %broadcast_in_dim3A = arith.constant 1.000000e+00 : f32
    %broadcast_in_dim3A_1 = vector.broadcast %broadcast_in_dim3A : f32 to vector<16xf32>
    %broadcast_in_dim3A_2 = arith.constant 0.000000e+00 : f32
    %broadcast_in_dim3A_3 = vector.broadcast %broadcast_in_dim3A_2 : f32 to vector<16xf32>
    %iota3A = tpu.iota {dimensions = array<i32: 0>} : vector<16xi32>
    %scan3A = arith.constant 0 : i32
    %scan3A_4 = arith.constant 0 : i32
    %scan3A_5 = arith.constant 128 : i32
    %scan3A_6 = arith.addi %scan3A_4, %scan3A_5 : i32
    %scan3A_7 = arith.constant 1 : i32
    %scan3A_8 = scf.for %scan3A_429 = %scan3A_4 to %scan3A_6 step %scan3A_7 iter_args(%scan3A_430 = %scan3A) -> (i32)  : i32 {
      %swap3A_431 = arith.index_cast %scan3A_429 : i32 to index
      %swap3A_432 = arith.constant 0 : index
      %swap3A_433 = tpu.vector_load %arg5[%swap3A_431, %swap3A_432] {strides = array<i32>} : memref<128x16xf32, #tpu.memory_space<vmem>>, vector<1x16xf32>,
      %swap3A_434 = vector.shape_cast %swap3A_433 : vector<1x16xf32> to vector<16xf32>
      %swap3A_435 = vector.shape_cast %broadcast_in_dim3A_1 : vector<16xf32> to vector<1x16xf32>
      tpu.vector_store %arg5[%swap3A_431, %swap3A_432], %swap3A_435 {strides = array<i32>} : memref<128x16xf32, #tpu.memory_space<vmem>>, vector<1x16xf32>,
      %scan3A_436 = arith.constant 0 : i32
      scf.yield %scan3A_436 : i32
    }
    %scan3A_9 = arith.constant 128 : i32
    %swap3A = arith.constant 0 : i32
    %swap3A_10 = arith.index_cast %swap3A : i32 to index
    %swap3A_11 = arith.constant 0 : index
    %swap3A_12 = tpu.vector_load %arg6[%swap3A_10, %swap3A_11] {strides = array<i32>} : memref<64x16xf32, #tpu.memory_space<vmem>>, vector<1x16xf32>,
    %swap3A_13 = vector.shape_cast %swap3A_12 : vector<1x16xf32> to vector<16xf32>
    %swap3A_14 = vector.shape_cast %broadcast_in_dim3A_3 : vector<16xf32> to vector<1x16xf32>
    tpu.vector_store %arg6[%swap3A_10, %swap3A_11], %swap3A_14 {strides = array<i32>} : memref<64x16xf32, #tpu.memory_space<vmem>>, vector<1x16xf32>,
    %swap3A_15 = arith.constant 1 : i32
    %swap3A_16 = arith.index_cast %swap3A_15 : i32 to index
    %swap3A_17 = arith.constant 0 : index
    %swap3A_18 = tpu.vector_load %arg6[%swap3A_16, %swap3A_17] {strides = array<i32>} : memref<64x16xf32, #tpu.memory_space<vmem>>, vector<1x16xf32>,
    %swap3A_19 = vector.shape_cast %swap3A_18 : vector<1x16xf32> to vector<16xf32>
    %swap3A_20 = vector.shape_cast %broadcast_in_dim3A_3 : vector<16xf32> to vector<1x16xf32>
    tpu.vector_store %arg6[%swap3A_16, %swap3A_17], %swap3A_20 {strides = array<i32>} : memref<64x16xf32, #tpu.memory_space<vmem>>, vector<1x16xf32>,
    %swap3A_21 = arith.constant 2 : i32
    %swap3A_22 = arith.index_cast %swap3A_21 : i32 to index
    %swap3A_23 = arith.constant 0 : index
    %swap3A_24 = tpu.vector_load %arg6[%swap3A_22, %swap3A_23] {strides = array<i32>} : memref<64x16xf32, #tpu.memory_space<vmem>>, vector<1x16xf32>,
    %swap3A_25 = vector.shape_cast %swap3A_24 : vector<1x16xf32> to vector<16xf32>
    %swap3A_26 = vector.shape_cast %broadcast_in_dim3A_3 : vector<16xf32> to vector<1x16xf32>
    tpu.vector_store %arg6[%swap3A_22, %swap3A_23], %swap3A_26 {strides = array<i32>} : memref<64x16xf32, #tpu.memory_space<vmem>>, vector<1x16xf32>,
    %swap3A_27 = arith.constant 3 : i32
    %swap3A_28 = arith.index_cast %swap3A_27 : i32 to index
    %swap3A_29 = arith.constant 0 : index
    %swap3A_30 = tpu.vector_load %arg6[%swap3A_28, %swap3A_29] {strides = array<i32>} : memref<64x16xf32, #tpu.memory_space<vmem>>, vector<1x16xf32>,
    %swap3A_31 = vector.shape_cast %swap3A_30 : vector<1x16xf32> to vector<16xf32>
    %swap3A_32 = vector.shape_cast %broadcast_in_dim3A_3 : vector<16xf32> to vector<1x16xf32>
    tpu.vector_store %arg6[%swap3A_28, %swap3A_29], %swap3A_32 {strides = array<i32>} : memref<64x16xf32, #tpu.memory_space<vmem>>, vector<1x16xf32>,
    %swap3A_33 = arith.constant 4 : i32
    %swap3A_34 = arith.index_cast %swap3A_33 : i32 to index
    %swap3A_35 = arith.constant 0 : index
    %swap3A_36 = tpu.vector_load %arg6[%swap3A_34, %swap3A_35] {strides = array<i32>} : memref<64x16xf32, #tpu.memory_space<vmem>>, vector<1x16xf32>,
    %swap3A_37 = vector.shape_cast %swap3A_36 : vector<1x16xf32> to vector<16xf32>
    %swap3A_38 = vector.shape_cast %broadcast_in_dim3A_3 : vector<16xf32> to vector<1x16xf32>
    tpu.vector_store %arg6[%swap3A_34, %swap3A_35], %swap3A_38 {strides = array<i32>} : memref<64x16xf32, #tpu.memory_space<vmem>>, vector<1x16xf32>,
    %swap3A_39 = arith.constant 5 : i32
    %swap3A_40 = arith.index_cast %swap3A_39 : i32 to index
    %swap3A_41 = arith.constant 0 : index
    %swap3A_42 = tpu.vector_load %arg6[%swap3A_40, %swap3A_41] {strides = array<i32>} : memref<64x16xf32, #tpu.memory_space<vmem>>, vector<1x16xf32>,
    %swap3A_43 = vector.shape_cast %swap3A_42 : vector<1x16xf32> to vector<16xf32>
    %swap3A_44 = vector.shape_cast %broadcast_in_dim3A_3 : vector<16xf32> to vector<1x16xf32>
    tpu.vector_store %arg6[%swap3A_40, %swap3A_41], %swap3A_44 {strides = array<i32>} : memref<64x16xf32, #tpu.memory_space<vmem>>, vector<1x16xf32>,
    %swap3A_45 = arith.constant 6 : i32
    %swap3A_46 = arith.index_cast %swap3A_45 : i32 to index
    %swap3A_47 = arith.constant 0 : index
    %swap3A_48 = tpu.vector_load %arg6[%swap3A_46, %swap3A_47] {strides = array<i32>} : memref<64x16xf32, #tpu.memory_space<vmem>>, vector<1x16xf32>,
    %swap3A_49 = vector.shape_cast %swap3A_48 : vector<1x16xf32> to vector<16xf32>
    %swap3A_50 = vector.shape_cast %broadcast_in_dim3A_3 : vector<16xf32> to vector<1x16xf32>
    tpu.vector_store %arg6[%swap3A_46, %swap3A_47], %swap3A_50 {strides = array<i32>} : memref<64x16xf32, #tpu.memory_space<vmem>>, vector<1x16xf32>,
    %swap3A_51 = arith.constant 7 : i32
    %swap3A_52 = arith.index_cast %swap3A_51 : i32 to index
    %swap3A_53 = arith.constant 0 : index
    %swap3A_54 = tpu.vector_load %arg6[%swap3A_52, %swap3A_53] {strides = array<i32>} : memref<64x16xf32, #tpu.memory_space<vmem>>, vector<1x16xf32>,
    %swap3A_55 = vector.shape_cast %swap3A_54 : vector<1x16xf32> to vector<16xf32>
    %swap3A_56 = vector.shape_cast %broadcast_in_dim3A_3 : vector<16xf32> to vector<1x16xf32>
    tpu.vector_store %arg6[%swap3A_52, %swap3A_53], %swap3A_56 {strides = array<i32>} : memref<64x16xf32, #tpu.memory_space<vmem>>, vector<1x16xf32>,
    %swap3A_57 = arith.constant 8 : i32
    %swap3A_58 = arith.index_cast %swap3A_57 : i32 to index
    %swap3A_59 = arith.constant 0 : index
    %swap3A_60 = tpu.vector_load %arg6[%swap3A_58, %swap3A_59] {strides = array<i32>} : memref<64x16xf32, #tpu.memory_space<vmem>>, vector<1x16xf32>,
    %swap3A_61 = vector.shape_cast %swap3A_60 : vector<1x16xf32> to vector<16xf32>
    %swap3A_62 = vector.shape_cast %broadcast_in_dim3A_3 : vector<16xf32> to vector<1x16xf32>
    tpu.vector_store %arg6[%swap3A_58, %swap3A_59], %swap3A_62 {strides = array<i32>} : memref<64x16xf32, #tpu.memory_space<vmem>>, vector<1x16xf32>,
    %swap3A_63 = arith.constant 9 : i32
    %swap3A_64 = arith.index_cast %swap3A_63 : i32 to index
    %swap3A_65 = arith.constant 0 : index
    %swap3A_66 = tpu.vector_load %arg6[%swap3A_64, %swap3A_65] {strides = array<i32>} : memref<64x16xf32, #tpu.memory_space<vmem>>, vector<1x16xf32>,
    %swap3A_67 = vector.shape_cast %swap3A_66 : vector<1x16xf32> to vector<16xf32>
    %swap3A_68 = vector.shape_cast %broadcast_in_dim3A_3 : vector<16xf32> to vector<1x16xf32>
    tpu.vector_store %arg6[%swap3A_64, %swap3A_65], %swap3A_68 {strides = array<i32>} : memref<64x16xf32, #tpu.memory_space<vmem>>, vector<1x16xf32>,
    %swap3A_69 = arith.constant 10 : i32
    %swap3A_70 = arith.index_cast %swap3A_69 : i32 to index
    %swap3A_71 = arith.constant 0 : index
    %swap3A_72 = tpu.vector_load %arg6[%swap3A_70, %swap3A_71] {strides = array<i32>} : memref<64x16xf32, #tpu.memory_space<vmem>>, vector<1x16xf32>,
    %swap3A_73 = vector.shape_cast %swap3A_72 : vector<1x16xf32> to vector<16xf32>
    %swap3A_74 = vector.shape_cast %broadcast_in_dim3A_3 : vector<16xf32> to vector<1x16xf32>
    tpu.vector_store %arg6[%swap3A_70, %swap3A_71], %swap3A_74 {strides = array<i32>} : memref<64x16xf32, #tpu.memory_space<vmem>>, vector<1x16xf32>,
    %swap3A_75 = arith.constant 11 : i32
    %swap3A_76 = arith.index_cast %swap3A_75 : i32 to index
    %swap3A_77 = arith.constant 0 : index
    %swap3A_78 = tpu.vector_load %arg6[%swap3A_76, %swap3A_77] {strides = array<i32>} : memref<64x16xf32, #tpu.memory_space<vmem>>, vector<1x16xf32>,
    %swap3A_79 = vector.shape_cast %swap3A_78 : vector<1x16xf32> to vector<16xf32>
    %swap3A_80 = vector.shape_cast %broadcast_in_dim3A_3 : vector<16xf32> to vector<1x16xf32>
    tpu.vector_store %arg6[%swap3A_76, %swap3A_77], %swap3A_80 {strides = array<i32>} : memref<64x16xf32, #tpu.memory_space<vmem>>, vector<1x16xf32>,
    %swap3A_81 = arith.constant 12 : i32
    %swap3A_82 = arith.index_cast %swap3A_81 : i32 to index
    %swap3A_83 = arith.constant 0 : index
    %swap3A_84 = tpu.vector_load %arg6[%swap3A_82, %swap3A_83] {strides = array<i32>} : memref<64x16xf32, #tpu.memory_space<vmem>>, vector<1x16xf32>,
    %swap3A_85 = vector.shape_cast %swap3A_84 : vector<1x16xf32> to vector<16xf32>
    %swap3A_86 = vector.shape_cast %broadcast_in_dim3A_3 : vector<16xf32> to vector<1x16xf32>
    tpu.vector_store %arg6[%swap3A_82, %swap3A_83], %swap3A_86 {strides = array<i32>} : memref<64x16xf32, #tpu.memory_space<vmem>>, vector<1x16xf32>,
    %swap3A_87 = arith.constant 13 : i32
    %swap3A_88 = arith.index_cast %swap3A_87 : i32 to index
    %swap3A_89 = arith.constant 0 : index
    %swap3A_90 = tpu.vector_load %arg6[%swap3A_88, %swap3A_89] {strides = array<i32>} : memref<64x16xf32, #tpu.memory_space<vmem>>, vector<1x16xf32>,
    %swap3A_91 = vector.shape_cast %swap3A_90 : vector<1x16xf32> to vector<16xf32>
    %swap3A_92 = vector.shape_cast %broadcast_in_dim3A_3 : vector<16xf32> to vector<1x16xf32>
    tpu.vector_store %arg6[%swap3A_88, %swap3A_89], %swap3A_92 {strides = array<i32>} : memref<64x16xf32, #tpu.memory_space<vmem>>, vector<1x16xf32>,
    %swap3A_93 = arith.constant 14 : i32
    %swap3A_94 = arith.index_cast %swap3A_93 : i32 to index
    %swap3A_95 = arith.constant 0 : index
    %swap3A_96 = tpu.vector_load %arg6[%swap3A_94, %swap3A_95] {strides = array<i32>} : memref<64x16xf32, #tpu.memory_space<vmem>>, vector<1x16xf32>,
    %swap3A_97 = vector.shape_cast %swap3A_96 : vector<1x16xf32> to vector<16xf32>
    %swap3A_98 = vector.shape_cast %broadcast_in_dim3A_3 : vector<16xf32> to vector<1x16xf32>
    tpu.vector_store %arg6[%swap3A_94, %swap3A_95], %swap3A_98 {strides = array<i32>} : memref<64x16xf32, #tpu.memory_space<vmem>>, vector<1x16xf32>,
    %swap3A_99 = arith.constant 15 : i32
    %swap3A_100 = arith.index_cast %swap3A_99 : i32 to index
    %swap3A_101 = arith.constant 0 : index
    %swap3A_102 = tpu.vector_load %arg6[%swap3A_100, %swap3A_101] {strides = array<i32>} : memref<64x16xf32, #tpu.memory_space<vmem>>, vector<1x16xf32>,
    %swap3A_103 = vector.shape_cast %swap3A_102 : vector<1x16xf32> to vector<16xf32>
    %swap3A_104 = vector.shape_cast %broadcast_in_dim3A_3 : vector<16xf32> to vector<1x16xf32>
    tpu.vector_store %arg6[%swap3A_100, %swap3A_101], %swap3A_104 {strides = array<i32>} : memref<64x16xf32, #tpu.memory_space<vmem>>, vector<1x16xf32>,
    %swap3A_105 = arith.constant 16 : i32
    %swap3A_106 = arith.index_cast %swap3A_105 : i32 to index
    %swap3A_107 = arith.constant 0 : index
    %swap3A_108 = tpu.vector_load %arg6[%swap3A_106, %swap3A_107] {strides = array<i32>} : memref<64x16xf32, #tpu.memory_space<vmem>>, vector<1x16xf32>,
    %swap3A_109 = vector.shape_cast %swap3A_108 : vector<1x16xf32> to vector<16xf32>
    %swap3A_110 = vector.shape_cast %broadcast_in_dim3A_3 : vector<16xf32> to vector<1x16xf32>
    tpu.vector_store %arg6[%swap3A_106, %swap3A_107], %swap3A_110 {strides = array<i32>} : memref<64x16xf32, #tpu.memory_space<vmem>>, vector<1x16xf32>,
    %swap3A_111 = arith.constant 17 : i32
    %swap3A_112 = arith.index_cast %swap3A_111 : i32 to index
    %swap3A_113 = arith.constant 0 : index
    %swap3A_114 = tpu.vector_load %arg6[%swap3A_112, %swap3A_113] {strides = array<i32>} : memref<64x16xf32, #tpu.memory_space<vmem>>, vector<1x16xf32>,
    %swap3A_115 = vector.shape_cast %swap3A_114 : vector<1x16xf32> to vector<16xf32>
    %swap3A_116 = vector.shape_cast %broadcast_in_dim3A_3 : vector<16xf32> to vector<1x16xf32>
    tpu.vector_store %arg6[%swap3A_112, %swap3A_113], %swap3A_116 {strides = array<i32>} : memref<64x16xf32, #tpu.memory_space<vmem>>, vector<1x16xf32>,
    %swap3A_117 = arith.constant 18 : i32
    %swap3A_118 = arith.index_cast %swap3A_117 : i32 to index
    %swap3A_119 = arith.constant 0 : index
    %swap3A_120 = tpu.vector_load %arg6[%swap3A_118, %swap3A_119] {strides = array<i32>} : memref<64x16xf32, #tpu.memory_space<vmem>>, vector<1x16xf32>,
    %swap3A_121 = vector.shape_cast %swap3A_120 : vector<1x16xf32> to vector<16xf32>
    %swap3A_122 = vector.shape_cast %broadcast_in_dim3A_3 : vector<16xf32> to vector<1x16xf32>
    tpu.vector_store %arg6[%swap3A_118, %swap3A_119], %swap3A_122 {strides = array<i32>} : memref<64x16xf32, #tpu.memory_space<vmem>>, vector<1x16xf32>,
    %swap3A_123 = arith.constant 19 : i32
    %swap3A_124 = arith.index_cast %swap3A_123 : i32 to index
    %swap3A_125 = arith.constant 0 : index
    %swap3A_126 = tpu.vector_load %arg6[%swap3A_124, %swap3A_125] {strides = array<i32>} : memref<64x16xf32, #tpu.memory_space<vmem>>, vector<1x16xf32>,
    %swap3A_127 = vector.shape_cast %swap3A_126 : vector<1x16xf32> to vector<16xf32>
    %swap3A_128 = vector.shape_cast %broadcast_in_dim3A_3 : vector<16xf32> to vector<1x16xf32>
    tpu.vector_store %arg6[%swap3A_124, %swap3A_125], %swap3A_128 {strides = array<i32>} : memref<64x16xf32, #tpu.memory_space<vmem>>, vector<1x16xf32>,
    %swap3A_129 = arith.constant 20 : i32
    %swap3A_130 = arith.index_cast %swap3A_129 : i32 to index
    %swap3A_131 = arith.constant 0 : index
    %swap3A_132 = tpu.vector_load %arg6[%swap3A_130, %swap3A_131] {strides = array<i32>} : memref<64x16xf32, #tpu.memory_space<vmem>>, vector<1x16xf32>,
    %swap3A_133 = vector.shape_cast %swap3A_132 : vector<1x16xf32> to vector<16xf32>
    %swap3A_134 = vector.shape_cast %broadcast_in_dim3A_3 : vector<16xf32> to vector<1x16xf32>
    tpu.vector_store %arg6[%swap3A_130, %swap3A_131], %swap3A_134 {strides = array<i32>} : memref<64x16xf32, #tpu.memory_space<vmem>>, vector<1x16xf32>,
    %swap3A_135 = arith.constant 21 : i32
    %swap3A_136 = arith.index_cast %swap3A_135 : i32 to index
    %swap3A_137 = arith.constant 0 : index
    %swap3A_138 = tpu.vector_load %arg6[%swap3A_136, %swap3A_137] {strides = array<i32>} : memref<64x16xf32, #tpu.memory_space<vmem>>, vector<1x16xf32>,
    %swap3A_139 = vector.shape_cast %swap3A_138 : vector<1x16xf32> to vector<16xf32>
    %swap3A_140 = vector.shape_cast %broadcast_in_dim3A_3 : vector<16xf32> to vector<1x16xf32>
    tpu.vector_store %arg6[%swap3A_136, %swap3A_137], %swap3A_140 {strides = array<i32>} : memref<64x16xf32, #tpu.memory_space<vmem>>, vector<1x16xf32>,
    %swap3A_141 = arith.constant 22 : i32
    %swap3A_142 = arith.index_cast %swap3A_141 : i32 to index
    %swap3A_143 = arith.constant 0 : index
    %swap3A_144 = tpu.vector_load %arg6[%swap3A_142, %swap3A_143] {strides = array<i32>} : memref<64x16xf32, #tpu.memory_space<vmem>>, vector<1x16xf32>,
    %swap3A_145 = vector.shape_cast %swap3A_144 : vector<1x16xf32> to vector<16xf32>
    %swap3A_146 = vector.shape_cast %broadcast_in_dim3A_3 : vector<16xf32> to vector<1x16xf32>
    tpu.vector_store %arg6[%swap3A_142, %swap3A_143], %swap3A_146 {strides = array<i32>} : memref<64x16xf32, #tpu.memory_space<vmem>>, vector<1x16xf32>,
    %swap3A_147 = arith.constant 23 : i32
    %swap3A_148 = arith.index_cast %swap3A_147 : i32 to index
    %swap3A_149 = arith.constant 0 : index
    %swap3A_150 = tpu.vector_load %arg6[%swap3A_148, %swap3A_149] {strides = array<i32>} : memref<64x16xf32, #tpu.memory_space<vmem>>, vector<1x16xf32>,
    %swap3A_151 = vector.shape_cast %swap3A_150 : vector<1x16xf32> to vector<16xf32>
    %swap3A_152 = vector.shape_cast %broadcast_in_dim3A_3 : vector<16xf32> to vector<1x16xf32>
    tpu.vector_store %arg6[%swap3A_148, %swap3A_149], %swap3A_152 {strides = array<i32>} : memref<64x16xf32, #tpu.memory_space<vmem>>, vector<1x16xf32>,
    %swap3A_153 = arith.constant 24 : i32
    %swap3A_154 = arith.index_cast %swap3A_153 : i32 to index
    %swap3A_155 = arith.constant 0 : index
    %swap3A_156 = tpu.vector_load %arg6[%swap3A_154, %swap3A_155] {strides = array<i32>} : memref<64x16xf32, #tpu.memory_space<vmem>>, vector<1x16xf32>,
    %swap3A_157 = vector.shape_cast %swap3A_156 : vector<1x16xf32> to vector<16xf32>
    %swap3A_158 = vector.shape_cast %broadcast_in_dim3A_3 : vector<16xf32> to vector<1x16xf32>
    tpu.vector_store %arg6[%swap3A_154, %swap3A_155], %swap3A_158 {strides = array<i32>} : memref<64x16xf32, #tpu.memory_space<vmem>>, vector<1x16xf32>,
    %swap3A_159 = arith.constant 25 : i32
    %swap3A_160 = arith.index_cast %swap3A_159 : i32 to index
    %swap3A_161 = arith.constant 0 : index
    %swap3A_162 = tpu.vector_load %arg6[%swap3A_160, %swap3A_161] {strides = array<i32>} : memref<64x16xf32, #tpu.memory_space<vmem>>, vector<1x16xf32>,
    %swap3A_163 = vector.shape_cast %swap3A_162 : vector<1x16xf32> to vector<16xf32>
    %swap3A_164 = vector.shape_cast %broadcast_in_dim3A_3 : vector<16xf32> to vector<1x16xf32>
    tpu.vector_store %arg6[%swap3A_160, %swap3A_161], %swap3A_164 {strides = array<i32>} : memref<64x16xf32, #tpu.memory_space<vmem>>, vector<1x16xf32>,
    %swap3A_165 = arith.constant 26 : i32
    %swap3A_166 = arith.index_cast %swap3A_165 : i32 to index
    %swap3A_167 = arith.constant 0 : index
    %swap3A_168 = tpu.vector_load %arg6[%swap3A_166, %swap3A_167] {strides = array<i32>} : memref<64x16xf32, #tpu.memory_space<vmem>>, vector<1x16xf32>,
    %swap3A_169 = vector.shape_cast %swap3A_168 : vector<1x16xf32> to vector<16xf32>
    %swap3A_170 = vector.shape_cast %broadcast_in_dim3A_3 : vector<16xf32> to vector<1x16xf32>
    tpu.vector_store %arg6[%swap3A_166, %swap3A_167], %swap3A_170 {strides = array<i32>} : memref<64x16xf32, #tpu.memory_space<vmem>>, vector<1x16xf32>,
    %swap3A_171 = arith.constant 27 : i32
    %swap3A_172 = arith.index_cast %swap3A_171 : i32 to index
    %swap3A_173 = arith.constant 0 : index
    %swap3A_174 = tpu.vector_load %arg6[%swap3A_172, %swap3A_173] {strides = array<i32>} : memref<64x16xf32, #tpu.memory_space<vmem>>, vector<1x16xf32>,
    %swap3A_175 = vector.shape_cast %swap3A_174 : vector<1x16xf32> to vector<16xf32>
    %swap3A_176 = vector.shape_cast %broadcast_in_dim3A_3 : vector<16xf32> to vector<1x16xf32>
    tpu.vector_store %arg6[%swap3A_172, %swap3A_173], %swap3A_176 {strides = array<i32>} : memref<64x16xf32, #tpu.memory_space<vmem>>, vector<1x16xf32>,
    %swap3A_177 = arith.constant 28 : i32
    %swap3A_178 = arith.index_cast %swap3A_177 : i32 to index
    %swap3A_179 = arith.constant 0 : index
    %swap3A_180 = tpu.vector_load %arg6[%swap3A_178, %swap3A_179] {strides = array<i32>} : memref<64x16xf32, #tpu.memory_space<vmem>>, vector<1x16xf32>,
    %swap3A_181 = vector.shape_cast %swap3A_180 : vector<1x16xf32> to vector<16xf32>
    %swap3A_182 = vector.shape_cast %broadcast_in_dim3A_3 : vector<16xf32> to vector<1x16xf32>
    tpu.vector_store %arg6[%swap3A_178, %swap3A_179], %swap3A_182 {strides = array<i32>} : memref<64x16xf32, #tpu.memory_space<vmem>>, vector<1x16xf32>,
    %swap3A_183 = arith.constant 29 : i32
    %swap3A_184 = arith.index_cast %swap3A_183 : i32 to index
    %swap3A_185 = arith.constant 0 : index
    %swap3A_186 = tpu.vector_load %arg6[%swap3A_184, %swap3A_185] {strides = array<i32>} : memref<64x16xf32, #tpu.memory_space<vmem>>, vector<1x16xf32>,
    %swap3A_187 = vector.shape_cast %swap3A_186 : vector<1x16xf32> to vector<16xf32>
    %swap3A_188 = vector.shape_cast %broadcast_in_dim3A_3 : vector<16xf32> to vector<1x16xf32>
    tpu.vector_store %arg6[%swap3A_184, %swap3A_185], %swap3A_188 {strides = array<i32>} : memref<64x16xf32, #tpu.memory_space<vmem>>, vector<1x16xf32>,
    %swap3A_189 = arith.constant 30 : i32
    %swap3A_190 = arith.index_cast %swap3A_189 : i32 to index
    %swap3A_191 = arith.constant 0 : index
    %swap3A_192 = tpu.vector_load %arg6[%swap3A_190, %swap3A_191] {strides = array<i32>} : memref<64x16xf32, #tpu.memory_space<vmem>>, vector<1x16xf32>,
    %swap3A_193 = vector.shape_cast %swap3A_192 : vector<1x16xf32> to vector<16xf32>
    %swap3A_194 = vector.shape_cast %broadcast_in_dim3A_3 : vector<16xf32> to vector<1x16xf32>
    tpu.vector_store %arg6[%swap3A_190, %swap3A_191], %swap3A_194 {strides = array<i32>} : memref<64x16xf32, #tpu.memory_space<vmem>>, vector<1x16xf32>,
    %swap3A_195 = arith.constant 31 : i32
    %swap3A_196 = arith.index_cast %swap3A_195 : i32 to index
    %swap3A_197 = arith.constant 0 : index
    %swap3A_198 = tpu.vector_load %arg6[%swap3A_196, %swap3A_197] {strides = array<i32>} : memref<64x16xf32, #tpu.memory_space<vmem>>, vector<1x16xf32>,
    %swap3A_199 = vector.shape_cast %swap3A_198 : vector<1x16xf32> to vector<16xf32>
    %swap3A_200 = vector.shape_cast %broadcast_in_dim3A_3 : vector<16xf32> to vector<1x16xf32>
    tpu.vector_store %arg6[%swap3A_196, %swap3A_197], %swap3A_200 {strides = array<i32>} : memref<64x16xf32, #tpu.memory_space<vmem>>, vector<1x16xf32>,
    %swap3A_201 = arith.constant 32 : i32
    %swap3A_202 = arith.index_cast %swap3A_201 : i32 to index
    %swap3A_203 = arith.constant 0 : index
    %swap3A_204 = tpu.vector_load %arg6[%swap3A_202, %swap3A_203] {strides = array<i32>} : memref<64x16xf32, #tpu.memory_space<vmem>>, vector<1x16xf32>,
    %swap3A_205 = vector.shape_cast %swap3A_204 : vector<1x16xf32> to vector<16xf32>
    %swap3A_206 = vector.shape_cast %broadcast_in_dim3A_3 : vector<16xf32> to vector<1x16xf32>
    tpu.vector_store %arg6[%swap3A_202, %swap3A_203], %swap3A_206 {strides = array<i32>} : memref<64x16xf32, #tpu.memory_space<vmem>>, vector<1x16xf32>,
    %swap3A_207 = arith.constant 33 : i32
    %swap3A_208 = arith.index_cast %swap3A_207 : i32 to index
    %swap3A_209 = arith.constant 0 : index
    %swap3A_210 = tpu.vector_load %arg6[%swap3A_208, %swap3A_209] {strides = array<i32>} : memref<64x16xf32, #tpu.memory_space<vmem>>, vector<1x16xf32>,
    %swap3A_211 = vector.shape_cast %swap3A_210 : vector<1x16xf32> to vector<16xf32>
    %swap3A_212 = vector.shape_cast %broadcast_in_dim3A_3 : vector<16xf32> to vector<1x16xf32>
    tpu.vector_store %arg6[%swap3A_208, %swap3A_209], %swap3A_212 {strides = array<i32>} : memref<64x16xf32, #tpu.memory_space<vmem>>, vector<1x16xf32>,
    %swap3A_213 = arith.constant 34 : i32
    %swap3A_214 = arith.index_cast %swap3A_213 : i32 to index
    %swap3A_215 = arith.constant 0 : index
    %swap3A_216 = tpu.vector_load %arg6[%swap3A_214, %swap3A_215] {strides = array<i32>} : memref<64x16xf32, #tpu.memory_space<vmem>>, vector<1x16xf32>,
    %swap3A_217 = vector.shape_cast %swap3A_216 : vector<1x16xf32> to vector<16xf32>
    %swap3A_218 = vector.shape_cast %broadcast_in_dim3A_3 : vector<16xf32> to vector<1x16xf32>
    tpu.vector_store %arg6[%swap3A_214, %swap3A_215], %swap3A_218 {strides = array<i32>} : memref<64x16xf32, #tpu.memory_space<vmem>>, vector<1x16xf32>,
    %swap3A_219 = arith.constant 35 : i32
    %swap3A_220 = arith.index_cast %swap3A_219 : i32 to index
    %swap3A_221 = arith.constant 0 : index
    %swap3A_222 = tpu.vector_load %arg6[%swap3A_220, %swap3A_221] {strides = array<i32>} : memref<64x16xf32, #tpu.memory_space<vmem>>, vector<1x16xf32>,
    %swap3A_223 = vector.shape_cast %swap3A_222 : vector<1x16xf32> to vector<16xf32>
    %swap3A_224 = vector.shape_cast %broadcast_in_dim3A_3 : vector<16xf32> to vector<1x16xf32>
    tpu.vector_store %arg6[%swap3A_220, %swap3A_221], %swap3A_224 {strides = array<i32>} : memref<64x16xf32, #tpu.memory_space<vmem>>, vector<1x16xf32>,
    %swap3A_225 = arith.constant 36 : i32
    %swap3A_226 = arith.index_cast %swap3A_225 : i32 to index
    %swap3A_227 = arith.constant 0 : index
    %swap3A_228 = tpu.vector_load %arg6[%swap3A_226, %swap3A_227] {strides = array<i32>} : memref<64x16xf32, #tpu.memory_space<vmem>>, vector<1x16xf32>,
    %swap3A_229 = vector.shape_cast %swap3A_228 : vector<1x16xf32> to vector<16xf32>
    %swap3A_230 = vector.shape_cast %broadcast_in_dim3A_3 : vector<16xf32> to vector<1x16xf32>
    tpu.vector_store %arg6[%swap3A_226, %swap3A_227], %swap3A_230 {strides = array<i32>} : memref<64x16xf32, #tpu.memory_space<vmem>>, vector<1x16xf32>,
    %swap3A_231 = arith.constant 37 : i32
    %swap3A_232 = arith.index_cast %swap3A_231 : i32 to index
    %swap3A_233 = arith.constant 0 : index
    %swap3A_234 = tpu.vector_load %arg6[%swap3A_232, %swap3A_233] {strides = array<i32>} : memref<64x16xf32, #tpu.memory_space<vmem>>, vector<1x16xf32>,
    %swap3A_235 = vector.shape_cast %swap3A_234 : vector<1x16xf32> to vector<16xf32>
    %swap3A_236 = vector.shape_cast %broadcast_in_dim3A_3 : vector<16xf32> to vector<1x16xf32>
    tpu.vector_store %arg6[%swap3A_232, %swap3A_233], %swap3A_236 {strides = array<i32>} : memref<64x16xf32, #tpu.memory_space<vmem>>, vector<1x16xf32>,
    %swap3A_237 = arith.constant 38 : i32
    %swap3A_238 = arith.index_cast %swap3A_237 : i32 to index
    %swap3A_239 = arith.constant 0 : index
    %swap3A_240 = tpu.vector_load %arg6[%swap3A_238, %swap3A_239] {strides = array<i32>} : memref<64x16xf32, #tpu.memory_space<vmem>>, vector<1x16xf32>,
    %swap3A_241 = vector.shape_cast %swap3A_240 : vector<1x16xf32> to vector<16xf32>
    %swap3A_242 = vector.shape_cast %broadcast_in_dim3A_3 : vector<16xf32> to vector<1x16xf32>
    tpu.vector_store %arg6[%swap3A_238, %swap3A_239], %swap3A_242 {strides = array<i32>} : memref<64x16xf32, #tpu.memory_space<vmem>>, vector<1x16xf32>,
    %swap3A_243 = arith.constant 39 : i32
    %swap3A_244 = arith.index_cast %swap3A_243 : i32 to index
    %swap3A_245 = arith.constant 0 : index
    %swap3A_246 = tpu.vector_load %arg6[%swap3A_244, %swap3A_245] {strides = array<i32>} : memref<64x16xf32, #tpu.memory_space<vmem>>, vector<1x16xf32>,
    %swap3A_247 = vector.shape_cast %swap3A_246 : vector<1x16xf32> to vector<16xf32>
    %swap3A_248 = vector.shape_cast %broadcast_in_dim3A_3 : vector<16xf32> to vector<1x16xf32>
    tpu.vector_store %arg6[%swap3A_244, %swap3A_245], %swap3A_248 {strides = array<i32>} : memref<64x16xf32, #tpu.memory_space<vmem>>, vector<1x16xf32>,
    %swap3A_249 = arith.constant 40 : i32
    %swap3A_250 = arith.index_cast %swap3A_249 : i32 to index
    %swap3A_251 = arith.constant 0 : index
    %swap3A_252 = tpu.vector_load %arg6[%swap3A_250, %swap3A_251] {strides = array<i32>} : memref<64x16xf32, #tpu.memory_space<vmem>>, vector<1x16xf32>,
    %swap3A_253 = vector.shape_cast %swap3A_252 : vector<1x16xf32> to vector<16xf32>
    %swap3A_254 = vector.shape_cast %broadcast_in_dim3A_3 : vector<16xf32> to vector<1x16xf32>
    tpu.vector_store %arg6[%swap3A_250, %swap3A_251], %swap3A_254 {strides = array<i32>} : memref<64x16xf32, #tpu.memory_space<vmem>>, vector<1x16xf32>,
    %swap3A_255 = arith.constant 41 : i32
    %swap3A_256 = arith.index_cast %swap3A_255 : i32 to index
    %swap3A_257 = arith.constant 0 : index
    %swap3A_258 = tpu.vector_load %arg6[%swap3A_256, %swap3A_257] {strides = array<i32>} : memref<64x16xf32, #tpu.memory_space<vmem>>, vector<1x16xf32>,
    %swap3A_259 = vector.shape_cast %swap3A_258 : vector<1x16xf32> to vector<16xf32>
    %swap3A_260 = vector.shape_cast %broadcast_in_dim3A_3 : vector<16xf32> to vector<1x16xf32>
    tpu.vector_store %arg6[%swap3A_256, %swap3A_257], %swap3A_260 {strides = array<i32>} : memref<64x16xf32, #tpu.memory_space<vmem>>, vector<1x16xf32>,
    %swap3A_261 = arith.constant 42 : i32
    %swap3A_262 = arith.index_cast %swap3A_261 : i32 to index
    %swap3A_263 = arith.constant 0 : index
    %swap3A_264 = tpu.vector_load %arg6[%swap3A_262, %swap3A_263] {strides = array<i32>} : memref<64x16xf32, #tpu.memory_space<vmem>>, vector<1x16xf32>,
    %swap3A_265 = vector.shape_cast %swap3A_264 : vector<1x16xf32> to vector<16xf32>
    %swap3A_266 = vector.shape_cast %broadcast_in_dim3A_3 : vector<16xf32> to vector<1x16xf32>
    tpu.vector_store %arg6[%swap3A_262, %swap3A_263], %swap3A_266 {strides = array<i32>} : memref<64x16xf32, #tpu.memory_space<vmem>>, vector<1x16xf32>,
    %swap3A_267 = arith.constant 43 : i32
    %swap3A_268 = arith.index_cast %swap3A_267 : i32 to index
    %swap3A_269 = arith.constant 0 : index
    %swap3A_270 = tpu.vector_load %arg6[%swap3A_268, %swap3A_269] {strides = array<i32>} : memref<64x16xf32, #tpu.memory_space<vmem>>, vector<1x16xf32>,
    %swap3A_271 = vector.shape_cast %swap3A_270 : vector<1x16xf32> to vector<16xf32>
    %swap3A_272 = vector.shape_cast %broadcast_in_dim3A_3 : vector<16xf32> to vector<1x16xf32>
    tpu.vector_store %arg6[%swap3A_268, %swap3A_269], %swap3A_272 {strides = array<i32>} : memref<64x16xf32, #tpu.memory_space<vmem>>, vector<1x16xf32>,
    %swap3A_273 = arith.constant 44 : i32
    %swap3A_274 = arith.index_cast %swap3A_273 : i32 to index
    %swap3A_275 = arith.constant 0 : index
    %swap3A_276 = tpu.vector_load %arg6[%swap3A_274, %swap3A_275] {strides = array<i32>} : memref<64x16xf32, #tpu.memory_space<vmem>>, vector<1x16xf32>,
    %swap3A_277 = vector.shape_cast %swap3A_276 : vector<1x16xf32> to vector<16xf32>
    %swap3A_278 = vector.shape_cast %broadcast_in_dim3A_3 : vector<16xf32> to vector<1x16xf32>
    tpu.vector_store %arg6[%swap3A_274, %swap3A_275], %swap3A_278 {strides = array<i32>} : memref<64x16xf32, #tpu.memory_space<vmem>>, vector<1x16xf32>,
    %swap3A_279 = arith.constant 45 : i32
    %swap3A_280 = arith.index_cast %swap3A_279 : i32 to index
    %swap3A_281 = arith.constant 0 : index
    %swap3A_282 = tpu.vector_load %arg6[%swap3A_280, %swap3A_281] {strides = array<i32>} : memref<64x16xf32, #tpu.memory_space<vmem>>, vector<1x16xf32>,
    %swap3A_283 = vector.shape_cast %swap3A_282 : vector<1x16xf32> to vector<16xf32>
    %swap3A_284 = vector.shape_cast %broadcast_in_dim3A_3 : vector<16xf32> to vector<1x16xf32>
    tpu.vector_store %arg6[%swap3A_280, %swap3A_281], %swap3A_284 {strides = array<i32>} : memref<64x16xf32, #tpu.memory_space<vmem>>, vector<1x16xf32>,
    %swap3A_285 = arith.constant 46 : i32
    %swap3A_286 = arith.index_cast %swap3A_285 : i32 to index
    %swap3A_287 = arith.constant 0 : index
    %swap3A_288 = tpu.vector_load %arg6[%swap3A_286, %swap3A_287] {strides = array<i32>} : memref<64x16xf32, #tpu.memory_space<vmem>>, vector<1x16xf32>,
    %swap3A_289 = vector.shape_cast %swap3A_288 : vector<1x16xf32> to vector<16xf32>
    %swap3A_290 = vector.shape_cast %broadcast_in_dim3A_3 : vector<16xf32> to vector<1x16xf32>
    tpu.vector_store %arg6[%swap3A_286, %swap3A_287], %swap3A_290 {strides = array<i32>} : memref<64x16xf32, #tpu.memory_space<vmem>>, vector<1x16xf32>,
    %swap3A_291 = arith.constant 47 : i32
    %swap3A_292 = arith.index_cast %swap3A_291 : i32 to index
    %swap3A_293 = arith.constant 0 : index
    %swap3A_294 = tpu.vector_load %arg6[%swap3A_292, %swap3A_293] {strides = array<i32>} : memref<64x16xf32, #tpu.memory_space<vmem>>, vector<1x16xf32>,
    %swap3A_295 = vector.shape_cast %swap3A_294 : vector<1x16xf32> to vector<16xf32>
    %swap3A_296 = vector.shape_cast %broadcast_in_dim3A_3 : vector<16xf32> to vector<1x16xf32>
    tpu.vector_store %arg6[%swap3A_292, %swap3A_293], %swap3A_296 {strides = array<i32>} : memref<64x16xf32, #tpu.memory_space<vmem>>, vector<1x16xf32>,
    %swap3A_297 = arith.constant 48 : i32
    %swap3A_298 = arith.index_cast %swap3A_297 : i32 to index
    %swap3A_299 = arith.constant 0 : index
    %swap3A_300 = tpu.vector_load %arg6[%swap3A_298, %swap3A_299] {strides = array<i32>} : memref<64x16xf32, #tpu.memory_space<vmem>>, vector<1x16xf32>,
    %swap3A_301 = vector.shape_cast %swap3A_300 : vector<1x16xf32> to vector<16xf32>
    %swap3A_302 = vector.shape_cast %broadcast_in_dim3A_3 : vector<16xf32> to vector<1x16xf32>
    tpu.vector_store %arg6[%swap3A_298, %swap3A_299], %swap3A_302 {strides = array<i32>} : memref<64x16xf32, #tpu.memory_space<vmem>>, vector<1x16xf32>,
    %swap3A_303 = arith.constant 49 : i32
    %swap3A_304 = arith.index_cast %swap3A_303 : i32 to index
    %swap3A_305 = arith.constant 0 : index
    %swap3A_306 = tpu.vector_load %arg6[%swap3A_304, %swap3A_305] {strides = array<i32>} : memref<64x16xf32, #tpu.memory_space<vmem>>, vector<1x16xf32>,
    %swap3A_307 = vector.shape_cast %swap3A_306 : vector<1x16xf32> to vector<16xf32>
    %swap3A_308 = vector.shape_cast %broadcast_in_dim3A_3 : vector<16xf32> to vector<1x16xf32>
    tpu.vector_store %arg6[%swap3A_304, %swap3A_305], %swap3A_308 {strides = array<i32>} : memref<64x16xf32, #tpu.memory_space<vmem>>, vector<1x16xf32>,
    %swap3A_309 = arith.constant 50 : i32
    %swap3A_310 = arith.index_cast %swap3A_309 : i32 to index
    %swap3A_311 = arith.constant 0 : index
    %swap3A_312 = tpu.vector_load %arg6[%swap3A_310, %swap3A_311] {strides = array<i32>} : memref<64x16xf32, #tpu.memory_space<vmem>>, vector<1x16xf32>,
    %swap3A_313 = vector.shape_cast %swap3A_312 : vector<1x16xf32> to vector<16xf32>
    %swap3A_314 = vector.shape_cast %broadcast_in_dim3A_3 : vector<16xf32> to vector<1x16xf32>
    tpu.vector_store %arg6[%swap3A_310, %swap3A_311], %swap3A_314 {strides = array<i32>} : memref<64x16xf32, #tpu.memory_space<vmem>>, vector<1x16xf32>,
    %swap3A_315 = arith.constant 51 : i32
    %swap3A_316 = arith.index_cast %swap3A_315 : i32 to index
    %swap3A_317 = arith.constant 0 : index
    %swap3A_318 = tpu.vector_load %arg6[%swap3A_316, %swap3A_317] {strides = array<i32>} : memref<64x16xf32, #tpu.memory_space<vmem>>, vector<1x16xf32>,
    %swap3A_319 = vector.shape_cast %swap3A_318 : vector<1x16xf32> to vector<16xf32>
    %swap3A_320 = vector.shape_cast %broadcast_in_dim3A_3 : vector<16xf32> to vector<1x16xf32>
    tpu.vector_store %arg6[%swap3A_316, %swap3A_317], %swap3A_320 {strides = array<i32>} : memref<64x16xf32, #tpu.memory_space<vmem>>, vector<1x16xf32>,
    %swap3A_321 = arith.constant 52 : i32
    %swap3A_322 = arith.index_cast %swap3A_321 : i32 to index
    %swap3A_323 = arith.constant 0 : index
    %swap3A_324 = tpu.vector_load %arg6[%swap3A_322, %swap3A_323] {strides = array<i32>} : memref<64x16xf32, #tpu.memory_space<vmem>>, vector<1x16xf32>,
    %swap3A_325 = vector.shape_cast %swap3A_324 : vector<1x16xf32> to vector<16xf32>
    %swap3A_326 = vector.shape_cast %broadcast_in_dim3A_3 : vector<16xf32> to vector<1x16xf32>
    tpu.vector_store %arg6[%swap3A_322, %swap3A_323], %swap3A_326 {strides = array<i32>} : memref<64x16xf32, #tpu.memory_space<vmem>>, vector<1x16xf32>,
    %swap3A_327 = arith.constant 53 : i32
    %swap3A_328 = arith.index_cast %swap3A_327 : i32 to index
    %swap3A_329 = arith.constant 0 : index
    %swap3A_330 = tpu.vector_load %arg6[%swap3A_328, %swap3A_329] {strides = array<i32>} : memref<64x16xf32, #tpu.memory_space<vmem>>, vector<1x16xf32>,
    %swap3A_331 = vector.shape_cast %swap3A_330 : vector<1x16xf32> to vector<16xf32>
    %swap3A_332 = vector.shape_cast %broadcast_in_dim3A_3 : vector<16xf32> to vector<1x16xf32>
    tpu.vector_store %arg6[%swap3A_328, %swap3A_329], %swap3A_332 {strides = array<i32>} : memref<64x16xf32, #tpu.memory_space<vmem>>, vector<1x16xf32>,
    %swap3A_333 = arith.constant 54 : i32
    %swap3A_334 = arith.index_cast %swap3A_333 : i32 to index
    %swap3A_335 = arith.constant 0 : index
    %swap3A_336 = tpu.vector_load %arg6[%swap3A_334, %swap3A_335] {strides = array<i32>} : memref<64x16xf32, #tpu.memory_space<vmem>>, vector<1x16xf32>,
    %swap3A_337 = vector.shape_cast %swap3A_336 : vector<1x16xf32> to vector<16xf32>
    %swap3A_338 = vector.shape_cast %broadcast_in_dim3A_3 : vector<16xf32> to vector<1x16xf32>
    tpu.vector_store %arg6[%swap3A_334, %swap3A_335], %swap3A_338 {strides = array<i32>} : memref<64x16xf32, #tpu.memory_space<vmem>>, vector<1x16xf32>,
    %swap3A_339 = arith.constant 55 : i32
    %swap3A_340 = arith.index_cast %swap3A_339 : i32 to index
    %swap3A_341 = arith.constant 0 : index
    %swap3A_342 = tpu.vector_load %arg6[%swap3A_340, %swap3A_341] {strides = array<i32>} : memref<64x16xf32, #tpu.memory_space<vmem>>, vector<1x16xf32>,
    %swap3A_343 = vector.shape_cast %swap3A_342 : vector<1x16xf32> to vector<16xf32>
    %swap3A_344 = vector.shape_cast %broadcast_in_dim3A_3 : vector<16xf32> to vector<1x16xf32>
    tpu.vector_store %arg6[%swap3A_340, %swap3A_341], %swap3A_344 {strides = array<i32>} : memref<64x16xf32, #tpu.memory_space<vmem>>, vector<1x16xf32>,
    %swap3A_345 = arith.constant 56 : i32
    %swap3A_346 = arith.index_cast %swap3A_345 : i32 to index
    %swap3A_347 = arith.constant 0 : index
    %swap3A_348 = tpu.vector_load %arg6[%swap3A_346, %swap3A_347] {strides = array<i32>} : memref<64x16xf32, #tpu.memory_space<vmem>>, vector<1x16xf32>,
    %swap3A_349 = vector.shape_cast %swap3A_348 : vector<1x16xf32> to vector<16xf32>
    %swap3A_350 = vector.shape_cast %broadcast_in_dim3A_3 : vector<16xf32> to vector<1x16xf32>
    tpu.vector_store %arg6[%swap3A_346, %swap3A_347], %swap3A_350 {strides = array<i32>} : memref<64x16xf32, #tpu.memory_space<vmem>>, vector<1x16xf32>,
    %swap3A_351 = arith.constant 57 : i32
    %swap3A_352 = arith.index_cast %swap3A_351 : i32 to index
    %swap3A_353 = arith.constant 0 : index
    %swap3A_354 = tpu.vector_load %arg6[%swap3A_352, %swap3A_353] {strides = array<i32>} : memref<64x16xf32, #tpu.memory_space<vmem>>, vector<1x16xf32>,
    %swap3A_355 = vector.shape_cast %swap3A_354 : vector<1x16xf32> to vector<16xf32>
    %swap3A_356 = vector.shape_cast %broadcast_in_dim3A_3 : vector<16xf32> to vector<1x16xf32>
    tpu.vector_store %arg6[%swap3A_352, %swap3A_353], %swap3A_356 {strides = array<i32>} : memref<64x16xf32, #tpu.memory_space<vmem>>, vector<1x16xf32>,
    %swap3A_357 = arith.constant 58 : i32
    %swap3A_358 = arith.index_cast %swap3A_357 : i32 to index
    %swap3A_359 = arith.constant 0 : index
    %swap3A_360 = tpu.vector_load %arg6[%swap3A_358, %swap3A_359] {strides = array<i32>} : memref<64x16xf32, #tpu.memory_space<vmem>>, vector<1x16xf32>,
    %swap3A_361 = vector.shape_cast %swap3A_360 : vector<1x16xf32> to vector<16xf32>
    %swap3A_362 = vector.shape_cast %broadcast_in_dim3A_3 : vector<16xf32> to vector<1x16xf32>
    tpu.vector_store %arg6[%swap3A_358, %swap3A_359], %swap3A_362 {strides = array<i32>} : memref<64x16xf32, #tpu.memory_space<vmem>>, vector<1x16xf32>,
    %swap3A_363 = arith.constant 59 : i32
    %swap3A_364 = arith.index_cast %swap3A_363 : i32 to index
    %swap3A_365 = arith.constant 0 : index
    %swap3A_366 = tpu.vector_load %arg6[%swap3A_364, %swap3A_365] {strides = array<i32>} : memref<64x16xf32, #tpu.memory_space<vmem>>, vector<1x16xf32>,
    %swap3A_367 = vector.shape_cast %swap3A_366 : vector<1x16xf32> to vector<16xf32>
    %swap3A_368 = vector.shape_cast %broadcast_in_dim3A_3 : vector<16xf32> to vector<1x16xf32>
    tpu.vector_store %arg6[%swap3A_364, %swap3A_365], %swap3A_368 {strides = array<i32>} : memref<64x16xf32, #tpu.memory_space<vmem>>, vector<1x16xf32>,
    %swap3A_369 = arith.constant 60 : i32
    %swap3A_370 = arith.index_cast %swap3A_369 : i32 to index
    %swap3A_371 = arith.constant 0 : index
    %swap3A_372 = tpu.vector_load %arg6[%swap3A_370, %swap3A_371] {strides = array<i32>} : memref<64x16xf32, #tpu.memory_space<vmem>>, vector<1x16xf32>,
    %swap3A_373 = vector.shape_cast %swap3A_372 : vector<1x16xf32> to vector<16xf32>
    %swap3A_374 = vector.shape_cast %broadcast_in_dim3A_3 : vector<16xf32> to vector<1x16xf32>
    tpu.vector_store %arg6[%swap3A_370, %swap3A_371], %swap3A_374 {strides = array<i32>} : memref<64x16xf32, #tpu.memory_space<vmem>>, vector<1x16xf32>,
    %swap3A_375 = arith.constant 61 : i32
    %swap3A_376 = arith.index_cast %swap3A_375 : i32 to index
    %swap3A_377 = arith.constant 0 : index
    %swap3A_378 = tpu.vector_load %arg6[%swap3A_376, %swap3A_377] {strides = array<i32>} : memref<64x16xf32, #tpu.memory_space<vmem>>, vector<1x16xf32>,
    %swap3A_379 = vector.shape_cast %swap3A_378 : vector<1x16xf32> to vector<16xf32>
    %swap3A_380 = vector.shape_cast %broadcast_in_dim3A_3 : vector<16xf32> to vector<1x16xf32>
    tpu.vector_store %arg6[%swap3A_376, %swap3A_377], %swap3A_380 {strides = array<i32>} : memref<64x16xf32, #tpu.memory_space<vmem>>, vector<1x16xf32>,
    %swap3A_381 = arith.constant 62 : i32
    %swap3A_382 = arith.index_cast %swap3A_381 : i32 to index
    %swap3A_383 = arith.constant 0 : index
    %swap3A_384 = tpu.vector_load %arg6[%swap3A_382, %swap3A_383] {strides = array<i32>} : memref<64x16xf32, #tpu.memory_space<vmem>>, vector<1x16xf32>,
    %swap3A_385 = vector.shape_cast %swap3A_384 : vector<1x16xf32> to vector<16xf32>
    %swap3A_386 = vector.shape_cast %broadcast_in_dim3A_3 : vector<16xf32> to vector<1x16xf32>
    tpu.vector_store %arg6[%swap3A_382, %swap3A_383], %swap3A_386 {strides = array<i32>} : memref<64x16xf32, #tpu.memory_space<vmem>>, vector<1x16xf32>,
    %swap3A_387 = arith.constant 63 : i32
    %swap3A_388 = arith.index_cast %swap3A_387 : i32 to index
    %swap3A_389 = arith.constant 0 : index
    %swap3A_390 = tpu.vector_load %arg6[%swap3A_388, %swap3A_389] {strides = array<i32>} : memref<64x16xf32, #tpu.memory_space<vmem>>, vector<1x16xf32>,
    %swap3A_391 = vector.shape_cast %swap3A_390 : vector<1x16xf32> to vector<16xf32>
    %swap3A_392 = vector.shape_cast %broadcast_in_dim3A_3 : vector<16xf32> to vector<1x16xf32>
    tpu.vector_store %arg6[%swap3A_388, %swap3A_389], %swap3A_392 {strides = array<i32>} : memref<64x16xf32, #tpu.memory_space<vmem>>, vector<1x16xf32>,
    %scan3A_393 = arith.constant 0 : i32
    %scan3A_394 = arith.constant 0 : i32
    %scan3A_395 = arith.constant 5 : i32
    %scan3A_396 = arith.addi %scan3A_394, %scan3A_395 : i32
    %scan3A_397 = arith.constant 1 : i32
    %scan3A_398 = scf.for %scan3A_429 = %scan3A_394 to %scan3A_396 step %scan3A_397 iter_args(%scan3A_430 = %scan3A_393) -> (i32)  : i32 {
      %mul3A_431 = arith.constant 320 : i32
      %mul3A_432 = arith.muli %arg1, %mul3A_431 : i32
      %mul3A_433 = arith.constant 64 : i32
      %mul3A_434 = arith.muli %scan3A_429, %mul3A_433 : i32
      %add3A = arith.addi %mul3A_432, %mul3A_434 : i32
      %add3A_435 = arith.constant 0 : i32
      %add3A_436 = arith.addi %add3A, %add3A_435 : i32
      %add3A_437 = vector.broadcast %add3A_436 : i32 to vector<16xi32>
      %add3A_438 = arith.addi %iota3A, %add3A_437 : vector<16xi32>
      %swap3A_439 = arith.index_cast %scan3A_429 : i32 to index
      %swap3A_440 = arith.constant 0 : index
      %swap3A_441 = tpu.vector_load %arg7[%swap3A_439, %swap3A_440] {strides = array<i32>} : memref<5x64xi32, #tpu.memory_space<vmem>>, vector<1x16xi32>,
      %swap3A_442 = vector.shape_cast %swap3A_441 : vector<1x16xi32> to vector<16xi32>
      %swap3A_443 = vector.shape_cast %add3A_438 : vector<16xi32> to vector<1x16xi32>
      tpu.vector_store %arg7[%swap3A_439, %swap3A_440], %swap3A_443 {strides = array<i32>} : memref<5x64xi32, #tpu.memory_space<vmem>>, vector<1x16xi32>,
      %add3A_444 = arith.constant 16 : i32
      %add3A_445 = arith.addi %add3A, %add3A_444 : i32
      %add3A_446 = vector.broadcast %add3A_445 : i32 to vector<16xi32>
      %add3A_447 = arith.addi %iota3A, %add3A_446 : vector<16xi32>
      %swap3A_448 = arith.index_cast %scan3A_429 : i32 to index
      %swap3A_449 = arith.constant 16 : index
      %swap3A_450 = tpu.vector_load %arg7[%swap3A_448, %swap3A_449] {strides = array<i32>} : memref<5x64xi32, #tpu.memory_space<vmem>>, vector<1x16xi32>,
      %swap3A_451 = vector.shape_cast %swap3A_450 : vector<1x16xi32> to vector<16xi32>
      %swap3A_452 = vector.shape_cast %add3A_447 : vector<16xi32> to vector<1x16xi32>
      tpu.vector_store %arg7[%swap3A_448, %swap3A_449], %swap3A_452 {strides = array<i32>} : memref<5x64xi32, #tpu.memory_space<vmem>>, vector<1x16xi32>,
      %add3A_453 = arith.constant 32 : i32
      %add3A_454 = arith.addi %add3A, %add3A_453 : i32
      %add3A_455 = vector.broadcast %add3A_454 : i32 to vector<16xi32>
      %add3A_456 = arith.addi %iota3A, %add3A_455 : vector<16xi32>
      %swap3A_457 = arith.index_cast %scan3A_429 : i32 to index
      %swap3A_458 = arith.constant 32 : index
      %swap3A_459 = tpu.vector_load %arg7[%swap3A_457, %swap3A_458] {strides = array<i32>} : memref<5x64xi32, #tpu.memory_space<vmem>>, vector<1x16xi32>,
      %swap3A_460 = vector.shape_cast %swap3A_459 : vector<1x16xi32> to vector<16xi32>
      %swap3A_461 = vector.shape_cast %add3A_456 : vector<16xi32> to vector<1x16xi32>
      tpu.vector_store %arg7[%swap3A_457, %swap3A_458], %swap3A_461 {strides = array<i32>} : memref<5x64xi32, #tpu.memory_space<vmem>>, vector<1x16xi32>,
      %add3A_462 = arith.constant 48 : i32
      %add3A_463 = arith.addi %add3A, %add3A_462 : i32
      %add3A_464 = vector.broadcast %add3A_463 : i32 to vector<16xi32>
      %add3A_465 = arith.addi %iota3A, %add3A_464 : vector<16xi32>
      %swap3A_466 = arith.index_cast %scan3A_429 : i32 to index
      %swap3A_467 = arith.constant 48 : index
      %swap3A_468 = tpu.vector_load %arg7[%swap3A_466, %swap3A_467] {strides = array<i32>} : memref<5x64xi32, #tpu.memory_space<vmem>>, vector<1x16xi32>,
      %swap3A_469 = vector.shape_cast %swap3A_468 : vector<1x16xi32> to vector<16xi32>
      %swap3A_470 = vector.shape_cast %add3A_465 : vector<16xi32> to vector<1x16xi32>
      tpu.vector_store %arg7[%swap3A_466, %swap3A_467], %swap3A_470 {strides = array<i32>} : memref<5x64xi32, #tpu.memory_space<vmem>>, vector<1x16xi32>,
      %scan3A_471 = arith.constant 0 : i32
      scf.yield %scan3A_471 : i32
    }
    %scan3A_399 = arith.constant 5 : i32
    %scan3A_400 = arith.constant 0 : i32
    %scan3A_401 = arith.constant 0 : i32
    %scan3A_402 = arith.constant 5 : i32
    %scan3A_403 = arith.addi %scan3A_401, %scan3A_402 : i32
    %scan3A_404 = arith.constant 1 : i32
    %scan3A_405 = scf.for %scan3A_429 = %scan3A_401 to %scan3A_403 step %scan3A_404 iter_args(%scan3A_430 = %scan3A_400) -> (i32)  : i32 {
      "tpu.region"() ({
        %run_scoped3A = tpu.sem_alloc : memref<!tpu.dma_semaphore, #tpu.memory_space<semaphore_mem>>
        %dma_start3A = arith.constant 0 : i32
        %dma_start3A_432 = tpu.memref_slice %arg7[%scan3A_429, %dma_start3A] : memref<5x64xi32, #tpu.memory_space<vmem>> -> memref<1x64xi32, #tpu.memory_space<vmem>>
        %dma_start3A_433 = tpu.memref_squeeze %dma_start3A_432 : memref<1x64xi32, #tpu.memory_space<vmem>> -> memref<64xi32, #tpu.memory_space<vmem>>
        %dma_start3A_434 = arith.constant 0 : i32
        %dma_start3A_435 = arith.constant 0 : i32
        %dma_start3A_436 = tpu.memref_slice %arg9[%dma_start3A_434, %dma_start3A_435] : memref<5128x16xf32, #tpu.memory_space<vmem_shared>> -> memref<5128x16xf32, #tpu.memory_space<vmem_shared>>
        tpu.enqueue_indirect_dma source(%arg6 : memref<64x16xf32, #tpu.memory_space<vmem>>) target(%dma_start3A_436 : memref<5128x16xf32, #tpu.memory_space<vmem_shared>>) offsets(%dma_start3A_433 : memref<64xi32, #tpu.memory_space<vmem>>) semaphore(%run_scoped3A : memref<!tpu.dma_semaphore, #tpu.memory_space<semaphore_mem>>)
        %dma_wait3A = arith.constant 0 : i32
        %dma_wait3A_437 = tpu.memref_slice %arg7[%scan3A_429, %dma_wait3A] : memref<5x64xi32, #tpu.memory_space<vmem>> -> memref<1x64xi32, #tpu.memory_space<vmem>>
        %dma_wait3A_438 = tpu.memref_squeeze %dma_wait3A_437 : memref<1x64xi32, #tpu.memory_space<vmem>> -> memref<64xi32, #tpu.memory_space<vmem>>
        %dma_wait3A_439 = arith.constant 0 : i32
        %dma_wait3A_440 = arith.constant 0 : i32
        %dma_wait3A_441 = tpu.memref_slice %arg9[%dma_wait3A_439, %dma_wait3A_440] : memref<5128x16xf32, #tpu.memory_space<vmem_shared>> -> memref<5128x16xf32, #tpu.memory_space<vmem_shared>>
        tpu.wait_indirect_dma semaphore(%run_scoped3A : memref<!tpu.dma_semaphore, #tpu.memory_space<semaphore_mem>>) src(%arg6 : memref<64x16xf32, #tpu.memory_space<vmem>>) dst(%dma_wait3A_441 : memref<5128x16xf32, #tpu.memory_space<vmem_shared>>)
        tpu.yield
      }) : () -> ()
      %scan3A_431 = arith.constant 0 : i32
      scf.yield %scan3A_431 : i32
    }
    %scan3A_406 = arith.constant 5 : i32
    %barrier3A = arith.constant 0 : index
    tpu.barrier barrier_id(%barrier3A)
    "tpu.region"() ({
      %run_scoped3A = tpu.sem_alloc : memref<!tpu.dma_semaphore, #tpu.memory_space<semaphore_mem>>
      %dma_start3A = arith.constant 0 : i32
      %dma_start3A_429 = arith.constant 0 : i32
      %dma_start3A_430 = tpu.memref_slice %arg2[%arg1, %dma_start3A, %dma_start3A_429] : memref<16x160x128xi32, #tpu.memory_space<hbm>> -> memref<1x160x128xi32, #tpu.memory_space<hbm>>
      %dma_start3A_431 = tpu.memref_squeeze %dma_start3A_430 : memref<1x160x128xi32, #tpu.memory_space<hbm>> -> memref<160x128xi32, #tpu.memory_space<hbm>>
      %dma_start3A_432 = arith.constant 0 : i32
      %dma_start3A_433 = arith.constant 0 : i32
      %dma_start3A_434 = tpu.memref_slice %arg2[%arg1, %dma_start3A_432, %dma_start3A_433] : memref<16x160x128xi32, #tpu.memory_space<hbm>> -> memref<1x160x128xi32, #tpu.memory_space<hbm>>
      %dma_start3A_435 = tpu.memref_squeeze %dma_start3A_434 : memref<1x160x128xi32, #tpu.memory_space<hbm>> -> memref<160x128xi32, #tpu.memory_space<hbm>>
      tpu.enqueue_dma source(%dma_start3A_435 : memref<160x128xi32, #tpu.memory_space<hbm>>) target(%arg4 : memref<160x128xi32, #tpu.memory_space<vmem>>) target_semaphore(%run_scoped3A : memref<!tpu.dma_semaphore, #tpu.memory_space<semaphore_mem>>)
      %dma_wait3A = arith.constant 0 : i32
      %dma_wait3A_436 = arith.constant 0 : i32
      %dma_wait3A_437 = tpu.memref_slice %arg2[%arg1, %dma_wait3A, %dma_wait3A_436] : memref<16x160x128xi32, #tpu.memory_space<hbm>> -> memref<1x160x128xi32, #tpu.memory_space<hbm>>
      %dma_wait3A_438 = tpu.memref_squeeze %dma_wait3A_437 : memref<1x160x128xi32, #tpu.memory_space<hbm>> -> memref<160x128xi32, #tpu.memory_space<hbm>>
      %dma_wait3A_439 = arith.constant 0 : i32
      %dma_wait3A_440 = arith.constant 0 : i32
      %dma_wait3A_441 = tpu.memref_slice %arg2[%arg1, %dma_wait3A_439, %dma_wait3A_440] : memref<16x160x128xi32, #tpu.memory_space<hbm>> -> memref<1x160x128xi32, #tpu.memory_space<hbm>>
      %dma_wait3A_442 = tpu.memref_squeeze %dma_wait3A_441 : memref<1x160x128xi32, #tpu.memory_space<hbm>> -> memref<160x128xi32, #tpu.memory_space<hbm>>
      tpu.wait_dma2 semaphore(%run_scoped3A : memref<!tpu.dma_semaphore, #tpu.memory_space<semaphore_mem>>) src(%dma_wait3A_442 : memref<160x128xi32, #tpu.memory_space<hbm>>) dst(%arg4 : memref<160x128xi32, #tpu.memory_space<vmem>>)
      tpu.yield
    }) : () -> ()
    %scan3A_407 = arith.constant 0 : i32
    %scan3A_408 = arith.constant 0 : i32
    %scan3A_409 = arith.constant 160 : i32
    %scan3A_410 = arith.addi %scan3A_408, %scan3A_409 : i32
    %scan3A_411 = arith.constant 1 : i32
    %scan3A_412 = scf.for %scan3A_429 = %scan3A_408 to %scan3A_410 step %scan3A_411 iter_args(%scan3A_430 = %scan3A_407) -> (i32)  : i32 {
      %get3A = arith.index_cast %scan3A_429 : i32 to index
      %get3A_431 = arith.constant 0 : index
      %get3A_432 = tpu.vector_load %arg4[%get3A, %get3A_431] {strides = array<i32>} : memref<160x128xi32, #tpu.memory_space<vmem>>, vector<1x16xi32>,
      %get3A_433 = vector.shape_cast %get3A_432 : vector<1x16xi32> to vector<16xi32>
      %sub3A = vector.broadcast %mul3A_0 : i32 to vector<16xi32>
      %sub3A_434 = arith.subi %get3A_433, %sub3A : vector<16xi32>
      %ge3A = arith.constant 0 : i32
      %ge3A_435 = vector.broadcast %ge3A : i32 to vector<16xi32>
      %ge3A_436 = arith.cmpi sge, %sub3A_434, %ge3A_435 : vector<16xi32>
      %lt3A = arith.constant 5120 : i32
      %lt3A_437 = vector.broadcast %lt3A : i32 to vector<16xi32>
      %lt3A_438 = arith.cmpi slt, %sub3A_434, %lt3A_437 : vector<16xi32>
      %and3A = arith.andi %ge3A_436, %lt3A_438 : vector<16xi1>
      %jit3A = arith.constant 5120 : i32
      %broadcast_in_dim3A_439 = vector.broadcast %jit3A : i32 to vector<16xi32>
      %select_n3A = arith.select %and3A, %sub3A_434, %broadcast_in_dim3A_439 : vector<16xi1>, vector<16xi32>
      %swap3A_440 = arith.index_cast %scan3A_429 : i32 to index
      %swap3A_441 = arith.constant 0 : index
      %swap3A_442 = tpu.vector_load %arg4[%swap3A_440, %swap3A_441] {strides = array<i32>} : memref<160x128xi32, #tpu.memory_space<vmem>>, vector<1x16xi32>,
      %swap3A_443 = vector.shape_cast %swap3A_442 : vector<1x16xi32> to vector<16xi32>
      %swap3A_444 = vector.shape_cast %select_n3A : vector<16xi32> to vector<1x16xi32>
      tpu.vector_store %arg4[%swap3A_440, %swap3A_441], %swap3A_444 {strides = array<i32>} : memref<160x128xi32, #tpu.memory_space<vmem>>, vector<1x16xi32>,
      %get3A_445 = arith.index_cast %scan3A_429 : i32 to index
      %get3A_446 = arith.constant 16 : index
      %get3A_447 = tpu.vector_load %arg4[%get3A_445, %get3A_446] {strides = array<i32>} : memref<160x128xi32, #tpu.memory_space<vmem>>, vector<1x16xi32>,
      %get3A_448 = vector.shape_cast %get3A_447 : vector<1x16xi32> to vector<16xi32>
      %sub3A_449 = vector.broadcast %mul3A_0 : i32 to vector<16xi32>
      %sub3A_450 = arith.subi %get3A_448, %sub3A_449 : vector<16xi32>
      %ge3A_451 = arith.constant 0 : i32
      %ge3A_452 = vector.broadcast %ge3A_451 : i32 to vector<16xi32>
      %ge3A_453 = arith.cmpi sge, %sub3A_450, %ge3A_452 : vector<16xi32>
      %lt3A_454 = arith.constant 5120 : i32
      %lt3A_455 = vector.broadcast %lt3A_454 : i32 to vector<16xi32>
      %lt3A_456 = arith.cmpi slt, %sub3A_450, %lt3A_455 : vector<16xi32>
      %and3A_457 = arith.andi %ge3A_453, %lt3A_456 : vector<16xi1>
      %jit3A_458 = arith.constant 5120 : i32
      %broadcast_in_dim3A_459 = vector.broadcast %jit3A_458 : i32 to vector<16xi32>
      %select_n3A_460 = arith.select %and3A_457, %sub3A_450, %broadcast_in_dim3A_459 : vector<16xi1>, vector<16xi32>
      %swap3A_461 = arith.index_cast %scan3A_429 : i32 to index
      %swap3A_462 = arith.constant 16 : index
      %swap3A_463 = tpu.vector_load %arg4[%swap3A_461, %swap3A_462] {strides = array<i32>} : memref<160x128xi32, #tpu.memory_space<vmem>>, vector<1x16xi32>,
      %swap3A_464 = vector.shape_cast %swap3A_463 : vector<1x16xi32> to vector<16xi32>
      %swap3A_465 = vector.shape_cast %select_n3A_460 : vector<16xi32> to vector<1x16xi32>
      tpu.vector_store %arg4[%swap3A_461, %swap3A_462], %swap3A_465 {strides = array<i32>} : memref<160x128xi32, #tpu.memory_space<vmem>>, vector<1x16xi32>,
      %get3A_466 = arith.index_cast %scan3A_429 : i32 to index
      %get3A_467 = arith.constant 32 : index
      %get3A_468 = tpu.vector_load %arg4[%get3A_466, %get3A_467] {strides = array<i32>} : memref<160x128xi32, #tpu.memory_space<vmem>>, vector<1x16xi32>,
      %get3A_469 = vector.shape_cast %get3A_468 : vector<1x16xi32> to vector<16xi32>
      %sub3A_470 = vector.broadcast %mul3A_0 : i32 to vector<16xi32>
      %sub3A_471 = arith.subi %get3A_469, %sub3A_470 : vector<16xi32>
      %ge3A_472 = arith.constant 0 : i32
      %ge3A_473 = vector.broadcast %ge3A_472 : i32 to vector<16xi32>
      %ge3A_474 = arith.cmpi sge, %sub3A_471, %ge3A_473 : vector<16xi32>
      %lt3A_475 = arith.constant 5120 : i32
      %lt3A_476 = vector.broadcast %lt3A_475 : i32 to vector<16xi32>
      %lt3A_477 = arith.cmpi slt, %sub3A_471, %lt3A_476 : vector<16xi32>
      %and3A_478 = arith.andi %ge3A_474, %lt3A_477 : vector<16xi1>
      %jit3A_479 = arith.constant 5120 : i32
      %broadcast_in_dim3A_480 = vector.broadcast %jit3A_479 : i32 to vector<16xi32>
      %select_n3A_481 = arith.select %and3A_478, %sub3A_471, %broadcast_in_dim3A_480 : vector<16xi1>, vector<16xi32>
      %swap3A_482 = arith.index_cast %scan3A_429 : i32 to index
      %swap3A_483 = arith.constant 32 : index
      %swap3A_484 = tpu.vector_load %arg4[%swap3A_482, %swap3A_483] {strides = array<i32>} : memref<160x128xi32, #tpu.memory_space<vmem>>, vector<1x16xi32>,
      %swap3A_485 = vector.shape_cast %swap3A_484 : vector<1x16xi32> to vector<16xi32>
      %swap3A_486 = vector.shape_cast %select_n3A_481 : vector<16xi32> to vector<1x16xi32>
      tpu.vector_store %arg4[%swap3A_482, %swap3A_483], %swap3A_486 {strides = array<i32>} : memref<160x128xi32, #tpu.memory_space<vmem>>, vector<1x16xi32>,
      %get3A_487 = arith.index_cast %scan3A_429 : i32 to index
      %get3A_488 = arith.constant 48 : index
      %get3A_489 = tpu.vector_load %arg4[%get3A_487, %get3A_488] {strides = array<i32>} : memref<160x128xi32, #tpu.memory_space<vmem>>, vector<1x16xi32>,
      %get3A_490 = vector.shape_cast %get3A_489 : vector<1x16xi32> to vector<16xi32>
      %sub3A_491 = vector.broadcast %mul3A_0 : i32 to vector<16xi32>
      %sub3A_492 = arith.subi %get3A_490, %sub3A_491 : vector<16xi32>
      %ge3A_493 = arith.constant 0 : i32
      %ge3A_494 = vector.broadcast %ge3A_493 : i32 to vector<16xi32>
      %ge3A_495 = arith.cmpi sge, %sub3A_492, %ge3A_494 : vector<16xi32>
      %lt3A_496 = arith.constant 5120 : i32
      %lt3A_497 = vector.broadcast %lt3A_496 : i32 to vector<16xi32>
      %lt3A_498 = arith.cmpi slt, %sub3A_492, %lt3A_497 : vector<16xi32>
      %and3A_499 = arith.andi %ge3A_495, %lt3A_498 : vector<16xi1>
      %jit3A_500 = arith.constant 5120 : i32
      %broadcast_in_dim3A_501 = vector.broadcast %jit3A_500 : i32 to vector<16xi32>
      %select_n3A_502 = arith.select %and3A_499, %sub3A_492, %broadcast_in_dim3A_501 : vector<16xi1>, vector<16xi32>
      %swap3A_503 = arith.index_cast %scan3A_429 : i32 to index
      %swap3A_504 = arith.constant 48 : index
      %swap3A_505 = tpu.vector_load %arg4[%swap3A_503, %swap3A_504] {strides = array<i32>} : memref<160x128xi32, #tpu.memory_space<vmem>>, vector<1x16xi32>,
      %swap3A_506 = vector.shape_cast %swap3A_505 : vector<1x16xi32> to vector<16xi32>
      %swap3A_507 = vector.shape_cast %select_n3A_502 : vector<16xi32> to vector<1x16xi32>
      tpu.vector_store %arg4[%swap3A_503, %swap3A_504], %swap3A_507 {strides = array<i32>} : memref<160x128xi32, #tpu.memory_space<vmem>>, vector<1x16xi32>,
      %get3A_508 = arith.index_cast %scan3A_429 : i32 to index
      %get3A_509 = arith.constant 64 : index
      %get3A_510 = tpu.vector_load %arg4[%get3A_508, %get3A_509] {strides = array<i32>} : memref<160x128xi32, #tpu.memory_space<vmem>>, vector<1x16xi32>,
      %get3A_511 = vector.shape_cast %get3A_510 : vector<1x16xi32> to vector<16xi32>
      %sub3A_512 = vector.broadcast %mul3A_0 : i32 to vector<16xi32>
      %sub3A_513 = arith.subi %get3A_511, %sub3A_512 : vector<16xi32>
      %ge3A_514 = arith.constant 0 : i32
      %ge3A_515 = vector.broadcast %ge3A_514 : i32 to vector<16xi32>
      %ge3A_516 = arith.cmpi sge, %sub3A_513, %ge3A_515 : vector<16xi32>
      %lt3A_517 = arith.constant 5120 : i32
      %lt3A_518 = vector.broadcast %lt3A_517 : i32 to vector<16xi32>
      %lt3A_519 = arith.cmpi slt, %sub3A_513, %lt3A_518 : vector<16xi32>
      %and3A_520 = arith.andi %ge3A_516, %lt3A_519 : vector<16xi1>
      %jit3A_521 = arith.constant 5120 : i32
      %broadcast_in_dim3A_522 = vector.broadcast %jit3A_521 : i32 to vector<16xi32>
      %select_n3A_523 = arith.select %and3A_520, %sub3A_513, %broadcast_in_dim3A_522 : vector<16xi1>, vector<16xi32>
      %swap3A_524 = arith.index_cast %scan3A_429 : i32 to index
      %swap3A_525 = arith.constant 64 : index
      %swap3A_526 = tpu.vector_load %arg4[%swap3A_524, %swap3A_525] {strides = array<i32>} : memref<160x128xi32, #tpu.memory_space<vmem>>, vector<1x16xi32>,
      %swap3A_527 = vector.shape_cast %swap3A_526 : vector<1x16xi32> to vector<16xi32>
      %swap3A_528 = vector.shape_cast %select_n3A_523 : vector<16xi32> to vector<1x16xi32>
      tpu.vector_store %arg4[%swap3A_524, %swap3A_525], %swap3A_528 {strides = array<i32>} : memref<160x128xi32, #tpu.memory_space<vmem>>, vector<1x16xi32>,
      %get3A_529 = arith.index_cast %scan3A_429 : i32 to index
      %get3A_530 = arith.constant 80 : index
      %get3A_531 = tpu.vector_load %arg4[%get3A_529, %get3A_530] {strides = array<i32>} : memref<160x128xi32, #tpu.memory_space<vmem>>, vector<1x16xi32>,
      %get3A_532 = vector.shape_cast %get3A_531 : vector<1x16xi32> to vector<16xi32>
      %sub3A_533 = vector.broadcast %mul3A_0 : i32 to vector<16xi32>
      %sub3A_534 = arith.subi %get3A_532, %sub3A_533 : vector<16xi32>
      %ge3A_535 = arith.constant 0 : i32
      %ge3A_536 = vector.broadcast %ge3A_535 : i32 to vector<16xi32>
      %ge3A_537 = arith.cmpi sge, %sub3A_534, %ge3A_536 : vector<16xi32>
      %lt3A_538 = arith.constant 5120 : i32
      %lt3A_539 = vector.broadcast %lt3A_538 : i32 to vector<16xi32>
      %lt3A_540 = arith.cmpi slt, %sub3A_534, %lt3A_539 : vector<16xi32>
      %and3A_541 = arith.andi %ge3A_537, %lt3A_540 : vector<16xi1>
      %jit3A_542 = arith.constant 5120 : i32
      %broadcast_in_dim3A_543 = vector.broadcast %jit3A_542 : i32 to vector<16xi32>
      %select_n3A_544 = arith.select %and3A_541, %sub3A_534, %broadcast_in_dim3A_543 : vector<16xi1>, vector<16xi32>
      %swap3A_545 = arith.index_cast %scan3A_429 : i32 to index
      %swap3A_546 = arith.constant 80 : index
      %swap3A_547 = tpu.vector_load %arg4[%swap3A_545, %swap3A_546] {strides = array<i32>} : memref<160x128xi32, #tpu.memory_space<vmem>>, vector<1x16xi32>,
      %swap3A_548 = vector.shape_cast %swap3A_547 : vector<1x16xi32> to vector<16xi32>
      %swap3A_549 = vector.shape_cast %select_n3A_544 : vector<16xi32> to vector<1x16xi32>
      tpu.vector_store %arg4[%swap3A_545, %swap3A_546], %swap3A_549 {strides = array<i32>} : memref<160x128xi32, #tpu.memory_space<vmem>>, vector<1x16xi32>,
      %get3A_550 = arith.index_cast %scan3A_429 : i32 to index
      %get3A_551 = arith.constant 96 : index
      %get3A_552 = tpu.vector_load %arg4[%get3A_550, %get3A_551] {strides = array<i32>} : memref<160x128xi32, #tpu.memory_space<vmem>>, vector<1x16xi32>,
      %get3A_553 = vector.shape_cast %get3A_552 : vector<1x16xi32> to vector<16xi32>
      %sub3A_554 = vector.broadcast %mul3A_0 : i32 to vector<16xi32>
      %sub3A_555 = arith.subi %get3A_553, %sub3A_554 : vector<16xi32>
      %ge3A_556 = arith.constant 0 : i32
      %ge3A_557 = vector.broadcast %ge3A_556 : i32 to vector<16xi32>
      %ge3A_558 = arith.cmpi sge, %sub3A_555, %ge3A_557 : vector<16xi32>
      %lt3A_559 = arith.constant 5120 : i32
      %lt3A_560 = vector.broadcast %lt3A_559 : i32 to vector<16xi32>
      %lt3A_561 = arith.cmpi slt, %sub3A_555, %lt3A_560 : vector<16xi32>
      %and3A_562 = arith.andi %ge3A_558, %lt3A_561 : vector<16xi1>
      %jit3A_563 = arith.constant 5120 : i32
      %broadcast_in_dim3A_564 = vector.broadcast %jit3A_563 : i32 to vector<16xi32>
      %select_n3A_565 = arith.select %and3A_562, %sub3A_555, %broadcast_in_dim3A_564 : vector<16xi1>, vector<16xi32>
      %swap3A_566 = arith.index_cast %scan3A_429 : i32 to index
      %swap3A_567 = arith.constant 96 : index
      %swap3A_568 = tpu.vector_load %arg4[%swap3A_566, %swap3A_567] {strides = array<i32>} : memref<160x128xi32, #tpu.memory_space<vmem>>, vector<1x16xi32>,
      %swap3A_569 = vector.shape_cast %swap3A_568 : vector<1x16xi32> to vector<16xi32>
      %swap3A_570 = vector.shape_cast %select_n3A_565 : vector<16xi32> to vector<1x16xi32>
      tpu.vector_store %arg4[%swap3A_566, %swap3A_567], %swap3A_570 {strides = array<i32>} : memref<160x128xi32, #tpu.memory_space<vmem>>, vector<1x16xi32>,
      %get3A_571 = arith.index_cast %scan3A_429 : i32 to index
      %get3A_572 = arith.constant 112 : index
      %get3A_573 = tpu.vector_load %arg4[%get3A_571, %get3A_572] {strides = array<i32>} : memref<160x128xi32, #tpu.memory_space<vmem>>, vector<1x16xi32>,
      %get3A_574 = vector.shape_cast %get3A_573 : vector<1x16xi32> to vector<16xi32>
      %sub3A_575 = vector.broadcast %mul3A_0 : i32 to vector<16xi32>
      %sub3A_576 = arith.subi %get3A_574, %sub3A_575 : vector<16xi32>
      %ge3A_577 = arith.constant 0 : i32
      %ge3A_578 = vector.broadcast %ge3A_577 : i32 to vector<16xi32>
      %ge3A_579 = arith.cmpi sge, %sub3A_576, %ge3A_578 : vector<16xi32>
      %lt3A_580 = arith.constant 5120 : i32
      %lt3A_581 = vector.broadcast %lt3A_580 : i32 to vector<16xi32>
      %lt3A_582 = arith.cmpi slt, %sub3A_576, %lt3A_581 : vector<16xi32>
      %and3A_583 = arith.andi %ge3A_579, %lt3A_582 : vector<16xi1>
      %jit3A_584 = arith.constant 5120 : i32
      %broadcast_in_dim3A_585 = vector.broadcast %jit3A_584 : i32 to vector<16xi32>
      %select_n3A_586 = arith.select %and3A_583, %sub3A_576, %broadcast_in_dim3A_585 : vector<16xi1>, vector<16xi32>
      %swap3A_587 = arith.index_cast %scan3A_429 : i32 to index
      %swap3A_588 = arith.constant 112 : index
      %swap3A_589 = tpu.vector_load %arg4[%swap3A_587, %swap3A_588] {strides = array<i32>} : memref<160x128xi32, #tpu.memory_space<vmem>>, vector<1x16xi32>,
      %swap3A_590 = vector.shape_cast %swap3A_589 : vector<1x16xi32> to vector<16xi32>
      %swap3A_591 = vector.shape_cast %select_n3A_586 : vector<16xi32> to vector<1x16xi32>
      tpu.vector_store %arg4[%swap3A_587, %swap3A_588], %swap3A_591 {strides = array<i32>} : memref<160x128xi32, #tpu.memory_space<vmem>>, vector<1x16xi32>,
      %scan3A_592 = arith.constant 0 : i32
      scf.yield %scan3A_592 : i32
    }
    %scan3A_413 = arith.constant 160 : i32
    %scan3A_414 = arith.constant 0 : i32
    %scan3A_415 = arith.constant 0 : i32
    %scan3A_416 = arith.constant 160 : i32
    %scan3A_417 = arith.addi %scan3A_415, %scan3A_416 : i32
    %scan3A_418 = arith.constant 1 : i32
    %scan3A_419 = scf.for %scan3A_429 = %scan3A_415 to %scan3A_417 step %scan3A_418 iter_args(%scan3A_430 = %scan3A_414) -> (i32)  : i32 {
      "tpu.region"() ({
        %run_scoped3A = tpu.sem_alloc : memref<!tpu.dma_semaphore, #tpu.memory_space<semaphore_mem>>
        %dma_start3A = arith.constant 0 : i32
        %dma_start3A_432 = tpu.memref_slice %arg4[%scan3A_429, %dma_start3A] : memref<160x128xi32, #tpu.memory_space<vmem>> -> memref<1x128xi32, #tpu.memory_space<vmem>>
        %dma_start3A_433 = tpu.memref_squeeze %dma_start3A_432 : memref<1x128xi32, #tpu.memory_space<vmem>> -> memref<128xi32, #tpu.memory_space<vmem>>
        %dma_start3A_434 = arith.constant 0 : i32
        %dma_start3A_435 = arith.constant 0 : i32
        %dma_start3A_436 = tpu.memref_slice %arg9[%dma_start3A_434, %dma_start3A_435] : memref<5128x16xf32, #tpu.memory_space<vmem_shared>> -> memref<5128x16xf32, #tpu.memory_space<vmem_shared>>
        tpu.enqueue_indirect_dma source(%arg5 : memref<128x16xf32, #tpu.memory_space<vmem>>) target(%dma_start3A_436 : memref<5128x16xf32, #tpu.memory_space<vmem_shared>>) offsets(%dma_start3A_433 : memref<128xi32, #tpu.memory_space<vmem>>) semaphore(%run_scoped3A : memref<!tpu.dma_semaphore, #tpu.memory_space<semaphore_mem>>) {add = true}
        %dma_wait3A = arith.constant 0 : i32
        %dma_wait3A_437 = tpu.memref_slice %arg4[%scan3A_429, %dma_wait3A] : memref<160x128xi32, #tpu.memory_space<vmem>> -> memref<1x128xi32, #tpu.memory_space<vmem>>
        %dma_wait3A_438 = tpu.memref_squeeze %dma_wait3A_437 : memref<1x128xi32, #tpu.memory_space<vmem>> -> memref<128xi32, #tpu.memory_space<vmem>>
        %dma_wait3A_439 = arith.constant 0 : i32
        %dma_wait3A_440 = arith.constant 0 : i32
        %dma_wait3A_441 = tpu.memref_slice %arg9[%dma_wait3A_439, %dma_wait3A_440] : memref<5128x16xf32, #tpu.memory_space<vmem_shared>> -> memref<5128x16xf32, #tpu.memory_space<vmem_shared>>
        tpu.wait_indirect_dma semaphore(%run_scoped3A : memref<!tpu.dma_semaphore, #tpu.memory_space<semaphore_mem>>) src(%arg5 : memref<128x16xf32, #tpu.memory_space<vmem>>) dst(%dma_wait3A_441 : memref<5128x16xf32, #tpu.memory_space<vmem_shared>>)
        tpu.yield
      }) : () -> ()
      %scan3A_431 = arith.constant 0 : i32
      scf.yield %scan3A_431 : i32
    }
    %scan3A_420 = arith.constant 160 : i32
    %barrier3A_421 = arith.constant 0 : index
    tpu.barrier barrier_id(%barrier3A_421)
    %scan3A_422 = arith.constant 0 : i32
    %scan3A_423 = arith.constant 0 : i32
    %scan3A_424 = arith.constant 5 : i32
    %scan3A_425 = arith.addi %scan3A_423, %scan3A_424 : i32
    %scan3A_426 = arith.constant 1 : i32
    %scan3A_427 = scf.for %scan3A_429 = %scan3A_423 to %scan3A_425 step %scan3A_426 iter_args(%scan3A_430 = %scan3A_422) -> (i32)  : i32 {
      "tpu.region"() ({
        %run_scoped3A = tpu.sem_alloc : memref<!tpu.dma_semaphore, #tpu.memory_space<semaphore_mem>>
        %dma_start3A = arith.constant 0 : i32
        %dma_start3A_436 = tpu.memref_slice %arg7[%scan3A_429, %dma_start3A] : memref<5x64xi32, #tpu.memory_space<vmem>> -> memref<1x64xi32, #tpu.memory_space<vmem>>
        %dma_start3A_437 = tpu.memref_squeeze %dma_start3A_436 : memref<1x64xi32, #tpu.memory_space<vmem>> -> memref<64xi32, #tpu.memory_space<vmem>>
        %dma_start3A_438 = arith.constant 0 : i32
        %dma_start3A_439 = arith.constant 0 : i32
        %dma_start3A_440 = tpu.memref_slice %arg9[%dma_start3A_438, %dma_start3A_439] : memref<5128x16xf32, #tpu.memory_space<vmem_shared>> -> memref<5128x16xf32, #tpu.memory_space<vmem_shared>>
        tpu.enqueue_indirect_dma source(%dma_start3A_440 : memref<5128x16xf32, #tpu.memory_space<vmem_shared>>) target(%arg8 : memref<64x16xf32, #tpu.memory_space<vmem>>) offsets(%dma_start3A_437 : memref<64xi32, #tpu.memory_space<vmem>>) semaphore(%run_scoped3A : memref<!tpu.dma_semaphore, #tpu.memory_space<semaphore_mem>>)
        %dma_wait3A = arith.constant 0 : i32
        %dma_wait3A_441 = tpu.memref_slice %arg7[%scan3A_429, %dma_wait3A] : memref<5x64xi32, #tpu.memory_space<vmem>> -> memref<1x64xi32, #tpu.memory_space<vmem>>
        %dma_wait3A_442 = tpu.memref_squeeze %dma_wait3A_441 : memref<1x64xi32, #tpu.memory_space<vmem>> -> memref<64xi32, #tpu.memory_space<vmem>>
        %dma_wait3A_443 = arith.constant 0 : i32
        %dma_wait3A_444 = arith.constant 0 : i32
        %dma_wait3A_445 = tpu.memref_slice %arg9[%dma_wait3A_443, %dma_wait3A_444] : memref<5128x16xf32, #tpu.memory_space<vmem_shared>> -> memref<5128x16xf32, #tpu.memory_space<vmem_shared>>
        tpu.wait_indirect_dma semaphore(%run_scoped3A : memref<!tpu.dma_semaphore, #tpu.memory_space<semaphore_mem>>) src(%dma_wait3A_445 : memref<5128x16xf32, #tpu.memory_space<vmem_shared>>) dst(%arg8 : memref<64x16xf32, #tpu.memory_space<vmem>>)
        tpu.yield
      }) : () -> ()
      %mul3A_431 = arith.constant 320 : i32
      %mul3A_432 = arith.muli %arg1, %mul3A_431 : i32
      %mul3A_433 = arith.constant 64 : i32
      %mul3A_434 = arith.muli %scan3A_429, %mul3A_433 : i32
      %add3A = arith.addi %mul3A_432, %mul3A_434 : i32
      "tpu.region"() ({
        %run_scoped3A = tpu.sem_alloc : memref<!tpu.dma_semaphore, #tpu.memory_space<semaphore_mem>>
        %dma_start3A = arith.constant 0 : i32
        %dma_start3A_436 = tpu.memref_slice %arg3[%arg0, %add3A, %dma_start3A] : memref<2x5120x16xf32, #tpu.memory_space<hbm>> -> memref<1x64x16xf32, #tpu.memory_space<hbm>>
        %dma_start3A_437 = tpu.memref_squeeze %dma_start3A_436 : memref<1x64x16xf32, #tpu.memory_space<hbm>> -> memref<64x16xf32, #tpu.memory_space<hbm>>
        %dma_start3A_438 = arith.constant 0 : i32
        %dma_start3A_439 = tpu.memref_slice %arg3[%arg0, %add3A, %dma_start3A_438] : memref<2x5120x16xf32, #tpu.memory_space<hbm>> -> memref<1x64x16xf32, #tpu.memory_space<hbm>>
        %dma_start3A_440 = tpu.memref_squeeze %dma_start3A_439 : memref<1x64x16xf32, #tpu.memory_space<hbm>> -> memref<64x16xf32, #tpu.memory_space<hbm>>
        tpu.enqueue_dma source(%arg8 : memref<64x16xf32, #tpu.memory_space<vmem>>) target(%dma_start3A_440 : memref<64x16xf32, #tpu.memory_space<hbm>>) target_semaphore(%run_scoped3A : memref<!tpu.dma_semaphore, #tpu.memory_space<semaphore_mem>>)
        %dma_wait3A = arith.constant 0 : i32
        %dma_wait3A_441 = tpu.memref_slice %arg3[%arg0, %add3A, %dma_wait3A] : memref<2x5120x16xf32, #tpu.memory_space<hbm>> -> memref<1x64x16xf32, #tpu.memory_space<hbm>>
        %dma_wait3A_442 = tpu.memref_squeeze %dma_wait3A_441 : memref<1x64x16xf32, #tpu.memory_space<hbm>> -> memref<64x16xf32, #tpu.memory_space<hbm>>
        %dma_wait3A_443 = arith.constant 0 : i32
        %dma_wait3A_444 = tpu.memref_slice %arg3[%arg0, %add3A, %dma_wait3A_443] : memref<2x5120x16xf32, #tpu.memory_space<hbm>> -> memref<1x64x16xf32, #tpu.memory_space<hbm>>
        %dma_wait3A_445 = tpu.memref_squeeze %dma_wait3A_444 : memref<1x64x16xf32, #tpu.memory_space<hbm>> -> memref<64x16xf32, #tpu.memory_space<hbm>>
        tpu.wait_dma2 semaphore(%run_scoped3A : memref<!tpu.dma_semaphore, #tpu.memory_space<semaphore_mem>>) src(%arg8 : memref<64x16xf32, #tpu.memory_space<vmem>>) dst(%dma_wait3A_445 : memref<64x16xf32, #tpu.memory_space<hbm>>)
        tpu.yield
      }) : () -> ()
      %scan3A_435 = arith.constant 0 : i32
      scf.yield %scan3A_435 : i32
    }
    %scan3A_428 = arith.constant 5 : i32
    return
  }
}

#map = affine_map<(d0, d1) -> (0, 0)>
#map1 = affine_map<(d0, d1) -> (0, 0, 0)>
module attributes {stable_mosaic.version = 14 : i64} {
  func.func @_scatter_sc_body(%arg0: i32, %arg1: i32, %arg2: memref<10240x128xf32, #tpu.memory_space<hbm>>, %arg3: memref<16x160x128xi32, #tpu.memory_space<hbm>>, %arg4: memref<16x160x128xi32, #tpu.memory_space<hbm>>, %arg5: memref<2x5120x128xf32, #tpu.memory_space<hbm>>, %arg6: memref<160x128xi32, #tpu.memory_space<vmem>>, %arg7: memref<160x128xi32, #tpu.memory_space<vmem>>, %arg8: memref<128x128xf32, #tpu.memory_space<vmem>>, %arg9: memref<64x128xf32, #tpu.memory_space<vmem>>, %arg10: memref<5x64xi32, #tpu.memory_space<vmem>>, %arg11: memref<64x128xf32, #tpu.memory_space<vmem>>, %arg12: memref<5128x128xf32, #tpu.memory_space<vmem_shared>>, %arg13: memref<!tpu.dma_semaphore, #tpu.memory_space<semaphore_mem>>) attributes {dimension_semantics = [#tpu.dimension_semantics<core_parallel>, #tpu.dimension_semantics<subcore_parallel>], iteration_bounds = array<i64: 2, 16>, scalar_prefetch = 0 : i64, scratch_operands = 8 : i64, tpu.core_type = #tpu.core_type<sc_vector_subcore>, window_params = [{transform_indices = #map}, {transform_indices = #map1}, {transform_indices = #map1}, {transform_indices = #map1}]} {
    %mul3A = arith.constant 5120 : i32
    %mul3A_0 = arith.muli %arg0, %mul3A : i32
    %broadcast_in_dim3A = arith.constant 0.000000e+00 : f32
    %broadcast_in_dim3A_1 = vector.broadcast %broadcast_in_dim3A : f32 to vector<16xf32>
    %iota3A = tpu.iota {dimensions = array<i32: 0>} : vector<16xi32>
    %scan3A = arith.constant 0 : i32
    %scan3A_2 = arith.constant 0 : i32
    %scan3A_3 = arith.constant 64 : i32
    %scan3A_4 = arith.addi %scan3A_2, %scan3A_3 : i32
    %scan3A_5 = arith.constant 1 : i32
    %scan3A_6 = scf.for %scan3A_44 = %scan3A_2 to %scan3A_4 step %scan3A_5 iter_args(%scan3A_45 = %scan3A) -> (i32)  : i32 {
      %swap3A = arith.index_cast %scan3A_44 : i32 to index
      %swap3A_46 = arith.constant 0 : index
      %swap3A_47 = tpu.vector_load %arg9[%swap3A, %swap3A_46] {strides = array<i32>} : memref<64x128xf32, #tpu.memory_space<vmem>>, vector<1x16xf32>,
      %swap3A_48 = vector.shape_cast %swap3A_47 : vector<1x16xf32> to vector<16xf32>
      %swap3A_49 = vector.shape_cast %broadcast_in_dim3A_1 : vector<16xf32> to vector<1x16xf32>
      tpu.vector_store %arg9[%swap3A, %swap3A_46], %swap3A_49 {strides = array<i32>} : memref<64x128xf32, #tpu.memory_space<vmem>>, vector<1x16xf32>,
      %swap3A_50 = arith.index_cast %scan3A_44 : i32 to index
      %swap3A_51 = arith.constant 16 : index
      %swap3A_52 = tpu.vector_load %arg9[%swap3A_50, %swap3A_51] {strides = array<i32>} : memref<64x128xf32, #tpu.memory_space<vmem>>, vector<1x16xf32>,
      %swap3A_53 = vector.shape_cast %swap3A_52 : vector<1x16xf32> to vector<16xf32>
      %swap3A_54 = vector.shape_cast %broadcast_in_dim3A_1 : vector<16xf32> to vector<1x16xf32>
      tpu.vector_store %arg9[%swap3A_50, %swap3A_51], %swap3A_54 {strides = array<i32>} : memref<64x128xf32, #tpu.memory_space<vmem>>, vector<1x16xf32>,
      %swap3A_55 = arith.index_cast %scan3A_44 : i32 to index
      %swap3A_56 = arith.constant 32 : index
      %swap3A_57 = tpu.vector_load %arg9[%swap3A_55, %swap3A_56] {strides = array<i32>} : memref<64x128xf32, #tpu.memory_space<vmem>>, vector<1x16xf32>,
      %swap3A_58 = vector.shape_cast %swap3A_57 : vector<1x16xf32> to vector<16xf32>
      %swap3A_59 = vector.shape_cast %broadcast_in_dim3A_1 : vector<16xf32> to vector<1x16xf32>
      tpu.vector_store %arg9[%swap3A_55, %swap3A_56], %swap3A_59 {strides = array<i32>} : memref<64x128xf32, #tpu.memory_space<vmem>>, vector<1x16xf32>,
      %swap3A_60 = arith.index_cast %scan3A_44 : i32 to index
      %swap3A_61 = arith.constant 48 : index
      %swap3A_62 = tpu.vector_load %arg9[%swap3A_60, %swap3A_61] {strides = array<i32>} : memref<64x128xf32, #tpu.memory_space<vmem>>, vector<1x16xf32>,
      %swap3A_63 = vector.shape_cast %swap3A_62 : vector<1x16xf32> to vector<16xf32>
      %swap3A_64 = vector.shape_cast %broadcast_in_dim3A_1 : vector<16xf32> to vector<1x16xf32>
      tpu.vector_store %arg9[%swap3A_60, %swap3A_61], %swap3A_64 {strides = array<i32>} : memref<64x128xf32, #tpu.memory_space<vmem>>, vector<1x16xf32>,
      %swap3A_65 = arith.index_cast %scan3A_44 : i32 to index
      %swap3A_66 = arith.constant 64 : index
      %swap3A_67 = tpu.vector_load %arg9[%swap3A_65, %swap3A_66] {strides = array<i32>} : memref<64x128xf32, #tpu.memory_space<vmem>>, vector<1x16xf32>,
      %swap3A_68 = vector.shape_cast %swap3A_67 : vector<1x16xf32> to vector<16xf32>
      %swap3A_69 = vector.shape_cast %broadcast_in_dim3A_1 : vector<16xf32> to vector<1x16xf32>
      tpu.vector_store %arg9[%swap3A_65, %swap3A_66], %swap3A_69 {strides = array<i32>} : memref<64x128xf32, #tpu.memory_space<vmem>>, vector<1x16xf32>,
      %swap3A_70 = arith.index_cast %scan3A_44 : i32 to index
      %swap3A_71 = arith.constant 80 : index
      %swap3A_72 = tpu.vector_load %arg9[%swap3A_70, %swap3A_71] {strides = array<i32>} : memref<64x128xf32, #tpu.memory_space<vmem>>, vector<1x16xf32>,
      %swap3A_73 = vector.shape_cast %swap3A_72 : vector<1x16xf32> to vector<16xf32>
      %swap3A_74 = vector.shape_cast %broadcast_in_dim3A_1 : vector<16xf32> to vector<1x16xf32>
      tpu.vector_store %arg9[%swap3A_70, %swap3A_71], %swap3A_74 {strides = array<i32>} : memref<64x128xf32, #tpu.memory_space<vmem>>, vector<1x16xf32>,
      %swap3A_75 = arith.index_cast %scan3A_44 : i32 to index
      %swap3A_76 = arith.constant 96 : index
      %swap3A_77 = tpu.vector_load %arg9[%swap3A_75, %swap3A_76] {strides = array<i32>} : memref<64x128xf32, #tpu.memory_space<vmem>>, vector<1x16xf32>,
      %swap3A_78 = vector.shape_cast %swap3A_77 : vector<1x16xf32> to vector<16xf32>
      %swap3A_79 = vector.shape_cast %broadcast_in_dim3A_1 : vector<16xf32> to vector<1x16xf32>
      tpu.vector_store %arg9[%swap3A_75, %swap3A_76], %swap3A_79 {strides = array<i32>} : memref<64x128xf32, #tpu.memory_space<vmem>>, vector<1x16xf32>,
      %swap3A_80 = arith.index_cast %scan3A_44 : i32 to index
      %swap3A_81 = arith.constant 112 : index
      %swap3A_82 = tpu.vector_load %arg9[%swap3A_80, %swap3A_81] {strides = array<i32>} : memref<64x128xf32, #tpu.memory_space<vmem>>, vector<1x16xf32>,
      %swap3A_83 = vector.shape_cast %swap3A_82 : vector<1x16xf32> to vector<16xf32>
      %swap3A_84 = vector.shape_cast %broadcast_in_dim3A_1 : vector<16xf32> to vector<1x16xf32>
      tpu.vector_store %arg9[%swap3A_80, %swap3A_81], %swap3A_84 {strides = array<i32>} : memref<64x128xf32, #tpu.memory_space<vmem>>, vector<1x16xf32>,
      %scan3A_85 = arith.constant 0 : i32
      scf.yield %scan3A_85 : i32
    }
    %scan3A_7 = arith.constant 64 : i32
    %scan3A_8 = arith.constant 0 : i32
    %scan3A_9 = arith.constant 0 : i32
    %scan3A_10 = arith.constant 5 : i32
    %scan3A_11 = arith.addi %scan3A_9, %scan3A_10 : i32
    %scan3A_12 = arith.constant 1 : i32
    %scan3A_13 = scf.for %scan3A_44 = %scan3A_9 to %scan3A_11 step %scan3A_12 iter_args(%scan3A_45 = %scan3A_8) -> (i32)  : i32 {
      %mul3A_46 = arith.constant 320 : i32
      %mul3A_47 = arith.muli %arg1, %mul3A_46 : i32
      %mul3A_48 = arith.constant 64 : i32
      %mul3A_49 = arith.muli %scan3A_44, %mul3A_48 : i32
      %add3A = arith.addi %mul3A_47, %mul3A_49 : i32
      %add3A_50 = arith.constant 0 : i32
      %add3A_51 = arith.addi %add3A, %add3A_50 : i32
      %add3A_52 = vector.broadcast %add3A_51 : i32 to vector<16xi32>
      %add3A_53 = arith.addi %iota3A, %add3A_52 : vector<16xi32>
      %swap3A = arith.index_cast %scan3A_44 : i32 to index
      %swap3A_54 = arith.constant 0 : index
      %swap3A_55 = tpu.vector_load %arg10[%swap3A, %swap3A_54] {strides = array<i32>} : memref<5x64xi32, #tpu.memory_space<vmem>>, vector<1x16xi32>,
      %swap3A_56 = vector.shape_cast %swap3A_55 : vector<1x16xi32> to vector<16xi32>
      %swap3A_57 = vector.shape_cast %add3A_53 : vector<16xi32> to vector<1x16xi32>
      tpu.vector_store %arg10[%swap3A, %swap3A_54], %swap3A_57 {strides = array<i32>} : memref<5x64xi32, #tpu.memory_space<vmem>>, vector<1x16xi32>,
      %add3A_58 = arith.constant 16 : i32
      %add3A_59 = arith.addi %add3A, %add3A_58 : i32
      %add3A_60 = vector.broadcast %add3A_59 : i32 to vector<16xi32>
      %add3A_61 = arith.addi %iota3A, %add3A_60 : vector<16xi32>
      %swap3A_62 = arith.index_cast %scan3A_44 : i32 to index
      %swap3A_63 = arith.constant 16 : index
      %swap3A_64 = tpu.vector_load %arg10[%swap3A_62, %swap3A_63] {strides = array<i32>} : memref<5x64xi32, #tpu.memory_space<vmem>>, vector<1x16xi32>,
      %swap3A_65 = vector.shape_cast %swap3A_64 : vector<1x16xi32> to vector<16xi32>
      %swap3A_66 = vector.shape_cast %add3A_61 : vector<16xi32> to vector<1x16xi32>
      tpu.vector_store %arg10[%swap3A_62, %swap3A_63], %swap3A_66 {strides = array<i32>} : memref<5x64xi32, #tpu.memory_space<vmem>>, vector<1x16xi32>,
      %add3A_67 = arith.constant 32 : i32
      %add3A_68 = arith.addi %add3A, %add3A_67 : i32
      %add3A_69 = vector.broadcast %add3A_68 : i32 to vector<16xi32>
      %add3A_70 = arith.addi %iota3A, %add3A_69 : vector<16xi32>
      %swap3A_71 = arith.index_cast %scan3A_44 : i32 to index
      %swap3A_72 = arith.constant 32 : index
      %swap3A_73 = tpu.vector_load %arg10[%swap3A_71, %swap3A_72] {strides = array<i32>} : memref<5x64xi32, #tpu.memory_space<vmem>>, vector<1x16xi32>,
      %swap3A_74 = vector.shape_cast %swap3A_73 : vector<1x16xi32> to vector<16xi32>
      %swap3A_75 = vector.shape_cast %add3A_70 : vector<16xi32> to vector<1x16xi32>
      tpu.vector_store %arg10[%swap3A_71, %swap3A_72], %swap3A_75 {strides = array<i32>} : memref<5x64xi32, #tpu.memory_space<vmem>>, vector<1x16xi32>,
      %add3A_76 = arith.constant 48 : i32
      %add3A_77 = arith.addi %add3A, %add3A_76 : i32
      %add3A_78 = vector.broadcast %add3A_77 : i32 to vector<16xi32>
      %add3A_79 = arith.addi %iota3A, %add3A_78 : vector<16xi32>
      %swap3A_80 = arith.index_cast %scan3A_44 : i32 to index
      %swap3A_81 = arith.constant 48 : index
      %swap3A_82 = tpu.vector_load %arg10[%swap3A_80, %swap3A_81] {strides = array<i32>} : memref<5x64xi32, #tpu.memory_space<vmem>>, vector<1x16xi32>,
      %swap3A_83 = vector.shape_cast %swap3A_82 : vector<1x16xi32> to vector<16xi32>
      %swap3A_84 = vector.shape_cast %add3A_79 : vector<16xi32> to vector<1x16xi32>
      tpu.vector_store %arg10[%swap3A_80, %swap3A_81], %swap3A_84 {strides = array<i32>} : memref<5x64xi32, #tpu.memory_space<vmem>>, vector<1x16xi32>,
      %scan3A_85 = arith.constant 0 : i32
      scf.yield %scan3A_85 : i32
    }
    %scan3A_14 = arith.constant 5 : i32
    %scan3A_15 = arith.constant 0 : i32
    %scan3A_16 = arith.constant 0 : i32
    %scan3A_17 = arith.constant 5 : i32
    %scan3A_18 = arith.addi %scan3A_16, %scan3A_17 : i32
    %scan3A_19 = arith.constant 1 : i32
    %scan3A_20 = scf.for %scan3A_44 = %scan3A_16 to %scan3A_18 step %scan3A_19 iter_args(%scan3A_45 = %scan3A_15) -> (i32)  : i32 {
      "tpu.region"() ({
        %run_scoped3A = tpu.sem_alloc : memref<!tpu.dma_semaphore, #tpu.memory_space<semaphore_mem>>
        %dma_start3A = arith.constant 0 : i32
        %dma_start3A_47 = tpu.memref_slice %arg10[%scan3A_44, %dma_start3A] : memref<5x64xi32, #tpu.memory_space<vmem>> -> memref<1x64xi32, #tpu.memory_space<vmem>>
        %dma_start3A_48 = tpu.memref_squeeze %dma_start3A_47 : memref<1x64xi32, #tpu.memory_space<vmem>> -> memref<64xi32, #tpu.memory_space<vmem>>
        %dma_start3A_49 = arith.constant 0 : i32
        %dma_start3A_50 = arith.constant 0 : i32
        %dma_start3A_51 = tpu.memref_slice %arg12[%dma_start3A_49, %dma_start3A_50] : memref<5128x128xf32, #tpu.memory_space<vmem_shared>> -> memref<5128x128xf32, #tpu.memory_space<vmem_shared>>
        tpu.enqueue_indirect_dma source(%arg9 : memref<64x128xf32, #tpu.memory_space<vmem>>) target(%dma_start3A_51 : memref<5128x128xf32, #tpu.memory_space<vmem_shared>>) offsets(%dma_start3A_48 : memref<64xi32, #tpu.memory_space<vmem>>) semaphore(%run_scoped3A : memref<!tpu.dma_semaphore, #tpu.memory_space<semaphore_mem>>)
        %dma_wait3A = arith.constant 0 : i32
        %dma_wait3A_52 = tpu.memref_slice %arg10[%scan3A_44, %dma_wait3A] : memref<5x64xi32, #tpu.memory_space<vmem>> -> memref<1x64xi32, #tpu.memory_space<vmem>>
        %dma_wait3A_53 = tpu.memref_squeeze %dma_wait3A_52 : memref<1x64xi32, #tpu.memory_space<vmem>> -> memref<64xi32, #tpu.memory_space<vmem>>
        %dma_wait3A_54 = arith.constant 0 : i32
        %dma_wait3A_55 = arith.constant 0 : i32
        %dma_wait3A_56 = tpu.memref_slice %arg12[%dma_wait3A_54, %dma_wait3A_55] : memref<5128x128xf32, #tpu.memory_space<vmem_shared>> -> memref<5128x128xf32, #tpu.memory_space<vmem_shared>>
        tpu.wait_indirect_dma semaphore(%run_scoped3A : memref<!tpu.dma_semaphore, #tpu.memory_space<semaphore_mem>>) src(%arg9 : memref<64x128xf32, #tpu.memory_space<vmem>>) dst(%dma_wait3A_56 : memref<5128x128xf32, #tpu.memory_space<vmem_shared>>)
        tpu.yield
      }) : () -> ()
      %scan3A_46 = arith.constant 0 : i32
      scf.yield %scan3A_46 : i32
    }
    %scan3A_21 = arith.constant 5 : i32
    %barrier3A = arith.constant 0 : index
    tpu.barrier barrier_id(%barrier3A)
    "tpu.region"() ({
      %run_scoped3A = tpu.sem_alloc : memref<!tpu.dma_semaphore, #tpu.memory_space<semaphore_mem>>
      %dma_start3A = arith.constant 0 : i32
      %dma_start3A_44 = arith.constant 0 : i32
      %dma_start3A_45 = tpu.memref_slice %arg3[%arg1, %dma_start3A, %dma_start3A_44] : memref<16x160x128xi32, #tpu.memory_space<hbm>> -> memref<1x160x128xi32, #tpu.memory_space<hbm>>
      %dma_start3A_46 = tpu.memref_squeeze %dma_start3A_45 : memref<1x160x128xi32, #tpu.memory_space<hbm>> -> memref<160x128xi32, #tpu.memory_space<hbm>>
      %dma_start3A_47 = arith.constant 0 : i32
      %dma_start3A_48 = arith.constant 0 : i32
      %dma_start3A_49 = tpu.memref_slice %arg3[%arg1, %dma_start3A_47, %dma_start3A_48] : memref<16x160x128xi32, #tpu.memory_space<hbm>> -> memref<1x160x128xi32, #tpu.memory_space<hbm>>
      %dma_start3A_50 = tpu.memref_squeeze %dma_start3A_49 : memref<1x160x128xi32, #tpu.memory_space<hbm>> -> memref<160x128xi32, #tpu.memory_space<hbm>>
      tpu.enqueue_dma source(%dma_start3A_50 : memref<160x128xi32, #tpu.memory_space<hbm>>) target(%arg6 : memref<160x128xi32, #tpu.memory_space<vmem>>) target_semaphore(%run_scoped3A : memref<!tpu.dma_semaphore, #tpu.memory_space<semaphore_mem>>)
      %dma_wait3A = arith.constant 0 : i32
      %dma_wait3A_51 = arith.constant 0 : i32
      %dma_wait3A_52 = tpu.memref_slice %arg3[%arg1, %dma_wait3A, %dma_wait3A_51] : memref<16x160x128xi32, #tpu.memory_space<hbm>> -> memref<1x160x128xi32, #tpu.memory_space<hbm>>
      %dma_wait3A_53 = tpu.memref_squeeze %dma_wait3A_52 : memref<1x160x128xi32, #tpu.memory_space<hbm>> -> memref<160x128xi32, #tpu.memory_space<hbm>>
      %dma_wait3A_54 = arith.constant 0 : i32
      %dma_wait3A_55 = arith.constant 0 : i32
      %dma_wait3A_56 = tpu.memref_slice %arg3[%arg1, %dma_wait3A_54, %dma_wait3A_55] : memref<16x160x128xi32, #tpu.memory_space<hbm>> -> memref<1x160x128xi32, #tpu.memory_space<hbm>>
      %dma_wait3A_57 = tpu.memref_squeeze %dma_wait3A_56 : memref<1x160x128xi32, #tpu.memory_space<hbm>> -> memref<160x128xi32, #tpu.memory_space<hbm>>
      tpu.wait_dma2 semaphore(%run_scoped3A : memref<!tpu.dma_semaphore, #tpu.memory_space<semaphore_mem>>) src(%dma_wait3A_57 : memref<160x128xi32, #tpu.memory_space<hbm>>) dst(%arg6 : memref<160x128xi32, #tpu.memory_space<vmem>>)
      tpu.yield
    }) : () -> ()
    "tpu.region"() ({
      %run_scoped3A = tpu.sem_alloc : memref<!tpu.dma_semaphore, #tpu.memory_space<semaphore_mem>>
      %dma_start3A = arith.constant 0 : i32
      %dma_start3A_44 = arith.constant 0 : i32
      %dma_start3A_45 = tpu.memref_slice %arg4[%arg1, %dma_start3A, %dma_start3A_44] : memref<16x160x128xi32, #tpu.memory_space<hbm>> -> memref<1x160x128xi32, #tpu.memory_space<hbm>>
      %dma_start3A_46 = tpu.memref_squeeze %dma_start3A_45 : memref<1x160x128xi32, #tpu.memory_space<hbm>> -> memref<160x128xi32, #tpu.memory_space<hbm>>
      %dma_start3A_47 = arith.constant 0 : i32
      %dma_start3A_48 = arith.constant 0 : i32
      %dma_start3A_49 = tpu.memref_slice %arg4[%arg1, %dma_start3A_47, %dma_start3A_48] : memref<16x160x128xi32, #tpu.memory_space<hbm>> -> memref<1x160x128xi32, #tpu.memory_space<hbm>>
      %dma_start3A_50 = tpu.memref_squeeze %dma_start3A_49 : memref<1x160x128xi32, #tpu.memory_space<hbm>> -> memref<160x128xi32, #tpu.memory_space<hbm>>
      tpu.enqueue_dma source(%dma_start3A_50 : memref<160x128xi32, #tpu.memory_space<hbm>>) target(%arg7 : memref<160x128xi32, #tpu.memory_space<vmem>>) target_semaphore(%run_scoped3A : memref<!tpu.dma_semaphore, #tpu.memory_space<semaphore_mem>>)
      %dma_wait3A = arith.constant 0 : i32
      %dma_wait3A_51 = arith.constant 0 : i32
      %dma_wait3A_52 = tpu.memref_slice %arg4[%arg1, %dma_wait3A, %dma_wait3A_51] : memref<16x160x128xi32, #tpu.memory_space<hbm>> -> memref<1x160x128xi32, #tpu.memory_space<hbm>>
      %dma_wait3A_53 = tpu.memref_squeeze %dma_wait3A_52 : memref<1x160x128xi32, #tpu.memory_space<hbm>> -> memref<160x128xi32, #tpu.memory_space<hbm>>
      %dma_wait3A_54 = arith.constant 0 : i32
      %dma_wait3A_55 = arith.constant 0 : i32
      %dma_wait3A_56 = tpu.memref_slice %arg4[%arg1, %dma_wait3A_54, %dma_wait3A_55] : memref<16x160x128xi32, #tpu.memory_space<hbm>> -> memref<1x160x128xi32, #tpu.memory_space<hbm>>
      %dma_wait3A_57 = tpu.memref_squeeze %dma_wait3A_56 : memref<1x160x128xi32, #tpu.memory_space<hbm>> -> memref<160x128xi32, #tpu.memory_space<hbm>>
      tpu.wait_dma2 semaphore(%run_scoped3A : memref<!tpu.dma_semaphore, #tpu.memory_space<semaphore_mem>>) src(%dma_wait3A_57 : memref<160x128xi32, #tpu.memory_space<hbm>>) dst(%arg7 : memref<160x128xi32, #tpu.memory_space<vmem>>)
      tpu.yield
    }) : () -> ()
    %scan3A_22 = arith.constant 0 : i32
    %scan3A_23 = arith.constant 0 : i32
    %scan3A_24 = arith.constant 160 : i32
    %scan3A_25 = arith.addi %scan3A_23, %scan3A_24 : i32
    %scan3A_26 = arith.constant 1 : i32
    %scan3A_27 = scf.for %scan3A_44 = %scan3A_23 to %scan3A_25 step %scan3A_26 iter_args(%scan3A_45 = %scan3A_22) -> (i32)  : i32 {
      %get3A = arith.index_cast %scan3A_44 : i32 to index
      %get3A_46 = arith.constant 0 : index
      %get3A_47 = tpu.vector_load %arg7[%get3A, %get3A_46] {strides = array<i32>} : memref<160x128xi32, #tpu.memory_space<vmem>>, vector<1x16xi32>,
      %get3A_48 = vector.shape_cast %get3A_47 : vector<1x16xi32> to vector<16xi32>
      %sub3A = vector.broadcast %mul3A_0 : i32 to vector<16xi32>
      %sub3A_49 = arith.subi %get3A_48, %sub3A : vector<16xi32>
      %ge3A = arith.constant 0 : i32
      %ge3A_50 = vector.broadcast %ge3A : i32 to vector<16xi32>
      %ge3A_51 = arith.cmpi sge, %sub3A_49, %ge3A_50 : vector<16xi32>
      %lt3A = arith.constant 5120 : i32
      %lt3A_52 = vector.broadcast %lt3A : i32 to vector<16xi32>
      %lt3A_53 = arith.cmpi slt, %sub3A_49, %lt3A_52 : vector<16xi32>
      %and3A = arith.andi %ge3A_51, %lt3A_53 : vector<16xi1>
      %jit3A = arith.constant 5120 : i32
      %broadcast_in_dim3A_54 = vector.broadcast %jit3A : i32 to vector<16xi32>
      %select_n3A = arith.select %and3A, %sub3A_49, %broadcast_in_dim3A_54 : vector<16xi1>, vector<16xi32>
      %swap3A = arith.index_cast %scan3A_44 : i32 to index
      %swap3A_55 = arith.constant 0 : index
      %swap3A_56 = tpu.vector_load %arg7[%swap3A, %swap3A_55] {strides = array<i32>} : memref<160x128xi32, #tpu.memory_space<vmem>>, vector<1x16xi32>,
      %swap3A_57 = vector.shape_cast %swap3A_56 : vector<1x16xi32> to vector<16xi32>
      %swap3A_58 = vector.shape_cast %select_n3A : vector<16xi32> to vector<1x16xi32>
      tpu.vector_store %arg7[%swap3A, %swap3A_55], %swap3A_58 {strides = array<i32>} : memref<160x128xi32, #tpu.memory_space<vmem>>, vector<1x16xi32>,
      %get3A_59 = arith.index_cast %scan3A_44 : i32 to index
      %get3A_60 = arith.constant 16 : index
      %get3A_61 = tpu.vector_load %arg7[%get3A_59, %get3A_60] {strides = array<i32>} : memref<160x128xi32, #tpu.memory_space<vmem>>, vector<1x16xi32>,
      %get3A_62 = vector.shape_cast %get3A_61 : vector<1x16xi32> to vector<16xi32>
      %sub3A_63 = vector.broadcast %mul3A_0 : i32 to vector<16xi32>
      %sub3A_64 = arith.subi %get3A_62, %sub3A_63 : vector<16xi32>
      %ge3A_65 = arith.constant 0 : i32
      %ge3A_66 = vector.broadcast %ge3A_65 : i32 to vector<16xi32>
      %ge3A_67 = arith.cmpi sge, %sub3A_64, %ge3A_66 : vector<16xi32>
      %lt3A_68 = arith.constant 5120 : i32
      %lt3A_69 = vector.broadcast %lt3A_68 : i32 to vector<16xi32>
      %lt3A_70 = arith.cmpi slt, %sub3A_64, %lt3A_69 : vector<16xi32>
      %and3A_71 = arith.andi %ge3A_67, %lt3A_70 : vector<16xi1>
      %jit3A_72 = arith.constant 5120 : i32
      %broadcast_in_dim3A_73 = vector.broadcast %jit3A_72 : i32 to vector<16xi32>
      %select_n3A_74 = arith.select %and3A_71, %sub3A_64, %broadcast_in_dim3A_73 : vector<16xi1>, vector<16xi32>
      %swap3A_75 = arith.index_cast %scan3A_44 : i32 to index
      %swap3A_76 = arith.constant 16 : index
      %swap3A_77 = tpu.vector_load %arg7[%swap3A_75, %swap3A_76] {strides = array<i32>} : memref<160x128xi32, #tpu.memory_space<vmem>>, vector<1x16xi32>,
      %swap3A_78 = vector.shape_cast %swap3A_77 : vector<1x16xi32> to vector<16xi32>
      %swap3A_79 = vector.shape_cast %select_n3A_74 : vector<16xi32> to vector<1x16xi32>
      tpu.vector_store %arg7[%swap3A_75, %swap3A_76], %swap3A_79 {strides = array<i32>} : memref<160x128xi32, #tpu.memory_space<vmem>>, vector<1x16xi32>,
      %get3A_80 = arith.index_cast %scan3A_44 : i32 to index
      %get3A_81 = arith.constant 32 : index
      %get3A_82 = tpu.vector_load %arg7[%get3A_80, %get3A_81] {strides = array<i32>} : memref<160x128xi32, #tpu.memory_space<vmem>>, vector<1x16xi32>,
      %get3A_83 = vector.shape_cast %get3A_82 : vector<1x16xi32> to vector<16xi32>
      %sub3A_84 = vector.broadcast %mul3A_0 : i32 to vector<16xi32>
      %sub3A_85 = arith.subi %get3A_83, %sub3A_84 : vector<16xi32>
      %ge3A_86 = arith.constant 0 : i32
      %ge3A_87 = vector.broadcast %ge3A_86 : i32 to vector<16xi32>
      %ge3A_88 = arith.cmpi sge, %sub3A_85, %ge3A_87 : vector<16xi32>
      %lt3A_89 = arith.constant 5120 : i32
      %lt3A_90 = vector.broadcast %lt3A_89 : i32 to vector<16xi32>
      %lt3A_91 = arith.cmpi slt, %sub3A_85, %lt3A_90 : vector<16xi32>
      %and3A_92 = arith.andi %ge3A_88, %lt3A_91 : vector<16xi1>
      %jit3A_93 = arith.constant 5120 : i32
      %broadcast_in_dim3A_94 = vector.broadcast %jit3A_93 : i32 to vector<16xi32>
      %select_n3A_95 = arith.select %and3A_92, %sub3A_85, %broadcast_in_dim3A_94 : vector<16xi1>, vector<16xi32>
      %swap3A_96 = arith.index_cast %scan3A_44 : i32 to index
      %swap3A_97 = arith.constant 32 : index
      %swap3A_98 = tpu.vector_load %arg7[%swap3A_96, %swap3A_97] {strides = array<i32>} : memref<160x128xi32, #tpu.memory_space<vmem>>, vector<1x16xi32>,
      %swap3A_99 = vector.shape_cast %swap3A_98 : vector<1x16xi32> to vector<16xi32>
      %swap3A_100 = vector.shape_cast %select_n3A_95 : vector<16xi32> to vector<1x16xi32>
      tpu.vector_store %arg7[%swap3A_96, %swap3A_97], %swap3A_100 {strides = array<i32>} : memref<160x128xi32, #tpu.memory_space<vmem>>, vector<1x16xi32>,
      %get3A_101 = arith.index_cast %scan3A_44 : i32 to index
      %get3A_102 = arith.constant 48 : index
      %get3A_103 = tpu.vector_load %arg7[%get3A_101, %get3A_102] {strides = array<i32>} : memref<160x128xi32, #tpu.memory_space<vmem>>, vector<1x16xi32>,
      %get3A_104 = vector.shape_cast %get3A_103 : vector<1x16xi32> to vector<16xi32>
      %sub3A_105 = vector.broadcast %mul3A_0 : i32 to vector<16xi32>
      %sub3A_106 = arith.subi %get3A_104, %sub3A_105 : vector<16xi32>
      %ge3A_107 = arith.constant 0 : i32
      %ge3A_108 = vector.broadcast %ge3A_107 : i32 to vector<16xi32>
      %ge3A_109 = arith.cmpi sge, %sub3A_106, %ge3A_108 : vector<16xi32>
      %lt3A_110 = arith.constant 5120 : i32
      %lt3A_111 = vector.broadcast %lt3A_110 : i32 to vector<16xi32>
      %lt3A_112 = arith.cmpi slt, %sub3A_106, %lt3A_111 : vector<16xi32>
      %and3A_113 = arith.andi %ge3A_109, %lt3A_112 : vector<16xi1>
      %jit3A_114 = arith.constant 5120 : i32
      %broadcast_in_dim3A_115 = vector.broadcast %jit3A_114 : i32 to vector<16xi32>
      %select_n3A_116 = arith.select %and3A_113, %sub3A_106, %broadcast_in_dim3A_115 : vector<16xi1>, vector<16xi32>
      %swap3A_117 = arith.index_cast %scan3A_44 : i32 to index
      %swap3A_118 = arith.constant 48 : index
      %swap3A_119 = tpu.vector_load %arg7[%swap3A_117, %swap3A_118] {strides = array<i32>} : memref<160x128xi32, #tpu.memory_space<vmem>>, vector<1x16xi32>,
      %swap3A_120 = vector.shape_cast %swap3A_119 : vector<1x16xi32> to vector<16xi32>
      %swap3A_121 = vector.shape_cast %select_n3A_116 : vector<16xi32> to vector<1x16xi32>
      tpu.vector_store %arg7[%swap3A_117, %swap3A_118], %swap3A_121 {strides = array<i32>} : memref<160x128xi32, #tpu.memory_space<vmem>>, vector<1x16xi32>,
      %get3A_122 = arith.index_cast %scan3A_44 : i32 to index
      %get3A_123 = arith.constant 64 : index
      %get3A_124 = tpu.vector_load %arg7[%get3A_122, %get3A_123] {strides = array<i32>} : memref<160x128xi32, #tpu.memory_space<vmem>>, vector<1x16xi32>,
      %get3A_125 = vector.shape_cast %get3A_124 : vector<1x16xi32> to vector<16xi32>
      %sub3A_126 = vector.broadcast %mul3A_0 : i32 to vector<16xi32>
      %sub3A_127 = arith.subi %get3A_125, %sub3A_126 : vector<16xi32>
      %ge3A_128 = arith.constant 0 : i32
      %ge3A_129 = vector.broadcast %ge3A_128 : i32 to vector<16xi32>
      %ge3A_130 = arith.cmpi sge, %sub3A_127, %ge3A_129 : vector<16xi32>
      %lt3A_131 = arith.constant 5120 : i32
      %lt3A_132 = vector.broadcast %lt3A_131 : i32 to vector<16xi32>
      %lt3A_133 = arith.cmpi slt, %sub3A_127, %lt3A_132 : vector<16xi32>
      %and3A_134 = arith.andi %ge3A_130, %lt3A_133 : vector<16xi1>
      %jit3A_135 = arith.constant 5120 : i32
      %broadcast_in_dim3A_136 = vector.broadcast %jit3A_135 : i32 to vector<16xi32>
      %select_n3A_137 = arith.select %and3A_134, %sub3A_127, %broadcast_in_dim3A_136 : vector<16xi1>, vector<16xi32>
      %swap3A_138 = arith.index_cast %scan3A_44 : i32 to index
      %swap3A_139 = arith.constant 64 : index
      %swap3A_140 = tpu.vector_load %arg7[%swap3A_138, %swap3A_139] {strides = array<i32>} : memref<160x128xi32, #tpu.memory_space<vmem>>, vector<1x16xi32>,
      %swap3A_141 = vector.shape_cast %swap3A_140 : vector<1x16xi32> to vector<16xi32>
      %swap3A_142 = vector.shape_cast %select_n3A_137 : vector<16xi32> to vector<1x16xi32>
      tpu.vector_store %arg7[%swap3A_138, %swap3A_139], %swap3A_142 {strides = array<i32>} : memref<160x128xi32, #tpu.memory_space<vmem>>, vector<1x16xi32>,
      %get3A_143 = arith.index_cast %scan3A_44 : i32 to index
      %get3A_144 = arith.constant 80 : index
      %get3A_145 = tpu.vector_load %arg7[%get3A_143, %get3A_144] {strides = array<i32>} : memref<160x128xi32, #tpu.memory_space<vmem>>, vector<1x16xi32>,
      %get3A_146 = vector.shape_cast %get3A_145 : vector<1x16xi32> to vector<16xi32>
      %sub3A_147 = vector.broadcast %mul3A_0 : i32 to vector<16xi32>
      %sub3A_148 = arith.subi %get3A_146, %sub3A_147 : vector<16xi32>
      %ge3A_149 = arith.constant 0 : i32
      %ge3A_150 = vector.broadcast %ge3A_149 : i32 to vector<16xi32>
      %ge3A_151 = arith.cmpi sge, %sub3A_148, %ge3A_150 : vector<16xi32>
      %lt3A_152 = arith.constant 5120 : i32
      %lt3A_153 = vector.broadcast %lt3A_152 : i32 to vector<16xi32>
      %lt3A_154 = arith.cmpi slt, %sub3A_148, %lt3A_153 : vector<16xi32>
      %and3A_155 = arith.andi %ge3A_151, %lt3A_154 : vector<16xi1>
      %jit3A_156 = arith.constant 5120 : i32
      %broadcast_in_dim3A_157 = vector.broadcast %jit3A_156 : i32 to vector<16xi32>
      %select_n3A_158 = arith.select %and3A_155, %sub3A_148, %broadcast_in_dim3A_157 : vector<16xi1>, vector<16xi32>
      %swap3A_159 = arith.index_cast %scan3A_44 : i32 to index
      %swap3A_160 = arith.constant 80 : index
      %swap3A_161 = tpu.vector_load %arg7[%swap3A_159, %swap3A_160] {strides = array<i32>} : memref<160x128xi32, #tpu.memory_space<vmem>>, vector<1x16xi32>,
      %swap3A_162 = vector.shape_cast %swap3A_161 : vector<1x16xi32> to vector<16xi32>
      %swap3A_163 = vector.shape_cast %select_n3A_158 : vector<16xi32> to vector<1x16xi32>
      tpu.vector_store %arg7[%swap3A_159, %swap3A_160], %swap3A_163 {strides = array<i32>} : memref<160x128xi32, #tpu.memory_space<vmem>>, vector<1x16xi32>,
      %get3A_164 = arith.index_cast %scan3A_44 : i32 to index
      %get3A_165 = arith.constant 96 : index
      %get3A_166 = tpu.vector_load %arg7[%get3A_164, %get3A_165] {strides = array<i32>} : memref<160x128xi32, #tpu.memory_space<vmem>>, vector<1x16xi32>,
      %get3A_167 = vector.shape_cast %get3A_166 : vector<1x16xi32> to vector<16xi32>
      %sub3A_168 = vector.broadcast %mul3A_0 : i32 to vector<16xi32>
      %sub3A_169 = arith.subi %get3A_167, %sub3A_168 : vector<16xi32>
      %ge3A_170 = arith.constant 0 : i32
      %ge3A_171 = vector.broadcast %ge3A_170 : i32 to vector<16xi32>
      %ge3A_172 = arith.cmpi sge, %sub3A_169, %ge3A_171 : vector<16xi32>
      %lt3A_173 = arith.constant 5120 : i32
      %lt3A_174 = vector.broadcast %lt3A_173 : i32 to vector<16xi32>
      %lt3A_175 = arith.cmpi slt, %sub3A_169, %lt3A_174 : vector<16xi32>
      %and3A_176 = arith.andi %ge3A_172, %lt3A_175 : vector<16xi1>
      %jit3A_177 = arith.constant 5120 : i32
      %broadcast_in_dim3A_178 = vector.broadcast %jit3A_177 : i32 to vector<16xi32>
      %select_n3A_179 = arith.select %and3A_176, %sub3A_169, %broadcast_in_dim3A_178 : vector<16xi1>, vector<16xi32>
      %swap3A_180 = arith.index_cast %scan3A_44 : i32 to index
      %swap3A_181 = arith.constant 96 : index
      %swap3A_182 = tpu.vector_load %arg7[%swap3A_180, %swap3A_181] {strides = array<i32>} : memref<160x128xi32, #tpu.memory_space<vmem>>, vector<1x16xi32>,
      %swap3A_183 = vector.shape_cast %swap3A_182 : vector<1x16xi32> to vector<16xi32>
      %swap3A_184 = vector.shape_cast %select_n3A_179 : vector<16xi32> to vector<1x16xi32>
      tpu.vector_store %arg7[%swap3A_180, %swap3A_181], %swap3A_184 {strides = array<i32>} : memref<160x128xi32, #tpu.memory_space<vmem>>, vector<1x16xi32>,
      %get3A_185 = arith.index_cast %scan3A_44 : i32 to index
      %get3A_186 = arith.constant 112 : index
      %get3A_187 = tpu.vector_load %arg7[%get3A_185, %get3A_186] {strides = array<i32>} : memref<160x128xi32, #tpu.memory_space<vmem>>, vector<1x16xi32>,
      %get3A_188 = vector.shape_cast %get3A_187 : vector<1x16xi32> to vector<16xi32>
      %sub3A_189 = vector.broadcast %mul3A_0 : i32 to vector<16xi32>
      %sub3A_190 = arith.subi %get3A_188, %sub3A_189 : vector<16xi32>
      %ge3A_191 = arith.constant 0 : i32
      %ge3A_192 = vector.broadcast %ge3A_191 : i32 to vector<16xi32>
      %ge3A_193 = arith.cmpi sge, %sub3A_190, %ge3A_192 : vector<16xi32>
      %lt3A_194 = arith.constant 5120 : i32
      %lt3A_195 = vector.broadcast %lt3A_194 : i32 to vector<16xi32>
      %lt3A_196 = arith.cmpi slt, %sub3A_190, %lt3A_195 : vector<16xi32>
      %and3A_197 = arith.andi %ge3A_193, %lt3A_196 : vector<16xi1>
      %jit3A_198 = arith.constant 5120 : i32
      %broadcast_in_dim3A_199 = vector.broadcast %jit3A_198 : i32 to vector<16xi32>
      %select_n3A_200 = arith.select %and3A_197, %sub3A_190, %broadcast_in_dim3A_199 : vector<16xi1>, vector<16xi32>
      %swap3A_201 = arith.index_cast %scan3A_44 : i32 to index
      %swap3A_202 = arith.constant 112 : index
      %swap3A_203 = tpu.vector_load %arg7[%swap3A_201, %swap3A_202] {strides = array<i32>} : memref<160x128xi32, #tpu.memory_space<vmem>>, vector<1x16xi32>,
      %swap3A_204 = vector.shape_cast %swap3A_203 : vector<1x16xi32> to vector<16xi32>
      %swap3A_205 = vector.shape_cast %select_n3A_200 : vector<16xi32> to vector<1x16xi32>
      tpu.vector_store %arg7[%swap3A_201, %swap3A_202], %swap3A_205 {strides = array<i32>} : memref<160x128xi32, #tpu.memory_space<vmem>>, vector<1x16xi32>,
      %scan3A_206 = arith.constant 0 : i32
      scf.yield %scan3A_206 : i32
    }
    %scan3A_28 = arith.constant 160 : i32
    %scan3A_29 = arith.constant 0 : i32
    %scan3A_30 = arith.constant 0 : i32
    %scan3A_31 = arith.constant 160 : i32
    %scan3A_32 = arith.addi %scan3A_30, %scan3A_31 : i32
    %scan3A_33 = arith.constant 1 : i32
    %scan3A_34 = scf.for %scan3A_44 = %scan3A_30 to %scan3A_32 step %scan3A_33 iter_args(%scan3A_45 = %scan3A_29) -> (i32)  : i32 {
      %dma_start3A = arith.constant 0 : i32
      %dma_start3A_46 = tpu.memref_slice %arg6[%scan3A_44, %dma_start3A] : memref<160x128xi32, #tpu.memory_space<vmem>> -> memref<1x128xi32, #tpu.memory_space<vmem>>
      %dma_start3A_47 = tpu.memref_squeeze %dma_start3A_46 : memref<1x128xi32, #tpu.memory_space<vmem>> -> memref<128xi32, #tpu.memory_space<vmem>>
      %dma_start3A_48 = arith.constant 0 : i32
      %dma_start3A_49 = arith.constant 0 : i32
      %dma_start3A_50 = tpu.memref_slice %arg2[%dma_start3A_48, %dma_start3A_49] : memref<10240x128xf32, #tpu.memory_space<hbm>> -> memref<10240x128xf32, #tpu.memory_space<hbm>>
      tpu.enqueue_indirect_dma source(%dma_start3A_50 : memref<10240x128xf32, #tpu.memory_space<hbm>>) target(%arg8 : memref<128x128xf32, #tpu.memory_space<vmem>>) offsets(%dma_start3A_47 : memref<128xi32, #tpu.memory_space<vmem>>) semaphore(%arg13 : memref<!tpu.dma_semaphore, #tpu.memory_space<semaphore_mem>>)
      %dma_wait3A = arith.constant 0 : i32
      %dma_wait3A_51 = tpu.memref_slice %arg6[%scan3A_44, %dma_wait3A] : memref<160x128xi32, #tpu.memory_space<vmem>> -> memref<1x128xi32, #tpu.memory_space<vmem>>
      %dma_wait3A_52 = tpu.memref_squeeze %dma_wait3A_51 : memref<1x128xi32, #tpu.memory_space<vmem>> -> memref<128xi32, #tpu.memory_space<vmem>>
      %dma_wait3A_53 = arith.constant 0 : i32
      %dma_wait3A_54 = arith.constant 0 : i32
      %dma_wait3A_55 = tpu.memref_slice %arg2[%dma_wait3A_53, %dma_wait3A_54] : memref<10240x128xf32, #tpu.memory_space<hbm>> -> memref<10240x128xf32, #tpu.memory_space<hbm>>
      tpu.wait_indirect_dma semaphore(%arg13 : memref<!tpu.dma_semaphore, #tpu.memory_space<semaphore_mem>>) src(%dma_wait3A_55 : memref<10240x128xf32, #tpu.memory_space<hbm>>) dst(%arg8 : memref<128x128xf32, #tpu.memory_space<vmem>>)
      "tpu.region"() ({
        %run_scoped3A = tpu.sem_alloc : memref<!tpu.dma_semaphore, #tpu.memory_space<semaphore_mem>>
        %dma_start3A_57 = arith.constant 0 : i32
        %dma_start3A_58 = tpu.memref_slice %arg7[%scan3A_44, %dma_start3A_57] : memref<160x128xi32, #tpu.memory_space<vmem>> -> memref<1x128xi32, #tpu.memory_space<vmem>>
        %dma_start3A_59 = tpu.memref_squeeze %dma_start3A_58 : memref<1x128xi32, #tpu.memory_space<vmem>> -> memref<128xi32, #tpu.memory_space<vmem>>
        %dma_start3A_60 = arith.constant 0 : i32
        %dma_start3A_61 = arith.constant 0 : i32
        %dma_start3A_62 = tpu.memref_slice %arg12[%dma_start3A_60, %dma_start3A_61] : memref<5128x128xf32, #tpu.memory_space<vmem_shared>> -> memref<5128x128xf32, #tpu.memory_space<vmem_shared>>
        tpu.enqueue_indirect_dma source(%arg8 : memref<128x128xf32, #tpu.memory_space<vmem>>) target(%dma_start3A_62 : memref<5128x128xf32, #tpu.memory_space<vmem_shared>>) offsets(%dma_start3A_59 : memref<128xi32, #tpu.memory_space<vmem>>) semaphore(%run_scoped3A : memref<!tpu.dma_semaphore, #tpu.memory_space<semaphore_mem>>) {add = true}
        %dma_wait3A_63 = arith.constant 0 : i32
        %dma_wait3A_64 = tpu.memref_slice %arg7[%scan3A_44, %dma_wait3A_63] : memref<160x128xi32, #tpu.memory_space<vmem>> -> memref<1x128xi32, #tpu.memory_space<vmem>>
        %dma_wait3A_65 = tpu.memref_squeeze %dma_wait3A_64 : memref<1x128xi32, #tpu.memory_space<vmem>> -> memref<128xi32, #tpu.memory_space<vmem>>
        %dma_wait3A_66 = arith.constant 0 : i32
        %dma_wait3A_67 = arith.constant 0 : i32
        %dma_wait3A_68 = tpu.memref_slice %arg12[%dma_wait3A_66, %dma_wait3A_67] : memref<5128x128xf32, #tpu.memory_space<vmem_shared>> -> memref<5128x128xf32, #tpu.memory_space<vmem_shared>>
        tpu.wait_indirect_dma semaphore(%run_scoped3A : memref<!tpu.dma_semaphore, #tpu.memory_space<semaphore_mem>>) src(%arg8 : memref<128x128xf32, #tpu.memory_space<vmem>>) dst(%dma_wait3A_68 : memref<5128x128xf32, #tpu.memory_space<vmem_shared>>)
        tpu.yield
      }) : () -> ()
      %scan3A_56 = arith.constant 0 : i32
      scf.yield %scan3A_56 : i32
    }
    %scan3A_35 = arith.constant 160 : i32
    %barrier3A_36 = arith.constant 0 : index
    tpu.barrier barrier_id(%barrier3A_36)
    %scan3A_37 = arith.constant 0 : i32
    %scan3A_38 = arith.constant 0 : i32
    %scan3A_39 = arith.constant 5 : i32
    %scan3A_40 = arith.addi %scan3A_38, %scan3A_39 : i32
    %scan3A_41 = arith.constant 1 : i32
    %scan3A_42 = scf.for %scan3A_44 = %scan3A_38 to %scan3A_40 step %scan3A_41 iter_args(%scan3A_45 = %scan3A_37) -> (i32)  : i32 {
      "tpu.region"() ({
        %run_scoped3A = tpu.sem_alloc : memref<!tpu.dma_semaphore, #tpu.memory_space<semaphore_mem>>
        %dma_start3A = arith.constant 0 : i32
        %dma_start3A_51 = tpu.memref_slice %arg10[%scan3A_44, %dma_start3A] : memref<5x64xi32, #tpu.memory_space<vmem>> -> memref<1x64xi32, #tpu.memory_space<vmem>>
        %dma_start3A_52 = tpu.memref_squeeze %dma_start3A_51 : memref<1x64xi32, #tpu.memory_space<vmem>> -> memref<64xi32, #tpu.memory_space<vmem>>
        %dma_start3A_53 = arith.constant 0 : i32
        %dma_start3A_54 = arith.constant 0 : i32
        %dma_start3A_55 = tpu.memref_slice %arg12[%dma_start3A_53, %dma_start3A_54] : memref<5128x128xf32, #tpu.memory_space<vmem_shared>> -> memref<5128x128xf32, #tpu.memory_space<vmem_shared>>
        tpu.enqueue_indirect_dma source(%dma_start3A_55 : memref<5128x128xf32, #tpu.memory_space<vmem_shared>>) target(%arg11 : memref<64x128xf32, #tpu.memory_space<vmem>>) offsets(%dma_start3A_52 : memref<64xi32, #tpu.memory_space<vmem>>) semaphore(%run_scoped3A : memref<!tpu.dma_semaphore, #tpu.memory_space<semaphore_mem>>)
        %dma_wait3A = arith.constant 0 : i32
        %dma_wait3A_56 = tpu.memref_slice %arg10[%scan3A_44, %dma_wait3A] : memref<5x64xi32, #tpu.memory_space<vmem>> -> memref<1x64xi32, #tpu.memory_space<vmem>>
        %dma_wait3A_57 = tpu.memref_squeeze %dma_wait3A_56 : memref<1x64xi32, #tpu.memory_space<vmem>> -> memref<64xi32, #tpu.memory_space<vmem>>
        %dma_wait3A_58 = arith.constant 0 : i32
        %dma_wait3A_59 = arith.constant 0 : i32
        %dma_wait3A_60 = tpu.memref_slice %arg12[%dma_wait3A_58, %dma_wait3A_59] : memref<5128x128xf32, #tpu.memory_space<vmem_shared>> -> memref<5128x128xf32, #tpu.memory_space<vmem_shared>>
        tpu.wait_indirect_dma semaphore(%run_scoped3A : memref<!tpu.dma_semaphore, #tpu.memory_space<semaphore_mem>>) src(%dma_wait3A_60 : memref<5128x128xf32, #tpu.memory_space<vmem_shared>>) dst(%arg11 : memref<64x128xf32, #tpu.memory_space<vmem>>)
        tpu.yield
      }) : () -> ()
      %mul3A_46 = arith.constant 320 : i32
      %mul3A_47 = arith.muli %arg1, %mul3A_46 : i32
      %mul3A_48 = arith.constant 64 : i32
      %mul3A_49 = arith.muli %scan3A_44, %mul3A_48 : i32
      %add3A = arith.addi %mul3A_47, %mul3A_49 : i32
      "tpu.region"() ({
        %run_scoped3A = tpu.sem_alloc : memref<!tpu.dma_semaphore, #tpu.memory_space<semaphore_mem>>
        %dma_start3A = arith.constant 0 : i32
        %dma_start3A_51 = tpu.memref_slice %arg5[%arg0, %add3A, %dma_start3A] : memref<2x5120x128xf32, #tpu.memory_space<hbm>> -> memref<1x64x128xf32, #tpu.memory_space<hbm>>
        %dma_start3A_52 = tpu.memref_squeeze %dma_start3A_51 : memref<1x64x128xf32, #tpu.memory_space<hbm>> -> memref<64x128xf32, #tpu.memory_space<hbm>>
        %dma_start3A_53 = arith.constant 0 : i32
        %dma_start3A_54 = tpu.memref_slice %arg5[%arg0, %add3A, %dma_start3A_53] : memref<2x5120x128xf32, #tpu.memory_space<hbm>> -> memref<1x64x128xf32, #tpu.memory_space<hbm>>
        %dma_start3A_55 = tpu.memref_squeeze %dma_start3A_54 : memref<1x64x128xf32, #tpu.memory_space<hbm>> -> memref<64x128xf32, #tpu.memory_space<hbm>>
        tpu.enqueue_dma source(%arg11 : memref<64x128xf32, #tpu.memory_space<vmem>>) target(%dma_start3A_55 : memref<64x128xf32, #tpu.memory_space<hbm>>) target_semaphore(%run_scoped3A : memref<!tpu.dma_semaphore, #tpu.memory_space<semaphore_mem>>)
        %dma_wait3A = arith.constant 0 : i32
        %dma_wait3A_56 = tpu.memref_slice %arg5[%arg0, %add3A, %dma_wait3A] : memref<2x5120x128xf32, #tpu.memory_space<hbm>> -> memref<1x64x128xf32, #tpu.memory_space<hbm>>
        %dma_wait3A_57 = tpu.memref_squeeze %dma_wait3A_56 : memref<1x64x128xf32, #tpu.memory_space<hbm>> -> memref<64x128xf32, #tpu.memory_space<hbm>>
        %dma_wait3A_58 = arith.constant 0 : i32
        %dma_wait3A_59 = tpu.memref_slice %arg5[%arg0, %add3A, %dma_wait3A_58] : memref<2x5120x128xf32, #tpu.memory_space<hbm>> -> memref<1x64x128xf32, #tpu.memory_space<hbm>>
        %dma_wait3A_60 = tpu.memref_squeeze %dma_wait3A_59 : memref<1x64x128xf32, #tpu.memory_space<hbm>> -> memref<64x128xf32, #tpu.memory_space<hbm>>
        tpu.wait_dma2 semaphore(%run_scoped3A : memref<!tpu.dma_semaphore, #tpu.memory_space<semaphore_mem>>) src(%arg11 : memref<64x128xf32, #tpu.memory_space<vmem>>) dst(%dma_wait3A_60 : memref<64x128xf32, #tpu.memory_space<hbm>>)
        tpu.yield
      }) : () -> ()
      %scan3A_50 = arith.constant 0 : i32
      scf.yield %scan3A_50 : i32
    }
    %scan3A_43 = arith.constant 5 : i32
    return
  }
}

module attributes {stable_mosaic.version = 14 : i64} {
  func.func @_k1_body(%arg0: i32, %arg1: memref<1x640x16xf32, #tpu.memory_space<vmem>>, %arg2: memref<640x128xf32, #tpu.memory_space<vmem>>, %arg3: memref<128x128xf32, #tpu.memory_space<vmem>>, %arg4: memref<640x128xf32, #tpu.memory_space<vmem>>) attributes {dimension_semantics = [#tpu.dimension_semantics<arbitrary>], iteration_bounds = array<i64: 16>, scalar_prefetch = 0 : i64, scratch_operands = 0 : i64, tpu.core_type = #tpu.core_type<tc>, window_params = [{transform_indices = @transform_0, window_bounds = array<i64: 1, 640, 16>}, {transform_indices = @transform_1, window_bounds = array<i64: 640, 128>}, {pipeline_mode = #tpu.pipeline_mode<synchronous>, transform_indices = @transform_2, window_bounds = array<i64: 128, 128>}, {transform_indices = @transform_3, window_bounds = array<i64: 640, 128>}]} {
    %get3A = arith.constant 0 : index
    %get3A_0 = arith.constant 0 : index
    %get3A_1 = arith.constant 0 : index
    %get3A_2 = vector.load %arg1[%get3A, %get3A_0, %get3A_1] : memref<1x640x16xf32, #tpu.memory_space<vmem>>, vector<1x640x1xf32>
    %get3A_3 = vector.shape_cast %get3A_2 : vector<1x640x1xf32> to vector<640xf32>
    %add3A = arith.constant 1.000000e+00 : f32
    %add3A_4 = vector.broadcast %add3A : f32 to vector<640xf32>
    %add3A_5 = arith.addf %get3A_3, %add3A_4 : vector<640xf32>
    %rsqrt3A = math.rsqrt %add3A_5 : vector<640xf32>
    %get3A_6 = arith.constant 0 : index
    %get3A_7 = arith.constant 0 : index
    %get3A_8 = vector.load %arg2[%get3A_6, %get3A_7] : memref<640x128xf32, #tpu.memory_space<vmem>>, vector<640x128xf32>
    %get3A_9 = arith.constant 0 : index
    %get3A_10 = arith.constant 0 : index
    %get3A_11 = vector.load %arg3[%get3A_9, %get3A_10] : memref<128x128xf32, #tpu.memory_space<vmem>>, vector<128x128xf32>
    %dot_general3A = arith.constant dense<0.000000e+00> : vector<640x128xf32>
    %dot_general3A_12 = tpu.matmul %get3A_8, %get3A_11, %dot_general3A {dimension_numbers = #tpu.dot_dimension_numbers<[1], [0], [0], [1], [0, 0, 1, 1], [], []>, transpose_lhs_hint = false} : vector<640x128xf32>, vector<128x128xf32>, vector<640x128xf32> -> vector<640x128xf32>
    %broadcast_in_dim3A = vector.shape_cast %rsqrt3A : vector<640xf32> to vector<640x1xf32>
    %mul3A = vector.broadcast %broadcast_in_dim3A : vector<640x1xf32> to vector<640x128xf32>
    %mul3A_13 = arith.mulf %mul3A, %dot_general3A_12 : vector<640x128xf32>
    %swap3A = arith.constant 0 : index
    %swap3A_14 = arith.constant 0 : index
    %swap3A_15 = vector.load %arg4[%swap3A, %swap3A_14] : memref<640x128xf32, #tpu.memory_space<vmem>>, vector<640x128xf32>
    tpu.vector_store %arg4[%swap3A, %swap3A_14], %mul3A_13 {strides = array<i32>} : memref<640x128xf32, #tpu.memory_space<vmem>>, vector<640x128xf32>,
    return
  }
  func.func @transform_0(%arg0: i32) -> (i32, i32, i32) {
    %jit3A = arith.constant 8 : i32
    %div3A = arith.divsi %arg0, %jit3A : i32
    %sign3A = arith.constant 0 : i32
    %sign3A_0 = arith.cmpi sgt, %arg0, %sign3A : i32
    %sign3A_1 = arith.extui %sign3A_0 : i1 to i32
    %sign3A_2 = arith.constant 0 : i32
    %sign3A_3 = arith.cmpi slt, %arg0, %sign3A_2 : i32
    %sign3A_4 = arith.extui %sign3A_3 : i1 to i32
    %sign3A_5 = arith.subi %sign3A_1, %sign3A_4 : i32
    %sign3A_6 = arith.constant 0 : i32
    %sign3A_7 = arith.cmpi sgt, %jit3A, %sign3A_6 : i32
    %sign3A_8 = arith.extui %sign3A_7 : i1 to i32
    %sign3A_9 = arith.constant 0 : i32
    %sign3A_10 = arith.cmpi slt, %jit3A, %sign3A_9 : i32
    %sign3A_11 = arith.extui %sign3A_10 : i1 to i32
    %sign3A_12 = arith.subi %sign3A_8, %sign3A_11 : i32
    %ne3A = arith.cmpi ne, %sign3A_5, %sign3A_12 : i32
    %rem3A = arith.remsi %arg0, %jit3A : i32
    %ne3A_13 = arith.constant 0 : i32
    %ne3A_14 = arith.cmpi ne, %rem3A, %ne3A_13 : i32
    %and3A = arith.andi %ne3A, %ne3A_14 : i1
    %sub3A = arith.constant 1 : i32
    %sub3A_15 = arith.subi %div3A, %sub3A : i32
    %select_n3A = arith.select %and3A, %sub3A_15, %div3A : i32
    %jit3A_16 = arith.constant 8 : i32
    %eq3A = arith.constant 0 : i32
    %eq3A_17 = arith.cmpi eq, %jit3A_16, %eq3A : i32
    %jit3A_18 = arith.constant 1 : i32
    %select_n3A_19 = arith.select %eq3A_17, %jit3A_18, %jit3A_16 : i32
    %rem3A_20 = arith.remsi %arg0, %select_n3A_19 : i32
    %ne3A_21 = arith.constant 0 : i32
    %ne3A_22 = arith.cmpi ne, %rem3A_20, %ne3A_21 : i32
    %lt3A = arith.constant 0 : i32
    %lt3A_23 = arith.cmpi slt, %rem3A_20, %lt3A : i32
    %lt3A_24 = arith.constant 0 : i32
    %lt3A_25 = arith.cmpi slt, %select_n3A_19, %lt3A_24 : i32
    %ne3A_26 = arith.xori %lt3A_23, %lt3A_25 : i1
    %and3A_27 = arith.andi %ne3A_26, %ne3A_22 : i1
    %add3A = arith.addi %rem3A_20, %select_n3A_19 : i32
    %select_n3A_28 = arith.select %and3A_27, %add3A, %rem3A_20 : i32
    %c0_i32 = arith.constant 0 : i32
    %c0_i32_29 = arith.constant 0 : i32
    return %select_n3A, %select_n3A_28, %c0_i32 : i32, i32, i32
  }
  func.func @transform_1(%arg0: i32) -> (i32, i32) {
    %c0_i32 = arith.constant 0 : i32
    %c0_i32_0 = arith.constant 0 : i32
    return %arg0, %c0_i32 : i32, i32
  }
  func.func @transform_2(%arg0: i32) -> (i32, i32) {
    %c0_i32 = arith.constant 0 : i32
    %c0_i32_0 = arith.constant 0 : i32
    %c0_i32_1 = arith.constant 0 : i32
    return %c0_i32, %c0_i32_0 : i32, i32
  }
  func.func @transform_3(%arg0: i32) -> (i32, i32) {
    %c0_i32 = arith.constant 0 : i32
    %c0_i32_0 = arith.constant 0 : i32
    return %arg0, %c0_i32 : i32, i32
  }
}

module attributes {stable_mosaic.version = 14 : i64} {
  func.func @_k3_body(%arg0: i32, %arg1: memref<1x640x16xf32, #tpu.memory_space<vmem>>, %arg2: memref<1x640x128xf32, #tpu.memory_space<vmem>>, %arg3: memref<640x128xf32, #tpu.memory_space<vmem>>, %arg4: memref<1x128xf32, #tpu.memory_space<vmem>>, %arg5: memref<128x128xf32, #tpu.memory_space<vmem>>, %arg6: memref<640x128xf32, #tpu.memory_space<vmem>>) attributes {dimension_semantics = [#tpu.dimension_semantics<arbitrary>], iteration_bounds = array<i64: 16>, scalar_prefetch = 0 : i64, scratch_operands = 0 : i64, tpu.core_type = #tpu.core_type<tc>, window_params = [{transform_indices = @transform_0, window_bounds = array<i64: 1, 640, 16>}, {transform_indices = @transform_1, window_bounds = array<i64: 1, 640, 128>}, {transform_indices = @transform_2, window_bounds = array<i64: 640, 128>}, {pipeline_mode = #tpu.pipeline_mode<synchronous>, transform_indices = @transform_3, window_bounds = array<i64: 1, 128>}, {pipeline_mode = #tpu.pipeline_mode<synchronous>, transform_indices = @transform_4, window_bounds = array<i64: 128, 128>}, {transform_indices = @transform_5, window_bounds = array<i64: 640, 128>}]} {
    %get3A = arith.constant 0 : index
    %get3A_0 = arith.constant 0 : index
    %get3A_1 = arith.constant 0 : index
    %get3A_2 = vector.load %arg1[%get3A, %get3A_0, %get3A_1] : memref<1x640x16xf32, #tpu.memory_space<vmem>>, vector<1x640x1xf32>
    %get3A_3 = vector.shape_cast %get3A_2 : vector<1x640x1xf32> to vector<640xf32>
    %add3A = arith.constant 1.000000e+00 : f32
    %add3A_4 = vector.broadcast %add3A : f32 to vector<640xf32>
    %add3A_5 = arith.addf %get3A_3, %add3A_4 : vector<640xf32>
    %rsqrt3A = math.rsqrt %add3A_5 : vector<640xf32>
    %get3A_6 = arith.constant 0 : index
    %get3A_7 = arith.constant 0 : index
    %get3A_8 = arith.constant 0 : index
    %get3A_9 = vector.load %arg2[%get3A_6, %get3A_7, %get3A_8] : memref<1x640x128xf32, #tpu.memory_space<vmem>>, vector<1x640x128xf32>
    %get3A_10 = vector.shape_cast %get3A_9 : vector<1x640x128xf32> to vector<640x128xf32>
    %get3A_11 = arith.constant 0 : index
    %get3A_12 = arith.constant 0 : index
    %get3A_13 = vector.load %arg3[%get3A_11, %get3A_12] : memref<640x128xf32, #tpu.memory_space<vmem>>, vector<640x128xf32>
    %add3A_14 = arith.addf %get3A_10, %get3A_13 : vector<640x128xf32>
    %broadcast_in_dim3A = vector.shape_cast %rsqrt3A : vector<640xf32> to vector<640x1xf32>
    %mul3A = vector.broadcast %broadcast_in_dim3A : vector<640x1xf32> to vector<640x128xf32>
    %mul3A_15 = arith.mulf %mul3A, %add3A_14 : vector<640x128xf32>
    %get3A_16 = arith.constant 0 : index
    %get3A_17 = arith.constant 0 : index
    %get3A_18 = vector.load %arg4[%get3A_16, %get3A_17] : memref<1x128xf32, #tpu.memory_space<vmem>>, vector<1x128xf32>
    %add3A_19 = vector.broadcast %get3A_18 : vector<1x128xf32> to vector<640x128xf32>
    %add3A_20 = arith.addf %mul3A_15, %add3A_19 : vector<640x128xf32>
    %max3A = arith.constant 0.000000e+00 : f32
    %max3A_21 = vector.broadcast %max3A : f32 to vector<640x128xf32>
    %max3A_22 = arith.maximumf %add3A_20, %max3A_21 : vector<640x128xf32>
    %get3A_23 = arith.constant 0 : index
    %get3A_24 = arith.constant 0 : index
    %get3A_25 = vector.load %arg5[%get3A_23, %get3A_24] : memref<128x128xf32, #tpu.memory_space<vmem>>, vector<128x128xf32>
    %dot_general3A = arith.constant dense<0.000000e+00> : vector<640x128xf32>
    %dot_general3A_26 = tpu.matmul %max3A_22, %get3A_25, %dot_general3A {dimension_numbers = #tpu.dot_dimension_numbers<[1], [0], [0], [1], [0, 0, 1, 1], [], []>, transpose_lhs_hint = false} : vector<640x128xf32>, vector<128x128xf32>, vector<640x128xf32> -> vector<640x128xf32>
    %broadcast_in_dim3A_27 = vector.shape_cast %rsqrt3A : vector<640xf32> to vector<640x1xf32>
    %mul3A_28 = vector.broadcast %broadcast_in_dim3A_27 : vector<640x1xf32> to vector<640x128xf32>
    %mul3A_29 = arith.mulf %mul3A_28, %dot_general3A_26 : vector<640x128xf32>
    %swap3A = arith.constant 0 : index
    %swap3A_30 = arith.constant 0 : index
    %swap3A_31 = vector.load %arg6[%swap3A, %swap3A_30] : memref<640x128xf32, #tpu.memory_space<vmem>>, vector<640x128xf32>
    tpu.vector_store %arg6[%swap3A, %swap3A_30], %mul3A_29 {strides = array<i32>} : memref<640x128xf32, #tpu.memory_space<vmem>>, vector<640x128xf32>,
    return
  }
  func.func @transform_0(%arg0: i32) -> (i32, i32, i32) {
    %jit3A = arith.constant 8 : i32
    %div3A = arith.divsi %arg0, %jit3A : i32
    %sign3A = arith.constant 0 : i32
    %sign3A_0 = arith.cmpi sgt, %arg0, %sign3A : i32
    %sign3A_1 = arith.extui %sign3A_0 : i1 to i32
    %sign3A_2 = arith.constant 0 : i32
    %sign3A_3 = arith.cmpi slt, %arg0, %sign3A_2 : i32
    %sign3A_4 = arith.extui %sign3A_3 : i1 to i32
    %sign3A_5 = arith.subi %sign3A_1, %sign3A_4 : i32
    %sign3A_6 = arith.constant 0 : i32
    %sign3A_7 = arith.cmpi sgt, %jit3A, %sign3A_6 : i32
    %sign3A_8 = arith.extui %sign3A_7 : i1 to i32
    %sign3A_9 = arith.constant 0 : i32
    %sign3A_10 = arith.cmpi slt, %jit3A, %sign3A_9 : i32
    %sign3A_11 = arith.extui %sign3A_10 : i1 to i32
    %sign3A_12 = arith.subi %sign3A_8, %sign3A_11 : i32
    %ne3A = arith.cmpi ne, %sign3A_5, %sign3A_12 : i32
    %rem3A = arith.remsi %arg0, %jit3A : i32
    %ne3A_13 = arith.constant 0 : i32
    %ne3A_14 = arith.cmpi ne, %rem3A, %ne3A_13 : i32
    %and3A = arith.andi %ne3A, %ne3A_14 : i1
    %sub3A = arith.constant 1 : i32
    %sub3A_15 = arith.subi %div3A, %sub3A : i32
    %select_n3A = arith.select %and3A, %sub3A_15, %div3A : i32
    %jit3A_16 = arith.constant 8 : i32
    %eq3A = arith.constant 0 : i32
    %eq3A_17 = arith.cmpi eq, %jit3A_16, %eq3A : i32
    %jit3A_18 = arith.constant 1 : i32
    %select_n3A_19 = arith.select %eq3A_17, %jit3A_18, %jit3A_16 : i32
    %rem3A_20 = arith.remsi %arg0, %select_n3A_19 : i32
    %ne3A_21 = arith.constant 0 : i32
    %ne3A_22 = arith.cmpi ne, %rem3A_20, %ne3A_21 : i32
    %lt3A = arith.constant 0 : i32
    %lt3A_23 = arith.cmpi slt, %rem3A_20, %lt3A : i32
    %lt3A_24 = arith.constant 0 : i32
    %lt3A_25 = arith.cmpi slt, %select_n3A_19, %lt3A_24 : i32
    %ne3A_26 = arith.xori %lt3A_23, %lt3A_25 : i1
    %and3A_27 = arith.andi %ne3A_26, %ne3A_22 : i1
    %add3A = arith.addi %rem3A_20, %select_n3A_19 : i32
    %select_n3A_28 = arith.select %and3A_27, %add3A, %rem3A_20 : i32
    %c0_i32 = arith.constant 0 : i32
    %c0_i32_29 = arith.constant 0 : i32
    return %select_n3A, %select_n3A_28, %c0_i32 : i32, i32, i32
  }
  func.func @transform_1(%arg0: i32) -> (i32, i32, i32) {
    %jit3A = arith.constant 8 : i32
    %div3A = arith.divsi %arg0, %jit3A : i32
    %sign3A = arith.constant 0 : i32
    %sign3A_0 = arith.cmpi sgt, %arg0, %sign3A : i32
    %sign3A_1 = arith.extui %sign3A_0 : i1 to i32
    %sign3A_2 = arith.constant 0 : i32
    %sign3A_3 = arith.cmpi slt, %arg0, %sign3A_2 : i32
    %sign3A_4 = arith.extui %sign3A_3 : i1 to i32
    %sign3A_5 = arith.subi %sign3A_1, %sign3A_4 : i32
    %sign3A_6 = arith.constant 0 : i32
    %sign3A_7 = arith.cmpi sgt, %jit3A, %sign3A_6 : i32
    %sign3A_8 = arith.extui %sign3A_7 : i1 to i32
    %sign3A_9 = arith.constant 0 : i32
    %sign3A_10 = arith.cmpi slt, %jit3A, %sign3A_9 : i32
    %sign3A_11 = arith.extui %sign3A_10 : i1 to i32
    %sign3A_12 = arith.subi %sign3A_8, %sign3A_11 : i32
    %ne3A = arith.cmpi ne, %sign3A_5, %sign3A_12 : i32
    %rem3A = arith.remsi %arg0, %jit3A : i32
    %ne3A_13 = arith.constant 0 : i32
    %ne3A_14 = arith.cmpi ne, %rem3A, %ne3A_13 : i32
    %and3A = arith.andi %ne3A, %ne3A_14 : i1
    %sub3A = arith.constant 1 : i32
    %sub3A_15 = arith.subi %div3A, %sub3A : i32
    %select_n3A = arith.select %and3A, %sub3A_15, %div3A : i32
    %jit3A_16 = arith.constant 8 : i32
    %eq3A = arith.constant 0 : i32
    %eq3A_17 = arith.cmpi eq, %jit3A_16, %eq3A : i32
    %jit3A_18 = arith.constant 1 : i32
    %select_n3A_19 = arith.select %eq3A_17, %jit3A_18, %jit3A_16 : i32
    %rem3A_20 = arith.remsi %arg0, %select_n3A_19 : i32
    %ne3A_21 = arith.constant 0 : i32
    %ne3A_22 = arith.cmpi ne, %rem3A_20, %ne3A_21 : i32
    %lt3A = arith.constant 0 : i32
    %lt3A_23 = arith.cmpi slt, %rem3A_20, %lt3A : i32
    %lt3A_24 = arith.constant 0 : i32
    %lt3A_25 = arith.cmpi slt, %select_n3A_19, %lt3A_24 : i32
    %ne3A_26 = arith.xori %lt3A_23, %lt3A_25 : i1
    %and3A_27 = arith.andi %ne3A_26, %ne3A_22 : i1
    %add3A = arith.addi %rem3A_20, %select_n3A_19 : i32
    %select_n3A_28 = arith.select %and3A_27, %add3A, %rem3A_20 : i32
    %c0_i32 = arith.constant 0 : i32
    %c0_i32_29 = arith.constant 0 : i32
    return %select_n3A, %select_n3A_28, %c0_i32 : i32, i32, i32
  }
  func.func @transform_2(%arg0: i32) -> (i32, i32) {
    %c0_i32 = arith.constant 0 : i32
    %c0_i32_0 = arith.constant 0 : i32
    return %arg0, %c0_i32 : i32, i32
  }
  func.func @transform_3(%arg0: i32) -> (i32, i32) {
    %c0_i32 = arith.constant 0 : i32
    %c0_i32_0 = arith.constant 0 : i32
    %c0_i32_1 = arith.constant 0 : i32
    return %c0_i32, %c0_i32_0 : i32, i32
  }
  func.func @transform_4(%arg0: i32) -> (i32, i32) {
    %c0_i32 = arith.constant 0 : i32
    %c0_i32_0 = arith.constant 0 : i32
    %c0_i32_1 = arith.constant 0 : i32
    return %c0_i32, %c0_i32_0 : i32, i32
  }
  func.func @transform_5(%arg0: i32) -> (i32, i32) {
    %c0_i32 = arith.constant 0 : i32
    %c0_i32_0 = arith.constant 0 : i32
    return %arg0, %c0_i32 : i32, i32
  }
}

module attributes {stable_mosaic.version = 14 : i64} {
  func.func @_k5_body(%arg0: i32, %arg1: memref<1x320x16xf32, #tpu.memory_space<vmem>>, %arg2: memref<1x320x128xf32, #tpu.memory_space<vmem>>, %arg3: memref<320x128xf32, #tpu.memory_space<vmem>>, %arg4: memref<1x128xf32, #tpu.memory_space<vmem>>, %arg5: memref<1x1x320xi32, #tpu.memory_space<vmem>>, %arg6: memref<128x128xf32, #tpu.memory_space<vmem>>, %arg7: memref<1x128xf32, #tpu.memory_space<vmem>>, %arg8: memref<128x128xf32, #tpu.memory_space<vmem>>, %arg9: memref<1x128xf32, #tpu.memory_space<vmem>>, %arg10: memref<64x128xf32, #tpu.memory_space<vmem>>, %arg11: memref<128x128xf32, #tpu.memory_space<vmem>>) attributes {dimension_semantics = [#tpu.dimension_semantics<arbitrary>], iteration_bounds = array<i64: 32>, scalar_prefetch = 0 : i64, scratch_operands = 1 : i64, tpu.core_type = #tpu.core_type<tc>, window_params = [{transform_indices = @transform_0, window_bounds = array<i64: 1, 320, 16>}, {transform_indices = @transform_1, window_bounds = array<i64: 1, 320, 128>}, {transform_indices = @transform_2, window_bounds = array<i64: 320, 128>}, {pipeline_mode = #tpu.pipeline_mode<synchronous>, transform_indices = @transform_3, window_bounds = array<i64: 1, 128>}, {transform_indices = @transform_4, window_bounds = array<i64: 1, 1, 320>}, {pipeline_mode = #tpu.pipeline_mode<synchronous>, transform_indices = @transform_5, window_bounds = array<i64: 128, 128>}, {pipeline_mode = #tpu.pipeline_mode<synchronous>, transform_indices = @transform_6, window_bounds = array<i64: 1, 128>}, {pipeline_mode = #tpu.pipeline_mode<synchronous>, transform_indices = @transform_7, window_bounds = array<i64: 128, 128>}, {pipeline_mode = #tpu.pipeline_mode<synchronous>, transform_indices = @transform_8, window_bounds = array<i64: 1, 128>}, {pipeline_mode = #tpu.pipeline_mode<synchronous>, transform_indices = @transform_9, window_bounds = array<i64: 64, 128>}]} {
    %get3A = arith.constant 0 : index
    %get3A_0 = arith.constant 0 : index
    %get3A_1 = arith.constant 0 : index
    %get3A_2 = vector.load %arg1[%get3A, %get3A_0, %get3A_1] : memref<1x320x16xf32, #tpu.memory_space<vmem>>, vector<1x320x1xf32>
    %get3A_3 = vector.shape_cast %get3A_2 : vector<1x320x1xf32> to vector<320xf32>
    %add3A = arith.constant 1.000000e+00 : f32
    %add3A_4 = vector.broadcast %add3A : f32 to vector<320xf32>
    %add3A_5 = arith.addf %get3A_3, %add3A_4 : vector<320xf32>
    %rsqrt3A = math.rsqrt %add3A_5 : vector<320xf32>
    %get3A_6 = arith.constant 0 : index
    %get3A_7 = arith.constant 0 : index
    %get3A_8 = arith.constant 0 : index
    %get3A_9 = vector.load %arg2[%get3A_6, %get3A_7, %get3A_8] : memref<1x320x128xf32, #tpu.memory_space<vmem>>, vector<1x320x128xf32>
    %get3A_10 = vector.shape_cast %get3A_9 : vector<1x320x128xf32> to vector<320x128xf32>
    %get3A_11 = arith.constant 0 : index
    %get3A_12 = arith.constant 0 : index
    %get3A_13 = vector.load %arg3[%get3A_11, %get3A_12] : memref<320x128xf32, #tpu.memory_space<vmem>>, vector<320x128xf32>
    %add3A_14 = arith.addf %get3A_10, %get3A_13 : vector<320x128xf32>
    %broadcast_in_dim3A = vector.shape_cast %rsqrt3A : vector<320xf32> to vector<320x1xf32>
    %mul3A = vector.broadcast %broadcast_in_dim3A : vector<320x1xf32> to vector<320x128xf32>
    %mul3A_15 = arith.mulf %mul3A, %add3A_14 : vector<320x128xf32>
    %get3A_16 = arith.constant 0 : index
    %get3A_17 = arith.constant 0 : index
    %get3A_18 = vector.load %arg4[%get3A_16, %get3A_17] : memref<1x128xf32, #tpu.memory_space<vmem>>, vector<1x128xf32>
    %add3A_19 = vector.broadcast %get3A_18 : vector<1x128xf32> to vector<320x128xf32>
    %add3A_20 = arith.addf %mul3A_15, %add3A_19 : vector<320x128xf32>
    %max3A = arith.constant 0.000000e+00 : f32
    %max3A_21 = vector.broadcast %max3A : f32 to vector<320x128xf32>
    %max3A_22 = arith.maximumf %add3A_20, %max3A_21 : vector<320x128xf32>
    %get3A_23 = arith.constant 0 : index
    %get3A_24 = arith.constant 0 : index
    %get3A_25 = arith.constant 0 : index
    %get3A_26 = vector.load %arg5[%get3A_23, %get3A_24, %get3A_25] : memref<1x1x320xi32, #tpu.memory_space<vmem>>, vector<1x1x320xi32>
    %get3A_27 = vector.shape_cast %get3A_26 : vector<1x1x320xi32> to vector<320xi32>
    %iota3A = tpu.iota {dimensions = array<i32: 1>} : vector<320x128xi32>
    %broadcast_in_dim3A_28 = vector.shape_cast %get3A_27 : vector<320xi32> to vector<320x1xi32>
    %eq3A = vector.broadcast %broadcast_in_dim3A_28 : vector<320x1xi32> to vector<320x128xi32>
    %eq3A_29 = arith.cmpi eq, %eq3A, %iota3A : vector<320x128xi32>
    %convert_element_type3A = arith.extui %eq3A_29 : vector<320x128xi1> to vector<320x128xi32>
    %convert_element_type3A_30 = arith.sitofp %convert_element_type3A : vector<320x128xi32> to vector<320x128xf32>
    %dot_general3A = arith.constant dense<0.000000e+00> : vector<128x128xf32>
    %dot_general3A_31 = tpu.matmul %convert_element_type3A_30, %max3A_22, %dot_general3A {dimension_numbers = #tpu.dot_dimension_numbers<[0], [0], [1], [1], [0, 1, 1, 1], [], []>, transpose_lhs_hint = false} : vector<320x128xf32>, vector<320x128xf32>, vector<128x128xf32> -> vector<128x128xf32>
    %eq3A_32 = arith.constant 0 : i32
    %eq3A_33 = arith.cmpi eq, %arg0, %eq3A_32 : i32
    %convert_element_type3A_34 = arith.extui %eq3A_33 : i1 to i32
    %cond3A = arith.constant 0 : i32
    %cond3A_35 = arith.cmpi ne, %convert_element_type3A_34, %cond3A : i32
    scf.if %cond3A_35 {
      %swap3A = arith.constant 0 : index
      %swap3A_45 = arith.constant 0 : index
      %swap3A_46 = vector.load %arg11[%swap3A, %swap3A_45] : memref<128x128xf32, #tpu.memory_space<vmem>>, vector<128x128xf32>
      tpu.vector_store %arg11[%swap3A, %swap3A_45], %dot_general3A_31 {strides = array<i32>} : memref<128x128xf32, #tpu.memory_space<vmem>>, vector<128x128xf32>,
    } else {
    }
    %gt3A = arith.constant 0 : i32
    %gt3A_36 = arith.cmpi sgt, %arg0, %gt3A : i32
    %convert_element_type3A_37 = arith.extui %gt3A_36 : i1 to i32
    %cond3A_38 = arith.constant 0 : i32
    %cond3A_39 = arith.cmpi ne, %convert_element_type3A_37, %cond3A_38 : i32
    scf.if %cond3A_39 {
      %get3A_45 = arith.constant 0 : index
      %get3A_46 = arith.constant 0 : index
      %get3A_47 = vector.load %arg11[%get3A_45, %get3A_46] : memref<128x128xf32, #tpu.memory_space<vmem>>, vector<128x128xf32>
      %add3A_48 = arith.addf %get3A_47, %dot_general3A_31 : vector<128x128xf32>
      %swap3A = arith.constant 0 : index
      %swap3A_49 = arith.constant 0 : index
      %swap3A_50 = vector.load %arg11[%swap3A, %swap3A_49] : memref<128x128xf32, #tpu.memory_space<vmem>>, vector<128x128xf32>
      tpu.vector_store %arg11[%swap3A, %swap3A_49], %add3A_48 {strides = array<i32>} : memref<128x128xf32, #tpu.memory_space<vmem>>, vector<128x128xf32>,
    } else {
    }
    %eq3A_40 = arith.constant 31 : i32
    %eq3A_41 = arith.cmpi eq, %arg0, %eq3A_40 : i32
    %convert_element_type3A_42 = arith.extui %eq3A_41 : i1 to i32
    %cond3A_43 = arith.constant 0 : i32
    %cond3A_44 = arith.cmpi ne, %convert_element_type3A_42, %cond3A_43 : i32
    scf.if %cond3A_44 {
      %get3A_45 = arith.constant 0 : index
      %get3A_46 = arith.constant 0 : index
      %get3A_47 = vector.load %arg11[%get3A_45, %get3A_46] : memref<128x128xf32, #tpu.memory_space<vmem>>, vector<64x128xf32>
      %get3A_48 = arith.constant 0 : index
      %get3A_49 = arith.constant 0 : index
      %get3A_50 = vector.load %arg6[%get3A_48, %get3A_49] : memref<128x128xf32, #tpu.memory_space<vmem>>, vector<128x128xf32>
      %dot_general3A_51 = arith.constant dense<0.000000e+00> : vector<64x128xf32>
      %dot_general3A_52 = tpu.matmul %get3A_47, %get3A_50, %dot_general3A_51 {dimension_numbers = #tpu.dot_dimension_numbers<[1], [0], [0], [1], [0, 0, 1, 1], [], []>, transpose_lhs_hint = false} : vector<64x128xf32>, vector<128x128xf32>, vector<64x128xf32> -> vector<64x128xf32>
      %get3A_53 = arith.constant 0 : index
      %get3A_54 = arith.constant 0 : index
      %get3A_55 = vector.load %arg7[%get3A_53, %get3A_54] : memref<1x128xf32, #tpu.memory_space<vmem>>, vector<1x128xf32>
      %add3A_56 = vector.broadcast %get3A_55 : vector<1x128xf32> to vector<64x128xf32>
      %add3A_57 = arith.addf %dot_general3A_52, %add3A_56 : vector<64x128xf32>
      %max3A_58 = arith.constant 0.000000e+00 : f32
      %max3A_59 = vector.broadcast %max3A_58 : f32 to vector<64x128xf32>
      %max3A_60 = arith.maximumf %add3A_57, %max3A_59 : vector<64x128xf32>
      %get3A_61 = arith.constant 0 : index
      %get3A_62 = arith.constant 0 : index
      %get3A_63 = vector.load %arg8[%get3A_61, %get3A_62] : memref<128x128xf32, #tpu.memory_space<vmem>>, vector<128x128xf32>
      %dot_general3A_64 = arith.constant dense<0.000000e+00> : vector<64x128xf32>
      %dot_general3A_65 = tpu.matmul %max3A_60, %get3A_63, %dot_general3A_64 {dimension_numbers = #tpu.dot_dimension_numbers<[1], [0], [0], [1], [0, 0, 1, 1], [], []>, transpose_lhs_hint = false} : vector<64x128xf32>, vector<128x128xf32>, vector<64x128xf32> -> vector<64x128xf32>
      %get3A_66 = arith.constant 0 : index
      %get3A_67 = arith.constant 0 : index
      %get3A_68 = vector.load %arg9[%get3A_66, %get3A_67] : memref<1x128xf32, #tpu.memory_space<vmem>>, vector<1x128xf32>
      %add3A_69 = vector.broadcast %get3A_68 : vector<1x128xf32> to vector<64x128xf32>
      %add3A_70 = arith.addf %dot_general3A_65, %add3A_69 : vector<64x128xf32>
      %swap3A = arith.constant 0 : index
      %swap3A_71 = arith.constant 0 : index
      %swap3A_72 = vector.load %arg10[%swap3A, %swap3A_71] : memref<64x128xf32, #tpu.memory_space<vmem>>, vector<64x128xf32>
      tpu.vector_store %arg10[%swap3A, %swap3A_71], %add3A_70 {strides = array<i32>} : memref<64x128xf32, #tpu.memory_space<vmem>>, vector<64x128xf32>,
    } else {
    }
    return
  }
  func.func @transform_0(%arg0: i32) -> (i32, i32, i32) {
    %jit3A = arith.constant 16 : i32
    %div3A = arith.divsi %arg0, %jit3A : i32
    %sign3A = arith.constant 0 : i32
    %sign3A_0 = arith.cmpi sgt, %arg0, %sign3A : i32
    %sign3A_1 = arith.extui %sign3A_0 : i1 to i32
    %sign3A_2 = arith.constant 0 : i32
    %sign3A_3 = arith.cmpi slt, %arg0, %sign3A_2 : i32
    %sign3A_4 = arith.extui %sign3A_3 : i1 to i32
    %sign3A_5 = arith.subi %sign3A_1, %sign3A_4 : i32
    %sign3A_6 = arith.constant 0 : i32
    %sign3A_7 = arith.cmpi sgt, %jit3A, %sign3A_6 : i32
    %sign3A_8 = arith.extui %sign3A_7 : i1 to i32
    %sign3A_9 = arith.constant 0 : i32
    %sign3A_10 = arith.cmpi slt, %jit3A, %sign3A_9 : i32
    %sign3A_11 = arith.extui %sign3A_10 : i1 to i32
    %sign3A_12 = arith.subi %sign3A_8, %sign3A_11 : i32
    %ne3A = arith.cmpi ne, %sign3A_5, %sign3A_12 : i32
    %rem3A = arith.remsi %arg0, %jit3A : i32
    %ne3A_13 = arith.constant 0 : i32
    %ne3A_14 = arith.cmpi ne, %rem3A, %ne3A_13 : i32
    %and3A = arith.andi %ne3A, %ne3A_14 : i1
    %sub3A = arith.constant 1 : i32
    %sub3A_15 = arith.subi %div3A, %sub3A : i32
    %select_n3A = arith.select %and3A, %sub3A_15, %div3A : i32
    %jit3A_16 = arith.constant 16 : i32
    %eq3A = arith.constant 0 : i32
    %eq3A_17 = arith.cmpi eq, %jit3A_16, %eq3A : i32
    %jit3A_18 = arith.constant 1 : i32
    %select_n3A_19 = arith.select %eq3A_17, %jit3A_18, %jit3A_16 : i32
    %rem3A_20 = arith.remsi %arg0, %select_n3A_19 : i32
    %ne3A_21 = arith.constant 0 : i32
    %ne3A_22 = arith.cmpi ne, %rem3A_20, %ne3A_21 : i32
    %lt3A = arith.constant 0 : i32
    %lt3A_23 = arith.cmpi slt, %rem3A_20, %lt3A : i32
    %lt3A_24 = arith.constant 0 : i32
    %lt3A_25 = arith.cmpi slt, %select_n3A_19, %lt3A_24 : i32
    %ne3A_26 = arith.xori %lt3A_23, %lt3A_25 : i1
    %and3A_27 = arith.andi %ne3A_26, %ne3A_22 : i1
    %add3A = arith.addi %rem3A_20, %select_n3A_19 : i32
    %select_n3A_28 = arith.select %and3A_27, %add3A, %rem3A_20 : i32
    %c0_i32 = arith.constant 0 : i32
    %c0_i32_29 = arith.constant 0 : i32
    return %select_n3A, %select_n3A_28, %c0_i32 : i32, i32, i32
  }
  func.func @transform_1(%arg0: i32) -> (i32, i32, i32) {
    %jit3A = arith.constant 16 : i32
    %div3A = arith.divsi %arg0, %jit3A : i32
    %sign3A = arith.constant 0 : i32
    %sign3A_0 = arith.cmpi sgt, %arg0, %sign3A : i32
    %sign3A_1 = arith.extui %sign3A_0 : i1 to i32
    %sign3A_2 = arith.constant 0 : i32
    %sign3A_3 = arith.cmpi slt, %arg0, %sign3A_2 : i32
    %sign3A_4 = arith.extui %sign3A_3 : i1 to i32
    %sign3A_5 = arith.subi %sign3A_1, %sign3A_4 : i32
    %sign3A_6 = arith.constant 0 : i32
    %sign3A_7 = arith.cmpi sgt, %jit3A, %sign3A_6 : i32
    %sign3A_8 = arith.extui %sign3A_7 : i1 to i32
    %sign3A_9 = arith.constant 0 : i32
    %sign3A_10 = arith.cmpi slt, %jit3A, %sign3A_9 : i32
    %sign3A_11 = arith.extui %sign3A_10 : i1 to i32
    %sign3A_12 = arith.subi %sign3A_8, %sign3A_11 : i32
    %ne3A = arith.cmpi ne, %sign3A_5, %sign3A_12 : i32
    %rem3A = arith.remsi %arg0, %jit3A : i32
    %ne3A_13 = arith.constant 0 : i32
    %ne3A_14 = arith.cmpi ne, %rem3A, %ne3A_13 : i32
    %and3A = arith.andi %ne3A, %ne3A_14 : i1
    %sub3A = arith.constant 1 : i32
    %sub3A_15 = arith.subi %div3A, %sub3A : i32
    %select_n3A = arith.select %and3A, %sub3A_15, %div3A : i32
    %jit3A_16 = arith.constant 16 : i32
    %eq3A = arith.constant 0 : i32
    %eq3A_17 = arith.cmpi eq, %jit3A_16, %eq3A : i32
    %jit3A_18 = arith.constant 1 : i32
    %select_n3A_19 = arith.select %eq3A_17, %jit3A_18, %jit3A_16 : i32
    %rem3A_20 = arith.remsi %arg0, %select_n3A_19 : i32
    %ne3A_21 = arith.constant 0 : i32
    %ne3A_22 = arith.cmpi ne, %rem3A_20, %ne3A_21 : i32
    %lt3A = arith.constant 0 : i32
    %lt3A_23 = arith.cmpi slt, %rem3A_20, %lt3A : i32
    %lt3A_24 = arith.constant 0 : i32
    %lt3A_25 = arith.cmpi slt, %select_n3A_19, %lt3A_24 : i32
    %ne3A_26 = arith.xori %lt3A_23, %lt3A_25 : i1
    %and3A_27 = arith.andi %ne3A_26, %ne3A_22 : i1
    %add3A = arith.addi %rem3A_20, %select_n3A_19 : i32
    %select_n3A_28 = arith.select %and3A_27, %add3A, %rem3A_20 : i32
    %c0_i32 = arith.constant 0 : i32
    %c0_i32_29 = arith.constant 0 : i32
    return %select_n3A, %select_n3A_28, %c0_i32 : i32, i32, i32
  }
  func.func @transform_2(%arg0: i32) -> (i32, i32) {
    %c0_i32 = arith.constant 0 : i32
    %c0_i32_0 = arith.constant 0 : i32
    return %arg0, %c0_i32 : i32, i32
  }
  func.func @transform_3(%arg0: i32) -> (i32, i32) {
    %c0_i32 = arith.constant 0 : i32
    %c0_i32_0 = arith.constant 0 : i32
    %c0_i32_1 = arith.constant 0 : i32
    return %c0_i32, %c0_i32_0 : i32, i32
  }
  func.func @transform_4(%arg0: i32) -> (i32, i32, i32) {
    %c0_i32 = arith.constant 0 : i32
    %c0_i32_0 = arith.constant 0 : i32
    %c0_i32_1 = arith.constant 0 : i32
    return %arg0, %c0_i32, %c0_i32_0 : i32, i32, i32
  }
  func.func @transform_5(%arg0: i32) -> (i32, i32) {
    %c0_i32 = arith.constant 0 : i32
    %c0_i32_0 = arith.constant 0 : i32
    %c0_i32_1 = arith.constant 0 : i32
    return %c0_i32, %c0_i32_0 : i32, i32
  }
  func.func @transform_6(%arg0: i32) -> (i32, i32) {
    %c0_i32 = arith.constant 0 : i32
    %c0_i32_0 = arith.constant 0 : i32
    %c0_i32_1 = arith.constant 0 : i32
    return %c0_i32, %c0_i32_0 : i32, i32
  }
  func.func @transform_7(%arg0: i32) -> (i32, i32) {
    %c0_i32 = arith.constant 0 : i32
    %c0_i32_0 = arith.constant 0 : i32
    %c0_i32_1 = arith.constant 0 : i32
    return %c0_i32, %c0_i32_0 : i32, i32
  }
  func.func @transform_8(%arg0: i32) -> (i32, i32) {
    %c0_i32 = arith.constant 0 : i32
    %c0_i32_0 = arith.constant 0 : i32
    %c0_i32_1 = arith.constant 0 : i32
    return %c0_i32, %c0_i32_0 : i32, i32
  }
  func.func @transform_9(%arg0: i32) -> (i32, i32) {
    %c0_i32 = arith.constant 0 : i32
    %c0_i32_0 = arith.constant 0 : i32
    %c0_i32_1 = arith.constant 0 : i32
    return %c0_i32, %c0_i32_0 : i32, i32
  }
}

</mosaic_0001>

<sc_bundles>
// kernel: kernel.11.cloned.1.call-start
scs
__scs_entry_jumppad:
0x0: {  	(pc) =	sbr.rel $0x88, $3  }
0x1: {  	(tag) =	ssettag $0x0;
	lr =	simm.s32 $0x1  }
0x2: {  	[smem:$0x3F96] =	sst lr;
	_ =	strace $0xD0000000  }
0x3: {  	_ = 	snop  }
0x4: {  	_ = 	snop  }
0x5: {  	_ = 	snop  }
0x6: {  	_ = 	snop  }
0x7: {  	_ = 	snop  }
__scs_overlays_trampoline_lowered:
0x8: {  	[smem:$0x3FA5] =	sst s0  }
0x9: {  	[smem:$0x3FA6] =	sst s1  }
0xa: {  	[smem:$0x3FA7] =	sst s2  }
0xb: {  	[smem:$0x3FA8] =	sst s3  }
0xc: {  	[smem:$0x3FA9] =	sst s4  }
0xd: {  	[smem:$0x3FAA] =	sst s5  }
0xe: {  	[smem:$0x3FAB] =	sst s6  }
0xf: {  	[smem:$0x3FAC] =	sst s7  }
0x10: {  	[smem:$0x3FAD] =	sst s8  }
0x11: {  	[smem:$0x3FAE] =	sst s9;
	s0 =	simm.s32 @!p0 $0x0  }
0x12: {  	s1 =	sld [smem:$0x3F94];
	s0 =	simm.s32 @p0 $0x1  }
0x13: {  	[smem:$0x3FAF] =	sst s0;
	s0 =	simm.s32 @!p1 $0x0  }
0x14: {  	s2 =	sld [smem:$0x3F93];
	s0 =	simm.s32 @p1 $0x1  }
0x15: {  	[smem:$0x3FB0] =	sst s0;
	s0 =	simm.s32 @!p2 $0x0  }
0x16: {  	s3 =	sld [smem:$0x3FDB];
	s0 =	simm.s32 @p2 $0x1  }
0x17: {  	s4 =	simm.s32 $0x1BF5;
	[smem:$0x3FB2] =	sst s0  }
0x18: {  	s0 =	sld [smem:$0x3F95];
	_ =	swait.ge [sflag:s4], $0x0  }
0x19: {  	s7 =	sld [smem:$0x3F96]  }
0x1a: {  	s8 =	sadd.s32 $0xFFFFE003, lr  }
0x1b: {  	s9 =	sadd.s32 $0xFFFFFEF7, lr;
	s5 =	simm.s32 $0xFFFFFFFF;
	p2 =	slt.u32 s8, $0xFFFFF086  }
0x1c: {  	p1 =	slt.u32 s9, $0xF7A;
	s5 =	simm.s32 @!p2 $0x0  }
0x1d: {  	s5 =	simm.s32 @p1 $0x1;
	p0 =	seq.s32 s7, s2  }
0x1e: {  	s7 =	smul.u32 @!p0 $0xF7A, s2;
	p2 =	seq.s32 @!p0 s5, $0x0  }
0x1f: {  	s9 =	smul.u32 $0xF7A, s1;
	s8 =	simm.s32 @!p0 $0x1BF5;
	p2 =	por !p2, p0  }
0x20: {  	[sflag:s8] =	ssyncset.s32 @!p0 $0xFFFFF086;
	s6 =	sadd.s32 @!p0 s3, s7;
	s7 =	simm.s32 @!p0 $0x108  }
0x21: {  	s3 =	sadd.s32 s3, s9;
	s6 =	sadd.s32 @!p0 $0x88, s6;
	s7 =	simm.s32 @p2 $0x1082  }
0x22: {  	[simem:s7], [sflag:s8] =	dma.local @!p0 [hbm:s6], $0xF7A  }
0x23: {  	s9 =	sor.u32 $0xD0000000, s2;
	s6 =	simm.s32 $0x108;
	_ =	swait.ge @!p0 [sflag:s8], $0x0  }
0x24: {  	s3 =	sadd.s32 $0x88, s3;
	s6 =	simm.s32 @!p1 $0x1082;
	[sflag:s4] =	ssyncset.s32 $0xFFFFF086  }
0x25: {  	[simem:s6], [sflag:s4] =	dma.local [hbm:s3], $0xF7A  }
0x26: {  	[smem:$0x3F96] =	sst s1;
	(tag) =	ssettag s2;
	_ =	strace s9  }
0x27: {  	s1 =	sld [smem:$0x3FA6]  }
0x28: {  	s2 =	sld [smem:$0x3FA7]  }
0x29: {  	s4 =	sld [smem:$0x3FA9]  }
0x2a: {  	p0 =	seq.s32 s5, $0x0;
	s5 =	sld [smem:$0x3FAA]  }
0x2b: {  	s6 =	sld [smem:$0x3FAB]  }
0x2c: {  	s7 =	sld [smem:$0x3FAC]  }
0x2d: {  	s3 =	simm.s32 $0x108;
	s8 =	sld [smem:$0x3FAD]  }
0x2e: {  	s3 =	simm.s32 @!p0 $0x1082;
	s9 =	sld [smem:$0x3FAE]  }
0x2f: {  	lr =	sadd.s32 s0, s3;
	s0 =	sld [smem:$0x3FA5]  }
0x30: {  	s3 =	sld [smem:$0x3FA8]  }
0x31: {  	[smem:$0x3FB1] =	sst s10  }
0x32: {  	s10 =	sld [smem:$0x3FAF];
	_ =	sdelay $0x3  }
0x33: {  	p0 =	seq.s32 s10, $0x1;
	s10 =	sld [smem:$0x3FB1];
	_ =	sdelay $0x3  }
0x34: {  	[smem:$0x3FB1] =	sst s10  }
0x35: {  	s10 =	sld [smem:$0x3FB0];
	_ =	sdelay $0x3  }
0x36: {  	p1 =	seq.s32 s10, $0x1;
	s10 =	sld [smem:$0x3FB1];
	_ =	sdelay $0x3  }
0x37: {  	[smem:$0x3FB1] =	sst s10  }
0x38: {  	s10 =	sld [smem:$0x3FB2]  }
0x39: {  	_ = 	snop;
	(pc) =	sbr.ind lr, $3  }
0x3a: {  	_ = 	snop  }
0x3b: {  	_ = 	snop  }
0x3c: {  	p2 =	seq.s32 s10, $0x1;
	s10 =	sld [smem:$0x3FB1]  }
0x3d: {  	_ =	shalt  }
0x3e: {  	_ =	shalt  }
0x3f: {  	_ =	shalt  }
0x40: {  	_ =	shalt  }
0x41: {  	_ =	shalt  }
0x42: {  	_ =	shalt  }
0x43: {  	_ =	shalt  }
0x44: {  	_ =	shalt  }
0x45: {  	_ =	shalt  }
0x46: {  	_ =	shalt  }
0x47: {  	_ =	shalt  }
0x48: {  	_ =	shalt  }
0x49: {  	_ =	shalt  }
0x4a: {  	_ =	shalt  }
0x4b: {  	_ =	shalt  }
0x4c: {  	_ =	shalt  }
0x4d: {  	_ =	shalt  }
0x4e: {  	_ =	shalt  }
0x4f: {  	_ =	shalt  }
0x50: {  	_ =	shalt  }
0x51: {  	_ =	shalt  }
0x52: {  	_ =	shalt  }
0x53: {  	_ =	shalt  }
0x54: {  	_ =	shalt  }
0x55: {  	_ =	shalt  }
0x56: {  	_ =	shalt  }
0x57: {  	_ =	shalt  }
0x58: {  	_ =	shalt  }
0x59: {  	_ =	shalt  }
0x5a: {  	_ =	shalt  }
0x5b: {  	_ =	shalt  }
0x5c: {  	_ =	shalt  }
0x5d: {  	_ =	shalt  }
0x5e: {  	_ =	shalt  }
0x5f: {  	_ =	shalt  }
0x60: {  	_ =	shalt  }
0x61: {  	_ =	shalt  }
0x62: {  	_ =	shalt  }
0x63: {  	_ =	shalt  }
0x64: {  	_ =	shalt  }
0x65: {  	_ =	shalt  }
0x66: {  	_ =	shalt  }
0x67: {  	_ =	shalt  }
0x68: {  	_ =	shalt  }
0x69: {  	_ =	shalt  }
0x6a: {  	_ =	shalt  }
0x6b: {  	_ =	shalt  }
0x6c: {  	_ =	shalt  }
0x6d: {  	_ =	shalt  }
0x6e: {  	_ =	shalt  }
0x6f: {  	_ =	shalt  }
0x70: {  	_ =	shalt  }
0x71: {  	_ =	shalt  }
0x72: {  	_ =	shalt  }
0x73: {  	_ =	shalt  }
0x74: {  	_ =	shalt  }
0x75: {  	_ =	shalt  }
0x76: {  	_ =	shalt  }
0x77: {  	_ =	shalt  }
0x78: {  	_ =	shalt  }
0x79: {  	_ =	shalt  }
0x7a: {  	_ =	shalt  }
0x7b: {  	_ =	shalt  }
0x7c: {  	_ =	shalt  }
0x7d: {  	_ =	shalt  }
0x7e: {  	_ =	shalt  }
0x7f: {  	_ =	shalt  }
0x80: {  	_ =	shalt  }
0x81: {  	_ =	shalt  }
0x82: {  	_ =	shalt  }
0x83: {  	_ =	shalt  }
0x84: {  	_ =	shalt  }
0x85: {  	_ =	shalt  }
0x86: {  	_ =	shalt  }
0x87: {  	_ =	shalt  }
.Lfunc_end0:
.L_simem_size_0:
called_computation.1_lowered:
.L_overlay_start_0:
0x88: {  	s2 =	sld [smem:$0x3FD9]  }
0x89: {  	s3 =	sld [smem:$0x3FFE];
	_ =	sdelay $0x1  }
0x8a: {  	s1 =	srdreg.scid  }
0x8b: {  	s0 =	sand.u32 $0x1, s1  }
0x8c: {  	s16 =	sshll.u32 s0, $0xA;
	s2 =	sadd.s32 s3, s2  }
0x8d: {  	s2 =	sadd.s32 s2, s16  }
0x8e: {  	[smem:$0x3FBD] =	sst s2  }
0x8f: {  	_ = 	snop  }
0x90: {  	(tm) =	ssettm $0x1  }
0x91: {  	s17 =	sld [smem:$0x3FFB];
	_ =	sdelay $0x3  }
0x92: {  	_ =	strace s17  }
0x93: {  	s2 =	sld [smem:$0x3FFC];
	_ =	sdelay $0x3  }
0x94: {  	_ =	strace s2  }
0x95: {  	s2 =	sld [smem:$0x3FFD];
	_ =	sdelay $0x3  }
0x96: {  	_ =	strace s2  }
0x97: {  	_ =	strace $0x8FFFFFFF  }
0x98: {  	s18 =	sld [smem:$0x3FDB];
	_ =	sdelay $0x1  }
0x99: {  	s19 =	simm.s32 $_scs_section_size  }
0x9a: {  	s4 =	simm.s32 $_size__tile_overlayer_lowered;
	s5 =	simm.s32 $_tile_overlayer_lowered  }
0x9b: {  	s22 =	simm.s32 $0x1BFF;
	s21 =	sshll.u32 s5, $0x1;
	s2 =	sadd.s32 s19, s18  }
0x9c: {  	s6 =	simm.s32 $0x0;
	s20 =	sshll.u32 s4, $0x1;
	s4 =	sadd.s32 s21, s2  }
0x9d: {  	[timem:s6], [sflag:s22] =	dma.local [hbm:s4], s20  }
0x9e: {  	_ =	swait.ge [sflag:s22], s20  }
0x9f: {  	s3 =	ssub.s32 $0x0, s20;
	[sflag:s22] =	ssyncset.done $0x0  }
0xa0: {  	[sflag:s22] =	ssyncadd.s32 s3;
	_ =	sdelay $0x1  }
0xa1: {  	s23 =	simm.s32 $0x1B8B  }
0xa2: {  	_ =	swait.ge [sflag:s23], $0x1  }
0xa3: {  	[sflag:s23] =	ssyncset.done $0x0  }
0xa4: {  	s25 =	simm.s32 $0x1B8E;
	s24 =	sld [smem:$0x3FFE];
	[sflag:s23] =	ssyncadd.s32 $0xFFFFFFFF  }
0xa5: {  	s26 =	simm.s32 $execute0_lowered;
	[smem:$0x3FD2] =	sst s25  }
0xa6: {  	s4 =	sshll.u32 s26, $0x1;
	_ =	strace $0x80000049;
	[dreg:$0x1] =	wrdreg $0xFFFFFFFF  }
0xa7: {  	s28 =	simm.s32 $_size_execute0_lowered;
	s2 =	sadd.s32 s2, s4;
	[dreg:$0x0] =	wrdreg $0x0  }
0xa8: {  	s4 =	sshll.u32 s28, $0x1;
	[dreg:$0x2] =	wrdreg s2  }
0xa9: {  	[dreg:$0x3] =	wrdreg s4  }
0xaa: {  	[dreg:$0x4] =	wrdreg $0xC0  }
0xab: {  	_ =	task [dreg:s6], $0x5FFFF  }
0xac: {  	[dreg:$0x1] =	wrdreg $0xFFFFFFFF  }
0xad: {  	[dreg:$0x0] =	wrdreg $0x60  }
0xae: {  	[dreg:$0x2] =	wrdreg s24  }
0xaf: {  	[dreg:$0x3] =	wrdreg $0x124000  }
0xb0: {  	[dreg:$0x4] =	wrdreg $0x9  }
0xb1: {  	_ =	task.clear_ibuf [dreg:s6], $0x5FFFF;
	_ =	strace $0x90000049  }
0xb2: {  	s29 =	simm.s32 $0x9;
	_ =	strace $0x8000004B  }
0xb3: {  	_ =	swait.ge [sflag:s29], $0x1  }
0xb4: {  	[sflag:s29] =	ssyncadd.s32 $0xFFFFFFFF  }
0xb5: {  	_ =	strace $0x9000004B  }
0xb6: {  	_ =	sfence  }
0xb7: {  	s30 =	sld [smem:$0x0];
	_ =	sdelay $0x2  }
0xb8: {  	s31 =	sshll.u32 s1, $0xD;
	s1 =	sshrl.u32 s1, $0x2  }
0xb9: {  	s3 =	sand.u32 $0x4000, s31;
	s1 =	sadd.s32 s1, s30  }
0xba: {  	s0 =	sor.u32 s3, s0;
	s1 =	sshll.u32 s1, $0x11  }
0xbb: {  	s0 =	sor.u32 s1, s0  }
0xbc: {  	s0 =	sadd.s32 $0x8F2B, s0  }
0xbd: {  	[sflag:s0] =	ssyncadd.remote.s32 $0x1  }
0xbe: {  	_ =	sfence.sel $0xFFFF  }
0xbf: {  	[dreg:$0x0] =	wrdreg $0xFFFFFFFF;
	(pc) =	sbr.abs _section_cstart, $3  }
0xc0: {  	[dreg:$0x1] =	wrdreg $0xFFFFFFFF  }
0xc1: {  	_ =	task.clear_ibuf [dreg:s6], $0x2FFFF;
	_ =	strace $0x9FFFFFFF  }
0xc2: {  	(tm) =	ssettm $0x7FFFFFFF  }
0xc3: {  	_ =	shalt  }
tec
execute0_lowered:
.L_overlay_start_1:
0x0: {  	(tag) =	ssettag $0x1  }
0x1: {  	s5 =	rddreg [dreg:$0x0];
	s0 =	srdreg.scid  }
0x2: {  	s2 =	rddreg [dreg:$0x1];
	s26 =	stileid.u32  }
0x3: {  	s3 =	simm.s32 $0x0;
	s14 =	simm.s32 $0x40;
	s15 =	simm.s32 $0x10000  }
0x4: {  	s16 =	simm.s32 $0xE000;
	s17 =	simm.s32 $0x2;
	s18 =	simm.s32 $0x10080  }
0x5: {  	s19 =	simm.s32 $0x10100;
	s20 =	simm.s32 $0x10180;
	s21 =	simm.s32 $0x10200  }
0x6: {  	s22 =	simm.s32 $0x5000;
	s23 =	simm.s32 $0x80;
	s24 =	simm.s32 $0xA000  }
0x7: {  	s28 =	simm.s32 $0x0;
	s6 =	sand.u32 $0x1, s0;
	s8 =	smul.u32 $0xA000, s26  }
0x8: {  	[smem:$0x7FF] =	sst s3;
	s9 =	smul.u32 $0xA00, s26;
	s4 =	sadd.s32 $0xD200, s5  }
0x9: {  	s7 =	smul.u32 $0xA0000, s6;
	_ =	strace $0x8000004A;
	s30 =	ssub.s32 $0x2, s6  }
0xa: {  	s25 =	smul.u32 $0x1400, s6;
	s29 =	sadd.s32 s9, s5;
	s31 =	sshrl.u32 s30, $0x1  }
0xb: {  	s7 =	sadd.s32 s8, s7;
	s9 =	ssub.s32 s30, s31;
	s6 =	sadd.s32 $0x35200, s29  }
0xc: {  	v0 =	vmov s25;
	s25 =	simm.s32 $0x1;
	s7 =	sshrl.u32 s7, $0x3;
	s8 =	smax.u32 s9, $0x1  }
0xd: {  	s13 =	sadd.s32 s7, s5;
	s5 =	smul.u32 $0x140, s26;
	s7 =	sadd.s32 $0x3200, s29  }
0xe: {  	s26 =	simm.s32 $0x10400;
	s9 =	sadd.s32 $0x3F200, s13;
	s10 =	sadd.s32 $0x3F600, s13  }
0xf: {  	v1 =	vimm.f32 $0.0e+00;
	v2 =	vlaneseq.u32;
	s11 =	sadd.s32 $0x3FA00, s13;
	s12 =	sadd.s32 $0x3FE00, s13;
	s13 =	sadd.s32 $0x40200, s13  }
.LBB2_1:
0x10: {  	s29 =	simm.s32 $0x0;
	s30 =	simm.s32 $0x200  }
.LBB2_2:
0x11: {  	p0 =	sne.s32 s30, $0x7E00;
	[tilespmem:s29+$0xE070] =	vst v1  }
0x12: {  	[tilespmem:s29+$0xE000] =	vst v1  }
0x13: {  	[tilespmem:s29+$0xE010] =	vst v1  }
.Ltmp0:
0x14: {  	[tilespmem:s29+$0xE020] =	vst v1;
	(pc) =	sbr.rel @p0 .LBB2_2-.Ltmp0, $4  }
0x15: {  	[tilespmem:s29+$0xE030] =	vst v1  }
0x16: {  	[tilespmem:s29+$0xE040] =	vst v1  }
0x17: {  	[tilespmem:s29+$0xE050] =	vst v1  }
0x18: {  	[tilespmem:s29+$0xE060] =	vst v1;
	s29 =	sshra.s32 s30, $0x2;
	s30 =	sadd.s32 $0x200, s30  }
0x19: {  	[tilespmem:s29+$0xE070] =	vst v1  }
0x1a: {  	[tilespmem:s29+$0xE000] =	vst v1  }
0x1b: {  	[tilespmem:s29+$0xE010] =	vst v1  }
0x1c: {  	[tilespmem:s29+$0xE020] =	vst v1  }
0x1d: {  	[tilespmem:s29+$0xE030] =	vst v1  }
0x1e: {  	[tilespmem:s29+$0xE040] =	vst v1;
	s31 =	sadd.s32 $0x0, s5  }
0x1f: {  	[tilespmem:s29+$0xE050] =	vst v1;
	s30 =	sadd.s32 $0x30, s31  }
0x20: {  	[tilespmem:s29+$0xE060] =	vst v1;
	s29 =	simm.s32 $0x10020;
	s0 =	sadd.s32 $0x10, s31;
	v3 =	vor.u32 s30, v2  }
0x21: {  	s30 =	sadd.s32 $0x20, s31;
	v4 =	vor.u32 s0, v2;
	[tilespmem:s29+$0x10] =	vst v3  }
0x22: {  	v5 =	vor.u32 s30, v2;
	[tilespmem:s29+$0xFFFFFFF0] =	vst v4  }
0x23: {  	s30 =	simm.s32 $0x40;
	v3 =	vor.u32 s31, v2;
	[tilespmem:s29+$0x0] =	vst v5  }
.LBB2_4:
0x24: {  	s0 =	sadd.s32 s30, s5  }
0x25: {  	p0 =	sne.s32 s30, $0x100;
	s30 =	sadd.s32 $0x40, s30;
	[tilespmem:s29+$0xFFFFFFE0] =	vst v3;
	s31 =	sadd.s32 $0x10, s0  }
.Ltmp1:
0x26: {  	v3 =	vor.u32 s0, v2;
	s1 =	sadd.s32 $0x20, s0;
	s0 =	sadd.s32 $0x30, s0;
	(pc) =	sbr.rel @p0 .LBB2_4-.Ltmp1, $4  }
0x27: {  	s29 =	sadd.s32 $0x80, s29;
	v4 =	vor.u32 s31, v2;
	v5 =	vor.u32 s1, v2;
	v6 =	vor.u32 s0, v2  }
0x28: {  	[tilespmem:s29+$0x10] =	vst v6  }
0x29: {  	[tilespmem:s29+$0xFFFFFFF0] =	vst v4  }
0x2a: {  	[tilespmem:s29+$0x0] =	vst v5  }
0x2b: {  	[tilespmem:s29+$0xFFFFFFE0] =	vst v3  }
0x2c: {  	[spmem:s2] =	stream.indirect.scatter [tilespmem:s16], [sflag:$0x2], $0x80, s15, s14, $0xb8;
	[tilespmem:$0x1C440] =	vst v63  }
0x2d: {  	_ =	swait.ge [sflag:s17], $0x2000  }
0x2e: {  	[sflag:s17] =	ssyncset.done $0x0  }
0x2f: {  	[sflag:s17] =	ssyncadd.s32 $0xFFFFE000  }
0x30: {  	[spmem:s2] =	stream.indirect.scatter [tilespmem:s16], [sflag:$0x2], $0x80, s18, s14, $0xb8;
	[tilespmem:$0x1C440] =	vst v63  }
0x31: {  	_ =	swait.ge [sflag:s17], $0x2000  }
0x32: {  	[sflag:s17] =	ssyncset.done $0x0  }
0x33: {  	[sflag:s17] =	ssyncadd.s32 $0xFFFFE000  }
0x34: {  	[spmem:s2] =	stream.indirect.scatter [tilespmem:s16], [sflag:$0x2], $0x80, s19, s14, $0xb8;
	[tilespmem:$0x1C440] =	vst v63  }
0x35: {  	_ =	swait.ge [sflag:s17], $0x2000  }
0x36: {  	[sflag:s17] =	ssyncset.done $0x0  }
0x37: {  	[sflag:s17] =	ssyncadd.s32 $0xFFFFE000  }
0x38: {  	[spmem:s2] =	stream.indirect.scatter [tilespmem:s16], [sflag:$0x2], $0x80, s20, s14, $0xb8;
	[tilespmem:$0x1C440] =	vst v63  }
0x39: {  	_ =	swait.ge [sflag:s17], $0x2000  }
0x3a: {  	[sflag:s17] =	ssyncset.done $0x0  }
0x3b: {  	[sflag:s17] =	ssyncadd.s32 $0xFFFFE000  }
0x3c: {  	[spmem:s2] =	stream.indirect.scatter [tilespmem:s16], [sflag:$0x2], $0x80, s21, s14, $0xb8;
	[tilespmem:$0x1C440] =	vst v63  }
0x3d: {  	_ =	swait.ge [sflag:s17], $0x2000  }
0x3e: {  	[sflag:s17] =	ssyncset.done $0x0  }
0x3f: {  	[sflag:s17] =	ssyncadd.s32 $0xFFFFE000  }
0x40: {  	s0 =	simm.s32 $0x0;
	[bflag:$0x0] =	sbarrier.arrive $0xFFFF  }
0x41: {  	[tilespmem:s0], [sflag:$0x2] =	stream.linear.gather [hbm4b:s6+s0], $0x5000, $0x38;
	[tilespmem:$0x1C440] =	vst v63  }
0x42: {  	_ =	swait.ge [sflag:s17], $0x5000  }
0x43: {  	[sflag:s17] =	ssyncset.done $0x0  }
0x44: {  	[sflag:s17] =	ssyncadd.s32 $0xFFFFB000  }
0x45: {  	[tilespmem:s22], [sflag:$0x2] =	stream.linear.gather [hbm4b:s7+s0], $0x5000, $0x38;
	[tilespmem:$0x1C440] =	vst v63  }
0x46: {  	_ =	swait.ge [sflag:s17], $0x5000  }
0x47: {  	[sflag:s17] =	ssyncset.done $0x0  }
0x48: {  	s29 =	simm.s32 $0x0;
	[sflag:s17] =	ssyncadd.s32 $0xFFFFB000  }
0x49: {  	v4 =	vld [tilespmem:s29+$0x5000]  }
0x4a: {  	v5 =	vld [tilespmem:s29+$0x5010]  }
0x4b: {  	v7 =	vld [tilespmem:s29+$0x5020]  }
0x4c: {  	v6 =	vld [tilespmem:s29+$0x5030]  }
0x4d: {  	v3 =	vld [tilespmem:s29+$0x5040]  }
0x4e: {  	v8 =	vsub.s32 v4, v0;
	v4 =	vld [tilespmem:s29+$0x5050]  }
0x4f: {  	s30 =	simm.s32 $0x200;
	v9 =	vsub.s32 v5, v0;
	v5 =	vld [tilespmem:s29+$0x5060];
	v8 =	vmin.u32 v8, $0x1400  }
.LBB2_6:
0x50: {  	s0 =	sshra.s32 s30, $0x2;
	p0 =	sne.s32 s30, $0x13E00;
	[tilespmem:s29+$0x5000] =	vst v8;
	v8 =	vmin.u32 v9, $0x1400;
	v7 =	vsub.s32 v7, v0;
	v9 =	vld [tilespmem:s29+$0x5070]  }
0x51: {  	v10 =	vld [tilespmem:s0+$0x5000];
	[tilespmem:s29+$0x5010] =	vst v8;
	v7 =	vmin.u32 v7, $0x1400;
	v6 =	vsub.s32 v6, v0  }
0x52: {  	v11 =	vld [tilespmem:s0+$0x5010];
	[tilespmem:s29+$0x5020] =	vst v7;
	v6 =	vmin.u32 v6, $0x1400;
	v3 =	vsub.s32 v3, v0  }
.Ltmp2:
0x53: {  	v7 =	vld [tilespmem:s0+$0x5020];
	[tilespmem:s29+$0x5030] =	vst v6;
	v3 =	vmin.u32 v3, $0x1400;
	v4 =	vsub.s32 v4, v0;
	(pc) =	sbr.rel @p0 .LBB2_6-.Ltmp2, $4  }
0x54: {  	v6 =	vld [tilespmem:s0+$0x5030];
	[tilespmem:s29+$0x5040] =	vst v3;
	v4 =	vmin.u32 v4, $0x1400;
	v5 =	vsub.s32 v5, v0  }
0x55: {  	v3 =	vld [tilespmem:s0+$0x5040];
	[tilespmem:s29+$0x5050] =	vst v4;
	v5 =	vmin.u32 v5, $0x1400;
	v8 =	vsub.s32 v9, v0  }
0x56: {  	v9 =	vsub.s32 v10, v0;
	v4 =	vld [tilespmem:s0+$0x5050];
	[tilespmem:s29+$0x5060] =	vst v5;
	v10 =	vmin.u32 v8, $0x1400  }
0x57: {  	s30 =	sadd.s32 $0x200, s30;
	v8 =	vmin.u32 v9, $0x1400;
	v9 =	vsub.s32 v11, v0;
	v5 =	vld [tilespmem:s0+$0x5060];
	[tilespmem:s29+$0x5070] =	vst v10;
	s29 =	smov.u32 s0  }
0x58: {  	[tilespmem:s29+$0x5000] =	vst v8;
	v60 =	vmin.u32 v9, $0x1400;
	v7 =	vsub.s32 v7, v0;
	v61 =	vld [tilespmem:s29+$0x5070]  }
0x59: {  	[tilespmem:s29+$0x5010] =	vst v60;
	v7 =	vmin.u32 v7, $0x1400;
	v6 =	vsub.s32 v6, v0  }
0x5a: {  	[tilespmem:s29+$0x5020] =	vst v7;
	v6 =	vmin.u32 v6, $0x1400;
	v3 =	vsub.s32 v3, v0  }
0x5b: {  	[tilespmem:s29+$0x5030] =	vst v6;
	v3 =	vmin.u32 v3, $0x1400;
	v4 =	vsub.s32 v4, v0  }
0x5c: {  	[tilespmem:s29+$0x5040] =	vst v3;
	v3 =	vmin.u32 v4, $0x1400;
	v62 =	vsub.s32 v5, v0  }
0x5d: {  	[tilespmem:s29+$0x5050] =	vst v3;
	v3 =	vmin.u32 v62, $0x1400;
	v63 =	vsub.s32 v61, v0  }
0x5e: {  	[tilespmem:s29+$0x5060] =	vst v3;
	v3 =	vmin.u32 v63, $0x1400  }
0x5f: {  	s0 =	simm.s32 $0x0;
	[tilespmem:s29+$0x5070] =	vst v3  }
0x60: {  	[tilespmem:s24], [sflag:$0x1] =	stream.indirect.gather [hbm4b:s4+s23], $0x80, s0, s23, $0xb8;
	[tilespmem:$0x1C440] =	vst v63  }
0x61: {  	_ =	swait.ge [sflag:s25], $0x4000  }
0x62: {  	[sflag:s25] =	ssyncset.done $0x0  }
0x63: {  	s31 =	simm.s32 $0x5000;
	[sflag:s25] =	ssyncadd.s32 $0xFFFFC000  }
0x64: {  	[spmem:s2] =	stream.indirect.scatter.add.f32 [tilespmem:s24], [sflag:$0x2], $0x80, s31, s23, $0xb8;
	[tilespmem:$0x1C440] =	vst v63  }
0x65: {  	_ =	swait.ge [sflag:s17], $0x4000  }
0x66: {  	s30 =	simm.s32 $0x400;
	s29 =	simm.s32 $0x200;
	[sflag:s17] =	ssyncset.done $0x0  }
.LBB2_8:
0x67: {  	s0 =	sshra.s32 s29, $0x2  }
0x68: {  	[sflag:s17] =	ssyncadd.s32 $0xFFFFC000;
	s29 =	smov.u32 s30;
	s1 =	sadd.s32 $0x200, s30  }
0x69: {  	[tilespmem:s24], [sflag:$0x1] =	stream.indirect.gather [hbm4b:s4+s23], $0x80, s0, s23, $0xb8;
	[tilespmem:$0x1C440] =	vst v63  }
0x6a: {  	p0 =	sne.s32 s30, $0x13E00;
	_ =	swait.ge [sflag:s25], $0x4000  }
.Ltmp3:
0x6b: {  	[sflag:s25] =	ssyncset.done $0x0;
	(pc) =	sbr.rel @p0 .LBB2_8-.Ltmp3, $4  }
0x6c: {  	s0 =	sadd.s32 $0x5000, s0;
	[sflag:s25] =	ssyncadd.s32 $0xFFFFC000  }
0x6d: {  	[spmem:s2] =	stream.indirect.scatter.add.f32 [tilespmem:s24], [sflag:$0x2], $0x80, s0, s23, $0xb8;
	[tilespmem:$0x1C440] =	vst v63  }
0x6e: {  	_ =	swait.ge [sflag:s17], $0x4000  }
0x6f: {  	s30 =	smov.u32 s1;
	[sflag:s17] =	ssyncset.done $0x0  }
0x70: {  	s0 =	sshra.s32 s29, $0x2;
	[sflag:s17] =	ssyncadd.s32 $0xFFFFC000  }
0x71: {  	[tilespmem:s24], [sflag:$0x1] =	stream.indirect.gather [hbm4b:s4+s23], $0x80, s0, s23, $0xb8;
	[tilespmem:$0x1C440] =	vst v63  }
0x72: {  	_ =	swait.ge [sflag:s25], $0x4000  }
0x73: {  	[sflag:s25] =	ssyncset.done $0x0  }
0x74: {  	s0 =	sadd.s32 $0x5000, s0;
	[sflag:s25] =	ssyncadd.s32 $0xFFFFC000  }
0x75: {  	[spmem:s2] =	stream.indirect.scatter.add.f32 [tilespmem:s24], [sflag:$0x2], $0x80, s0, s23, $0xb8;
	[tilespmem:$0x1C440] =	vst v63  }
0x76: {  	_ =	swait.ge [sflag:s17], $0x4000  }
0x77: {  	[sflag:s17] =	ssyncset.done $0x0  }
0x78: {  	[sflag:s17] =	ssyncadd.s32 $0xFFFFC000  }
0x79: {  	[bflag:$0x0] =	sbarrier.arrive $0xFFFF  }
0x7a: {  	[tilespmem:s26], [sflag:$0x2] =	stream.indirect.gather [spmem:s2], $0x80, s15, s14, $0xb8;
	[tilespmem:$0x1C440] =	vst v63  }
0x7b: {  	_ =	swait.ge [sflag:s17], $0x2000  }
0x7c: {  	[sflag:s17] =	ssyncset.done $0x0  }
0x7d: {  	[sflag:s17] =	ssyncadd.s32 $0xFFFFE000  }
0x7e: {  	[hbm4b:s9+s3] =	stream.linear.scatter [tilespmem:s26], [sflag:$0x2], $0x2000, $0x38;
	[tilespmem:$0x1C440] =	vst v63  }
0x7f: {  	_ =	swait.ge [sflag:s17], $0x2000  }
0x80: {  	[sflag:s17] =	ssyncset.done $0x0  }
0x81: {  	[sflag:s17] =	ssyncadd.s32 $0xFFFFE000  }
0x82: {  	[tilespmem:s26], [sflag:$0x2] =	stream.indirect.gather [spmem:s2], $0x80, s18, s14, $0xb8;
	[tilespmem:$0x1C440] =	vst v63  }
0x83: {  	_ =	swait.ge [sflag:s17], $0x2000  }
0x84: {  	[sflag:s17] =	ssyncset.done $0x0  }
0x85: {  	[sflag:s17] =	ssyncadd.s32 $0xFFFFE000  }
0x86: {  	[hbm4b:s10+s3] =	stream.linear.scatter [tilespmem:s26], [sflag:$0x2], $0x2000, $0x38;
	[tilespmem:$0x1C440] =	vst v63  }
0x87: {  	_ =	swait.ge [sflag:s17], $0x2000  }
0x88: {  	[sflag:s17] =	ssyncset.done $0x0  }
0x89: {  	[sflag:s17] =	ssyncadd.s32 $0xFFFFE000  }
0x8a: {  	[tilespmem:s26], [sflag:$0x2] =	stream.indirect.gather [spmem:s2], $0x80, s19, s14, $0xb8;
	[tilespmem:$0x1C440] =	vst v63  }
0x8b: {  	_ =	swait.ge [sflag:s17], $0x2000  }
0x8c: {  	[sflag:s17] =	ssyncset.done $0x0  }
0x8d: {  	[sflag:s17] =	ssyncadd.s32 $0xFFFFE000  }
0x8e: {  	[hbm4b:s11+s3] =	stream.linear.scatter [tilespmem:s26], [sflag:$0x2], $0x2000, $0x38;
	[tilespmem:$0x1C440] =	vst v63  }
0x8f: {  	_ =	swait.ge [sflag:s17], $0x2000  }
0x90: {  	[sflag:s17] =	ssyncset.done $0x0  }
0x91: {  	[sflag:s17] =	ssyncadd.s32 $0xFFFFE000  }
0x92: {  	[tilespmem:s26], [sflag:$0x2] =	stream.indirect.gather [spmem:s2], $0x80, s20, s14, $0xb8;
	[tilespmem:$0x1C440] =	vst v63  }
0x93: {  	_ =	swait.ge [sflag:s17], $0x2000  }
0x94: {  	[sflag:s17] =	ssyncset.done $0x0  }
0x95: {  	[sflag:s17] =	ssyncadd.s32 $0xFFFFE000  }
0x96: {  	[hbm4b:s12+s3] =	stream.linear.scatter [tilespmem:s26], [sflag:$0x2], $0x2000, $0x38;
	[tilespmem:$0x1C440] =	vst v63  }
0x97: {  	_ =	swait.ge [sflag:s17], $0x2000  }
0x98: {  	[sflag:s17] =	ssyncset.done $0x0  }
0x99: {  	[sflag:s17] =	ssyncadd.s32 $0xFFFFE000  }
0x9a: {  	[tilespmem:s26], [sflag:$0x2] =	stream.indirect.gather [spmem:s2], $0x80, s21, s14, $0xb8;
	[tilespmem:$0x1C440] =	vst v63  }
0x9b: {  	s28 =	sadd.s32 $0x1, s28;
	_ =	swait.ge [sflag:s17], $0x2000  }
0x9c: {  	p0 =	sne.s32 s28, s8;
	[sflag:s17] =	ssyncset.done $0x0  }
.Ltmp4:
0x9d: {  	[sflag:s17] =	ssyncadd.s32 $0xFFFFE000;
	(pc) =	sbr.rel @p0 .LBB2_1-.Ltmp4, $4  }
0x9e: {  	[hbm4b:s13+s3] =	stream.linear.scatter [tilespmem:s26], [sflag:$0x2], $0x2000, $0x38;
	[tilespmem:$0x1C440] =	vst v63  }
0x9f: {  	_ =	swait.ge [sflag:s17], $0x2000  }
0xa0: {  	[sflag:s17] =	ssyncset.done $0x0  }
0xa1: {  	[sflag:s17] =	ssyncadd.s32 $0xFFFFE000  }
0xa2: {  	_ =	sfence.sel $0x180000  }
0xa3: {  	[bflag:$0x0] =	sbarrier.arrive $0xFFFF  }
0xa4: {  	_ =	strace $0x9000004A  }
0xa5: {  	s0 =	stileid.u32;
	[bflag:$0x2] =	sbarrier.arrive $0xFFFF  }
0xa6: {  	p0 =	sne.s32 s0, $0x0;
	s0 =	rddreg [dreg:$0x2]  }
0xa7: {  	s0 =	sadd.s32 @!p0 $0x100000, s0  }
0xa8: {  	[sflag:s0] =	ssyncadd.tile.s32 @!p0 $0x1;
	_ =	shalt  }
.Lfunc_end2:
_tile_overlayer_lowered:
.L_overlay_start_2:
0xa9: {  	(tag) =	ssettag $0x2  }
0xaa: {  	s0 =	rddreg [dreg:$0x0];
	s2 =	stileid.u32  }
0xab: {  	s1 =	rddreg [dreg:$0x1];
	p0 =	sne.s32 s2, $0x0  }
0xac: {  	s3 =	rddreg [dreg:$0x2];
	[bflag:$0x3] =	sbarrier.arrive $0xFFFF;
	s2 =	simm.s32 @!p0 $0x1C02  }
0xad: {  	[timem:s3], [sflag:s2] =	dma.local @!p0 [hbm:s0], s1  }
0xae: {  	s0 =	simm.s32 @!p0 $0x2  }
0xaf: {  	_ =	swait.ge @!p0 [sflag:s0], s1  }
0xb0: {  	s1 =	ssub.s32 @!p0 $0x0, s1;
	[sflag:s0] =	ssyncset.done @!p0 $0x0  }
0xb1: {  	[sflag:s0] =	ssyncadd.s32 @!p0 s1  }
0xb2: {  	[bflag:$0x3] =	sbarrier.arrive $0xFFFF  }
0xb3: {  	_ =	shalt  }

// kernel: kernel.14.cloned.1.call-start
scs
__scs_entry_jumppad:
0x0: {  	(pc) =	sbr.rel $0x88, $3  }
0x1: {  	(tag) =	ssettag $0x0;
	lr =	simm.s32 $0x1  }
0x2: {  	[smem:$0x3F96] =	sst lr;
	_ =	strace $0xD0000000  }
0x3: {  	_ = 	snop  }
0x4: {  	_ = 	snop  }
0x5: {  	_ = 	snop  }
0x6: {  	_ = 	snop  }
0x7: {  	_ = 	snop  }
__scs_overlays_trampoline_lowered:
0x8: {  	[smem:$0x3FA5] =	sst s0  }
0x9: {  	[smem:$0x3FA6] =	sst s1  }
0xa: {  	[smem:$0x3FA7] =	sst s2  }
0xb: {  	[smem:$0x3FA8] =	sst s3  }
0xc: {  	[smem:$0x3FA9] =	sst s4  }
0xd: {  	[smem:$0x3FAA] =	sst s5  }
0xe: {  	[smem:$0x3FAB] =	sst s6  }
0xf: {  	[smem:$0x3FAC] =	sst s7  }
0x10: {  	[smem:$0x3FAD] =	sst s8  }
0x11: {  	[smem:$0x3FAE] =	sst s9;
	s0 =	simm.s32 @!p0 $0x0  }
0x12: {  	s1 =	sld [smem:$0x3F94];
	s0 =	simm.s32 @p0 $0x1  }
0x13: {  	[smem:$0x3FAF] =	sst s0;
	s0 =	simm.s32 @!p1 $0x0  }
0x14: {  	s2 =	sld [smem:$0x3F93];
	s0 =	simm.s32 @p1 $0x1  }
0x15: {  	[smem:$0x3FB0] =	sst s0;
	s0 =	simm.s32 @!p2 $0x0  }
0x16: {  	s3 =	sld [smem:$0x3FDB];
	s0 =	simm.s32 @p2 $0x1  }
0x17: {  	s4 =	simm.s32 $0x1BF5;
	[smem:$0x3FB2] =	sst s0  }
0x18: {  	s0 =	sld [smem:$0x3F95];
	_ =	swait.ge [sflag:s4], $0x0  }
0x19: {  	s7 =	sld [smem:$0x3F96]  }
0x1a: {  	s8 =	sadd.s32 $0xFFFFE003, lr  }
0x1b: {  	s9 =	sadd.s32 $0xFFFFFEF7, lr;
	s5 =	simm.s32 $0xFFFFFFFF;
	p2 =	slt.u32 s8, $0xFFFFF086  }
0x1c: {  	p1 =	slt.u32 s9, $0xF7A;
	s5 =	simm.s32 @!p2 $0x0  }
0x1d: {  	s5 =	simm.s32 @p1 $0x1;
	p0 =	seq.s32 s7, s2  }
0x1e: {  	s7 =	smul.u32 @!p0 $0xF7A, s2;
	p2 =	seq.s32 @!p0 s5, $0x0  }
0x1f: {  	s9 =	smul.u32 $0xF7A, s1;
	s8 =	simm.s32 @!p0 $0x1BF5;
	p2 =	por !p2, p0  }
0x20: {  	[sflag:s8] =	ssyncset.s32 @!p0 $0xFFFFF086;
	s6 =	sadd.s32 @!p0 s3, s7;
	s7 =	simm.s32 @!p0 $0x108  }
0x21: {  	s3 =	sadd.s32 s3, s9;
	s6 =	sadd.s32 @!p0 $0x88, s6;
	s7 =	simm.s32 @p2 $0x1082  }
0x22: {  	[simem:s7], [sflag:s8] =	dma.local @!p0 [hbm:s6], $0xF7A  }
0x23: {  	s9 =	sor.u32 $0xD0000000, s2;
	s6 =	simm.s32 $0x108;
	_ =	swait.ge @!p0 [sflag:s8], $0x0  }
0x24: {  	s3 =	sadd.s32 $0x88, s3;
	s6 =	simm.s32 @!p1 $0x1082;
	[sflag:s4] =	ssyncset.s32 $0xFFFFF086  }
0x25: {  	[simem:s6], [sflag:s4] =	dma.local [hbm:s3], $0xF7A  }
0x26: {  	[smem:$0x3F96] =	sst s1;
	(tag) =	ssettag s2;
	_ =	strace s9  }
0x27: {  	s1 =	sld [smem:$0x3FA6]  }
0x28: {  	s2 =	sld [smem:$0x3FA7]  }
0x29: {  	s4 =	sld [smem:$0x3FA9]  }
0x2a: {  	p0 =	seq.s32 s5, $0x0;
	s5 =	sld [smem:$0x3FAA]  }
0x2b: {  	s6 =	sld [smem:$0x3FAB]  }
0x2c: {  	s7 =	sld [smem:$0x3FAC]  }
0x2d: {  	s3 =	simm.s32 $0x108;
	s8 =	sld [smem:$0x3FAD]  }
0x2e: {  	s3 =	simm.s32 @!p0 $0x1082;
	s9 =	sld [smem:$0x3FAE]  }
0x2f: {  	lr =	sadd.s32 s0, s3;
	s0 =	sld [smem:$0x3FA5]  }
0x30: {  	s3 =	sld [smem:$0x3FA8]  }
0x31: {  	[smem:$0x3FB1] =	sst s10  }
0x32: {  	s10 =	sld [smem:$0x3FAF];
	_ =	sdelay $0x3  }
0x33: {  	p0 =	seq.s32 s10, $0x1;
	s10 =	sld [smem:$0x3FB1];
	_ =	sdelay $0x3  }
0x34: {  	[smem:$0x3FB1] =	sst s10  }
0x35: {  	s10 =	sld [smem:$0x3FB0];
	_ =	sdelay $0x3  }
0x36: {  	p1 =	seq.s32 s10, $0x1;
	s10 =	sld [smem:$0x3FB1];
	_ =	sdelay $0x3  }
0x37: {  	[smem:$0x3FB1] =	sst s10  }
0x38: {  	s10 =	sld [smem:$0x3FB2]  }
0x39: {  	_ = 	snop;
	(pc) =	sbr.ind lr, $3  }
0x3a: {  	_ = 	snop  }
0x3b: {  	_ = 	snop  }
0x3c: {  	p2 =	seq.s32 s10, $0x1;
	s10 =	sld [smem:$0x3FB1]  }
0x3d: {  	_ =	shalt  }
0x3e: {  	_ =	shalt  }
0x3f: {  	_ =	shalt  }
0x40: {  	_ =	shalt  }
0x41: {  	_ =	shalt  }
0x42: {  	_ =	shalt  }
0x43: {  	_ =	shalt  }
0x44: {  	_ =	shalt  }
0x45: {  	_ =	shalt  }
0x46: {  	_ =	shalt  }
0x47: {  	_ =	shalt  }
0x48: {  	_ =	shalt  }
0x49: {  	_ =	shalt  }
0x4a: {  	_ =	shalt  }
0x4b: {  	_ =	shalt  }
0x4c: {  	_ =	shalt  }
0x4d: {  	_ =	shalt  }
0x4e: {  	_ =	shalt  }
0x4f: {  	_ =	shalt  }
0x50: {  	_ =	shalt  }
0x51: {  	_ =	shalt  }
0x52: {  	_ =	shalt  }
0x53: {  	_ =	shalt  }
0x54: {  	_ =	shalt  }
0x55: {  	_ =	shalt  }
0x56: {  	_ =	shalt  }
0x57: {  	_ =	shalt  }
0x58: {  	_ =	shalt  }
0x59: {  	_ =	shalt  }
0x5a: {  	_ =	shalt  }
0x5b: {  	_ =	shalt  }
0x5c: {  	_ =	shalt  }
0x5d: {  	_ =	shalt  }
0x5e: {  	_ =	shalt  }
0x5f: {  	_ =	shalt  }
0x60: {  	_ =	shalt  }
0x61: {  	_ =	shalt  }
0x62: {  	_ =	shalt  }
0x63: {  	_ =	shalt  }
0x64: {  	_ =	shalt  }
0x65: {  	_ =	shalt  }
0x66: {  	_ =	shalt  }
0x67: {  	_ =	shalt  }
0x68: {  	_ =	shalt  }
0x69: {  	_ =	shalt  }
0x6a: {  	_ =	shalt  }
0x6b: {  	_ =	shalt  }
0x6c: {  	_ =	shalt  }
0x6d: {  	_ =	shalt  }
0x6e: {  	_ =	shalt  }
0x6f: {  	_ =	shalt  }
0x70: {  	_ =	shalt  }
0x71: {  	_ =	shalt  }
0x72: {  	_ =	shalt  }
0x73: {  	_ =	shalt  }
0x74: {  	_ =	shalt  }
0x75: {  	_ =	shalt  }
0x76: {  	_ =	shalt  }
0x77: {  	_ =	shalt  }
0x78: {  	_ =	shalt  }
0x79: {  	_ =	shalt  }
0x7a: {  	_ =	shalt  }
0x7b: {  	_ =	shalt  }
0x7c: {  	_ =	shalt  }
0x7d: {  	_ =	shalt  }
0x7e: {  	_ =	shalt  }
0x7f: {  	_ =	shalt  }
0x80: {  	_ =	shalt  }
0x81: {  	_ =	shalt  }
0x82: {  	_ =	shalt  }
0x83: {  	_ =	shalt  }
0x84: {  	_ =	shalt  }
0x85: {  	_ =	shalt  }
0x86: {  	_ =	shalt  }
0x87: {  	_ =	shalt  }
.Lfunc_end0:
.L_simem_size_0:
called_computation.2_lowered:
.L_overlay_start_0:
0x88: {  	s2 =	sld [smem:$0x3FD9]  }
0x89: {  	s3 =	sld [smem:$0x3FFE];
	_ =	sdelay $0x1  }
0x8a: {  	s1 =	srdreg.scid  }
0x8b: {  	s0 =	sand.u32 $0x1, s1  }
0x8c: {  	s16 =	sshll.u32 s0, $0xA;
	s2 =	sadd.s32 s3, s2  }
0x8d: {  	s2 =	sadd.s32 s2, s16  }
0x8e: {  	[smem:$0x3FBD] =	sst s2  }
0x8f: {  	_ = 	snop  }
0x90: {  	(tm) =	ssettm $0x1  }
0x91: {  	s17 =	sld [smem:$0x3FFB];
	_ =	sdelay $0x3  }
0x92: {  	_ =	strace s17  }
0x93: {  	s2 =	sld [smem:$0x3FFC];
	_ =	sdelay $0x3  }
0x94: {  	_ =	strace s2  }
0x95: {  	s2 =	sld [smem:$0x3FFD];
	_ =	sdelay $0x3  }
0x96: {  	_ =	strace s2  }
0x97: {  	_ =	strace $0x8FFFFFFF  }
0x98: {  	s18 =	sld [smem:$0x3FDB];
	_ =	sdelay $0x1  }
0x99: {  	s19 =	simm.s32 $_scs_section_size  }
0x9a: {  	s4 =	simm.s32 $_size__tile_overlayer_lowered;
	s5 =	simm.s32 $_tile_overlayer_lowered  }
0x9b: {  	s22 =	simm.s32 $0x1BFF;
	s21 =	sshll.u32 s5, $0x1;
	s2 =	sadd.s32 s19, s18  }
0x9c: {  	s6 =	simm.s32 $0x0;
	s20 =	sshll.u32 s4, $0x1;
	s4 =	sadd.s32 s21, s2  }
0x9d: {  	[timem:s6], [sflag:s22] =	dma.local [hbm:s4], s20  }
0x9e: {  	_ =	swait.ge [sflag:s22], s20  }
0x9f: {  	s3 =	ssub.s32 $0x0, s20;
	[sflag:s22] =	ssyncset.done $0x0  }
0xa0: {  	[sflag:s22] =	ssyncadd.s32 s3;
	_ =	sdelay $0x1  }
0xa1: {  	s23 =	simm.s32 $0x1B8B  }
0xa2: {  	_ =	swait.ge [sflag:s23], $0x1  }
0xa3: {  	[sflag:s23] =	ssyncset.done $0x0  }
0xa4: {  	s25 =	simm.s32 $0x1B8E;
	s24 =	sld [smem:$0x3FFE];
	[sflag:s23] =	ssyncadd.s32 $0xFFFFFFFF  }
0xa5: {  	s26 =	simm.s32 $execute0_lowered;
	[smem:$0x3FD2] =	sst s25  }
0xa6: {  	s4 =	sshll.u32 s26, $0x1;
	_ =	strace $0x8000004C;
	[dreg:$0x1] =	wrdreg $0xFFFFFFFF  }
0xa7: {  	s28 =	simm.s32 $_size_execute0_lowered;
	s2 =	sadd.s32 s2, s4;
	[dreg:$0x0] =	wrdreg $0x0  }
0xa8: {  	s4 =	sshll.u32 s28, $0x1;
	[dreg:$0x2] =	wrdreg s2  }
0xa9: {  	[dreg:$0x3] =	wrdreg s4  }
0xaa: {  	[dreg:$0x4] =	wrdreg $0xC0  }
0xab: {  	_ =	task [dreg:s6], $0x5FFFF  }
0xac: {  	[dreg:$0x1] =	wrdreg $0xFFFFFFFF  }
0xad: {  	[dreg:$0x0] =	wrdreg $0x60  }
0xae: {  	[dreg:$0x2] =	wrdreg s24  }
0xaf: {  	[dreg:$0x3] =	wrdreg $0x124000  }
0xb0: {  	[dreg:$0x4] =	wrdreg $0x9  }
0xb1: {  	_ =	task.clear_ibuf [dreg:s6], $0x5FFFF;
	_ =	strace $0x9000004C  }
0xb2: {  	s29 =	simm.s32 $0x9;
	_ =	strace $0x8000004E  }
0xb3: {  	_ =	swait.ge [sflag:s29], $0x1  }
0xb4: {  	[sflag:s29] =	ssyncadd.s32 $0xFFFFFFFF  }
0xb5: {  	_ =	strace $0x9000004E  }
0xb6: {  	_ =	sfence  }
0xb7: {  	s30 =	sld [smem:$0x0];
	_ =	sdelay $0x2  }
0xb8: {  	s31 =	sshll.u32 s1, $0xD;
	s1 =	sshrl.u32 s1, $0x2  }
0xb9: {  	s3 =	sand.u32 $0x4000, s31;
	s1 =	sadd.s32 s1, s30  }
0xba: {  	s0 =	sor.u32 s3, s0;
	s1 =	sshll.u32 s1, $0x11  }
0xbb: {  	s0 =	sor.u32 s1, s0  }
0xbc: {  	s0 =	sadd.s32 $0x8F2B, s0  }
0xbd: {  	[sflag:s0] =	ssyncadd.remote.s32 $0x1  }
0xbe: {  	_ =	sfence.sel $0xFFFF  }
0xbf: {  	[dreg:$0x0] =	wrdreg $0xFFFFFFFF;
	(pc) =	sbr.abs _section_cstart, $3  }
0xc0: {  	[dreg:$0x1] =	wrdreg $0xFFFFFFFF  }
0xc1: {  	_ =	task.clear_ibuf [dreg:s6], $0x2FFFF;
	_ =	strace $0x9FFFFFFF  }
0xc2: {  	(tm) =	ssettm $0x7FFFFFFF  }
0xc3: {  	_ =	shalt  }
tec
execute0_lowered:
.L_overlay_start_1:
0x0: {  	(tag) =	ssettag $0x1  }
0x1: {  	s5 =	rddreg [dreg:$0x0];
	s0 =	srdreg.scid  }
0x2: {  	s2 =	rddreg [dreg:$0x1];
	s26 =	stileid.u32  }
0x3: {  	s3 =	simm.s32 $0x0;
	s14 =	simm.s32 $0x40;
	s15 =	simm.s32 $0x10000  }
0x4: {  	s16 =	simm.s32 $0xE000;
	s17 =	simm.s32 $0x2;
	s18 =	simm.s32 $0x10080  }
0x5: {  	s19 =	simm.s32 $0x10100;
	s20 =	simm.s32 $0x10180;
	s21 =	simm.s32 $0x10200  }
0x6: {  	s22 =	simm.s32 $0x5000;
	s23 =	simm.s32 $0x80;
	s24 =	simm.s32 $0xA000  }
0x7: {  	s28 =	simm.s32 $0x0;
	s6 =	sand.u32 $0x1, s0;
	s8 =	smul.u32 $0xA000, s26  }
0x8: {  	[smem:$0x7FF] =	sst s3;
	s9 =	smul.u32 $0xA00, s26;
	s4 =	sadd.s32 $0xD200, s5  }
0x9: {  	s7 =	smul.u32 $0xA0000, s6;
	_ =	strace $0x8000004D;
	s30 =	ssub.s32 $0x2, s6  }
0xa: {  	s25 =	smul.u32 $0x1400, s6;
	s29 =	sadd.s32 s9, s5;
	s31 =	sshrl.u32 s30, $0x1  }
0xb: {  	s7 =	sadd.s32 s8, s7;
	s9 =	ssub.s32 s30, s31;
	s6 =	sadd.s32 $0x35200, s29  }
0xc: {  	v0 =	vmov s25;
	s25 =	simm.s32 $0x1;
	s7 =	sshrl.u32 s7, $0x3;
	s8 =	smax.u32 s9, $0x1  }
0xd: {  	s13 =	sadd.s32 s7, s5;
	s5 =	smul.u32 $0x140, s26;
	s7 =	sadd.s32 $0x3200, s29  }
0xe: {  	s26 =	simm.s32 $0x10400;
	s9 =	sadd.s32 $0x3F200, s13;
	s10 =	sadd.s32 $0x3F600, s13  }
0xf: {  	v1 =	vimm.f32 $0.0e+00;
	v2 =	vlaneseq.u32;
	s11 =	sadd.s32 $0x3FA00, s13;
	s12 =	sadd.s32 $0x3FE00, s13;
	s13 =	sadd.s32 $0x40200, s13  }
.LBB2_1:
0x10: {  	s29 =	simm.s32 $0x0;
	s30 =	simm.s32 $0x200  }
.LBB2_2:
0x11: {  	p0 =	sne.s32 s30, $0x7E00;
	[tilespmem:s29+$0xE070] =	vst v1  }
0x12: {  	[tilespmem:s29+$0xE000] =	vst v1  }
0x13: {  	[tilespmem:s29+$0xE010] =	vst v1  }
.Ltmp0:
0x14: {  	[tilespmem:s29+$0xE020] =	vst v1;
	(pc) =	sbr.rel @p0 .LBB2_2-.Ltmp0, $4  }
0x15: {  	[tilespmem:s29+$0xE030] =	vst v1  }
0x16: {  	[tilespmem:s29+$0xE040] =	vst v1  }
0x17: {  	[tilespmem:s29+$0xE050] =	vst v1  }
0x18: {  	[tilespmem:s29+$0xE060] =	vst v1;
	s29 =	sshra.s32 s30, $0x2;
	s30 =	sadd.s32 $0x200, s30  }
0x19: {  	[tilespmem:s29+$0xE070] =	vst v1  }
0x1a: {  	[tilespmem:s29+$0xE000] =	vst v1  }
0x1b: {  	[tilespmem:s29+$0xE010] =	vst v1  }
0x1c: {  	[tilespmem:s29+$0xE020] =	vst v1  }
0x1d: {  	[tilespmem:s29+$0xE030] =	vst v1  }
0x1e: {  	[tilespmem:s29+$0xE040] =	vst v1;
	s31 =	sadd.s32 $0x0, s5  }
0x1f: {  	[tilespmem:s29+$0xE050] =	vst v1;
	s30 =	sadd.s32 $0x30, s31  }
0x20: {  	[tilespmem:s29+$0xE060] =	vst v1;
	s29 =	simm.s32 $0x10020;
	s0 =	sadd.s32 $0x10, s31;
	v3 =	vor.u32 s30, v2  }
0x21: {  	s30 =	sadd.s32 $0x20, s31;
	v4 =	vor.u32 s0, v2;
	[tilespmem:s29+$0x10] =	vst v3  }
0x22: {  	v5 =	vor.u32 s30, v2;
	[tilespmem:s29+$0xFFFFFFF0] =	vst v4  }
0x23: {  	s30 =	simm.s32 $0x40;
	v3 =	vor.u32 s31, v2;
	[tilespmem:s29+$0x0] =	vst v5  }
.LBB2_4:
0x24: {  	s0 =	sadd.s32 s30, s5  }
0x25: {  	p0 =	sne.s32 s30, $0x100;
	s30 =	sadd.s32 $0x40, s30;
	[tilespmem:s29+$0xFFFFFFE0] =	vst v3;
	s31 =	sadd.s32 $0x10, s0  }
.Ltmp1:
0x26: {  	v3 =	vor.u32 s0, v2;
	s1 =	sadd.s32 $0x20, s0;
	s0 =	sadd.s32 $0x30, s0;
	(pc) =	sbr.rel @p0 .LBB2_4-.Ltmp1, $4  }
0x27: {  	s29 =	sadd.s32 $0x80, s29;
	v4 =	vor.u32 s31, v2;
	v5 =	vor.u32 s1, v2;
	v6 =	vor.u32 s0, v2  }
0x28: {  	[tilespmem:s29+$0x10] =	vst v6  }
0x29: {  	[tilespmem:s29+$0xFFFFFFF0] =	vst v4  }
0x2a: {  	[tilespmem:s29+$0x0] =	vst v5  }
0x2b: {  	[tilespmem:s29+$0xFFFFFFE0] =	vst v3  }
0x2c: {  	[spmem:s2] =	stream.indirect.scatter [tilespmem:s16], [sflag:$0x2], $0x80, s15, s14, $0xb8;
	[tilespmem:$0x1C440] =	vst v63  }
0x2d: {  	_ =	swait.ge [sflag:s17], $0x2000  }
0x2e: {  	[sflag:s17] =	ssyncset.done $0x0  }
0x2f: {  	[sflag:s17] =	ssyncadd.s32 $0xFFFFE000  }
0x30: {  	[spmem:s2] =	stream.indirect.scatter [tilespmem:s16], [sflag:$0x2], $0x80, s18, s14, $0xb8;
	[tilespmem:$0x1C440] =	vst v63  }
0x31: {  	_ =	swait.ge [sflag:s17], $0x2000  }
0x32: {  	[sflag:s17] =	ssyncset.done $0x0  }
0x33: {  	[sflag:s17] =	ssyncadd.s32 $0xFFFFE000  }
0x34: {  	[spmem:s2] =	stream.indirect.scatter [tilespmem:s16], [sflag:$0x2], $0x80, s19, s14, $0xb8;
	[tilespmem:$0x1C440] =	vst v63  }
0x35: {  	_ =	swait.ge [sflag:s17], $0x2000  }
0x36: {  	[sflag:s17] =	ssyncset.done $0x0  }
0x37: {  	[sflag:s17] =	ssyncadd.s32 $0xFFFFE000  }
0x38: {  	[spmem:s2] =	stream.indirect.scatter [tilespmem:s16], [sflag:$0x2], $0x80, s20, s14, $0xb8;
	[tilespmem:$0x1C440] =	vst v63  }
0x39: {  	_ =	swait.ge [sflag:s17], $0x2000  }
0x3a: {  	[sflag:s17] =	ssyncset.done $0x0  }
0x3b: {  	[sflag:s17] =	ssyncadd.s32 $0xFFFFE000  }
0x3c: {  	[spmem:s2] =	stream.indirect.scatter [tilespmem:s16], [sflag:$0x2], $0x80, s21, s14, $0xb8;
	[tilespmem:$0x1C440] =	vst v63  }
0x3d: {  	_ =	swait.ge [sflag:s17], $0x2000  }
0x3e: {  	[sflag:s17] =	ssyncset.done $0x0  }
0x3f: {  	[sflag:s17] =	ssyncadd.s32 $0xFFFFE000  }
0x40: {  	s0 =	simm.s32 $0x0;
	[bflag:$0x0] =	sbarrier.arrive $0xFFFF  }
0x41: {  	[tilespmem:s0], [sflag:$0x2] =	stream.linear.gather [hbm4b:s6+s0], $0x5000, $0x38;
	[tilespmem:$0x1C440] =	vst v63  }
0x42: {  	_ =	swait.ge [sflag:s17], $0x5000  }
0x43: {  	[sflag:s17] =	ssyncset.done $0x0  }
0x44: {  	[sflag:s17] =	ssyncadd.s32 $0xFFFFB000  }
0x45: {  	[tilespmem:s22], [sflag:$0x2] =	stream.linear.gather [hbm4b:s7+s0], $0x5000, $0x38;
	[tilespmem:$0x1C440] =	vst v63  }
0x46: {  	_ =	swait.ge [sflag:s17], $0x5000  }
0x47: {  	[sflag:s17] =	ssyncset.done $0x0  }
0x48: {  	s29 =	simm.s32 $0x0;
	[sflag:s17] =	ssyncadd.s32 $0xFFFFB000  }
0x49: {  	v4 =	vld [tilespmem:s29+$0x5000]  }
0x4a: {  	v5 =	vld [tilespmem:s29+$0x5010]  }
0x4b: {  	v7 =	vld [tilespmem:s29+$0x5020]  }
0x4c: {  	v6 =	vld [tilespmem:s29+$0x5030]  }
0x4d: {  	v3 =	vld [tilespmem:s29+$0x5040]  }
0x4e: {  	v8 =	vsub.s32 v4, v0;
	v4 =	vld [tilespmem:s29+$0x5050]  }
0x4f: {  	s30 =	simm.s32 $0x200;
	v9 =	vsub.s32 v5, v0;
	v5 =	vld [tilespmem:s29+$0x5060];
	v8 =	vmin.u32 v8, $0x1400  }
.LBB2_6:
0x50: {  	s0 =	sshra.s32 s30, $0x2;
	p0 =	sne.s32 s30, $0x13E00;
	[tilespmem:s29+$0x5000] =	vst v8;
	v8 =	vmin.u32 v9, $0x1400;
	v7 =	vsub.s32 v7, v0;
	v9 =	vld [tilespmem:s29+$0x5070]  }
0x51: {  	v10 =	vld [tilespmem:s0+$0x5000];
	[tilespmem:s29+$0x5010] =	vst v8;
	v7 =	vmin.u32 v7, $0x1400;
	v6 =	vsub.s32 v6, v0  }
0x52: {  	v11 =	vld [tilespmem:s0+$0x5010];
	[tilespmem:s29+$0x5020] =	vst v7;
	v6 =	vmin.u32 v6, $0x1400;
	v3 =	vsub.s32 v3, v0  }
.Ltmp2:
0x53: {  	v7 =	vld [tilespmem:s0+$0x5020];
	[tilespmem:s29+$0x5030] =	vst v6;
	v3 =	vmin.u32 v3, $0x1400;
	v4 =	vsub.s32 v4, v0;
	(pc) =	sbr.rel @p0 .LBB2_6-.Ltmp2, $4  }
0x54: {  	v6 =	vld [tilespmem:s0+$0x5030];
	[tilespmem:s29+$0x5040] =	vst v3;
	v4 =	vmin.u32 v4, $0x1400;
	v5 =	vsub.s32 v5, v0  }
0x55: {  	v3 =	vld [tilespmem:s0+$0x5040];
	[tilespmem:s29+$0x5050] =	vst v4;
	v5 =	vmin.u32 v5, $0x1400;
	v8 =	vsub.s32 v9, v0  }
0x56: {  	v9 =	vsub.s32 v10, v0;
	v4 =	vld [tilespmem:s0+$0x5050];
	[tilespmem:s29+$0x5060] =	vst v5;
	v10 =	vmin.u32 v8, $0x1400  }
0x57: {  	s30 =	sadd.s32 $0x200, s30;
	v8 =	vmin.u32 v9, $0x1400;
	v9 =	vsub.s32 v11, v0;
	v5 =	vld [tilespmem:s0+$0x5060];
	[tilespmem:s29+$0x5070] =	vst v10;
	s29 =	smov.u32 s0  }
0x58: {  	[tilespmem:s29+$0x5000] =	vst v8;
	v60 =	vmin.u32 v9, $0x1400;
	v7 =	vsub.s32 v7, v0;
	v61 =	vld [tilespmem:s29+$0x5070]  }
0x59: {  	[tilespmem:s29+$0x5010] =	vst v60;
	v7 =	vmin.u32 v7, $0x1400;
	v6 =	vsub.s32 v6, v0  }
0x5a: {  	[tilespmem:s29+$0x5020] =	vst v7;
	v6 =	vmin.u32 v6, $0x1400;
	v3 =	vsub.s32 v3, v0  }
0x5b: {  	[tilespmem:s29+$0x5030] =	vst v6;
	v3 =	vmin.u32 v3, $0x1400;
	v4 =	vsub.s32 v4, v0  }
0x5c: {  	[tilespmem:s29+$0x5040] =	vst v3;
	v3 =	vmin.u32 v4, $0x1400;
	v62 =	vsub.s32 v5, v0  }
0x5d: {  	[tilespmem:s29+$0x5050] =	vst v3;
	v3 =	vmin.u32 v62, $0x1400;
	v63 =	vsub.s32 v61, v0  }
0x5e: {  	[tilespmem:s29+$0x5060] =	vst v3;
	v3 =	vmin.u32 v63, $0x1400  }
0x5f: {  	s0 =	simm.s32 $0x0;
	[tilespmem:s29+$0x5070] =	vst v3  }
0x60: {  	[tilespmem:s24], [sflag:$0x1] =	stream.indirect.gather [hbm4b:s4+s23], $0x80, s0, s23, $0xb8;
	[tilespmem:$0x1C440] =	vst v63  }
0x61: {  	_ =	swait.ge [sflag:s25], $0x4000  }
0x62: {  	[sflag:s25] =	ssyncset.done $0x0  }
0x63: {  	s31 =	simm.s32 $0x5000;
	[sflag:s25] =	ssyncadd.s32 $0xFFFFC000  }
0x64: {  	[spmem:s2] =	stream.indirect.scatter.add.f32 [tilespmem:s24], [sflag:$0x2], $0x80, s31, s23, $0xb8;
	[tilespmem:$0x1C440] =	vst v63  }
0x65: {  	_ =	swait.ge [sflag:s17], $0x4000  }
0x66: {  	s30 =	simm.s32 $0x400;
	s29 =	simm.s32 $0x200;
	[sflag:s17] =	ssyncset.done $0x0  }
.LBB2_8:
0x67: {  	s0 =	sshra.s32 s29, $0x2  }
0x68: {  	[sflag:s17] =	ssyncadd.s32 $0xFFFFC000;
	s29 =	smov.u32 s30;
	s1 =	sadd.s32 $0x200, s30  }
0x69: {  	[tilespmem:s24], [sflag:$0x1] =	stream.indirect.gather [hbm4b:s4+s23], $0x80, s0, s23, $0xb8;
	[tilespmem:$0x1C440] =	vst v63  }
0x6a: {  	p0 =	sne.s32 s30, $0x13E00;
	_ =	swait.ge [sflag:s25], $0x4000  }
.Ltmp3:
0x6b: {  	[sflag:s25] =	ssyncset.done $0x0;
	(pc) =	sbr.rel @p0 .LBB2_8-.Ltmp3, $4  }
0x6c: {  	s0 =	sadd.s32 $0x5000, s0;
	[sflag:s25] =	ssyncadd.s32 $0xFFFFC000  }
0x6d: {  	[spmem:s2] =	stream.indirect.scatter.add.f32 [tilespmem:s24], [sflag:$0x2], $0x80, s0, s23, $0xb8;
	[tilespmem:$0x1C440] =	vst v63  }
0x6e: {  	_ =	swait.ge [sflag:s17], $0x4000  }
0x6f: {  	s30 =	smov.u32 s1;
	[sflag:s17] =	ssyncset.done $0x0  }
0x70: {  	s0 =	sshra.s32 s29, $0x2;
	[sflag:s17] =	ssyncadd.s32 $0xFFFFC000  }
0x71: {  	[tilespmem:s24], [sflag:$0x1] =	stream.indirect.gather [hbm4b:s4+s23], $0x80, s0, s23, $0xb8;
	[tilespmem:$0x1C440] =	vst v63  }
0x72: {  	_ =	swait.ge [sflag:s25], $0x4000  }
0x73: {  	[sflag:s25] =	ssyncset.done $0x0  }
0x74: {  	s0 =	sadd.s32 $0x5000, s0;
	[sflag:s25] =	ssyncadd.s32 $0xFFFFC000  }
0x75: {  	[spmem:s2] =	stream.indirect.scatter.add.f32 [tilespmem:s24], [sflag:$0x2], $0x80, s0, s23, $0xb8;
	[tilespmem:$0x1C440] =	vst v63  }
0x76: {  	_ =	swait.ge [sflag:s17], $0x4000  }
0x77: {  	[sflag:s17] =	ssyncset.done $0x0  }
0x78: {  	[sflag:s17] =	ssyncadd.s32 $0xFFFFC000  }
0x79: {  	[bflag:$0x0] =	sbarrier.arrive $0xFFFF  }
0x7a: {  	[tilespmem:s26], [sflag:$0x2] =	stream.indirect.gather [spmem:s2], $0x80, s15, s14, $0xb8;
	[tilespmem:$0x1C440] =	vst v63  }
0x7b: {  	_ =	swait.ge [sflag:s17], $0x2000  }
0x7c: {  	[sflag:s17] =	ssyncset.done $0x0  }
0x7d: {  	[sflag:s17] =	ssyncadd.s32 $0xFFFFE000  }
0x7e: {  	[hbm4b:s9+s3] =	stream.linear.scatter [tilespmem:s26], [sflag:$0x2], $0x2000, $0x38;
	[tilespmem:$0x1C440] =	vst v63  }
0x7f: {  	_ =	swait.ge [sflag:s17], $0x2000  }
0x80: {  	[sflag:s17] =	ssyncset.done $0x0  }
0x81: {  	[sflag:s17] =	ssyncadd.s32 $0xFFFFE000  }
0x82: {  	[tilespmem:s26], [sflag:$0x2] =	stream.indirect.gather [spmem:s2], $0x80, s18, s14, $0xb8;
	[tilespmem:$0x1C440] =	vst v63  }
0x83: {  	_ =	swait.ge [sflag:s17], $0x2000  }
0x84: {  	[sflag:s17] =	ssyncset.done $0x0  }
0x85: {  	[sflag:s17] =	ssyncadd.s32 $0xFFFFE000  }
0x86: {  	[hbm4b:s10+s3] =	stream.linear.scatter [tilespmem:s26], [sflag:$0x2], $0x2000, $0x38;
	[tilespmem:$0x1C440] =	vst v63  }
0x87: {  	_ =	swait.ge [sflag:s17], $0x2000  }
0x88: {  	[sflag:s17] =	ssyncset.done $0x0  }
0x89: {  	[sflag:s17] =	ssyncadd.s32 $0xFFFFE000  }
0x8a: {  	[tilespmem:s26], [sflag:$0x2] =	stream.indirect.gather [spmem:s2], $0x80, s19, s14, $0xb8;
	[tilespmem:$0x1C440] =	vst v63  }
0x8b: {  	_ =	swait.ge [sflag:s17], $0x2000  }
0x8c: {  	[sflag:s17] =	ssyncset.done $0x0  }
0x8d: {  	[sflag:s17] =	ssyncadd.s32 $0xFFFFE000  }
0x8e: {  	[hbm4b:s11+s3] =	stream.linear.scatter [tilespmem:s26], [sflag:$0x2], $0x2000, $0x38;
	[tilespmem:$0x1C440] =	vst v63  }
0x8f: {  	_ =	swait.ge [sflag:s17], $0x2000  }
0x90: {  	[sflag:s17] =	ssyncset.done $0x0  }
0x91: {  	[sflag:s17] =	ssyncadd.s32 $0xFFFFE000  }
0x92: {  	[tilespmem:s26], [sflag:$0x2] =	stream.indirect.gather [spmem:s2], $0x80, s20, s14, $0xb8;
	[tilespmem:$0x1C440] =	vst v63  }
0x93: {  	_ =	swait.ge [sflag:s17], $0x2000  }
0x94: {  	[sflag:s17] =	ssyncset.done $0x0  }
0x95: {  	[sflag:s17] =	ssyncadd.s32 $0xFFFFE000  }
0x96: {  	[hbm4b:s12+s3] =	stream.linear.scatter [tilespmem:s26], [sflag:$0x2], $0x2000, $0x38;
	[tilespmem:$0x1C440] =	vst v63  }
0x97: {  	_ =	swait.ge [sflag:s17], $0x2000  }
0x98: {  	[sflag:s17] =	ssyncset.done $0x0  }
0x99: {  	[sflag:s17] =	ssyncadd.s32 $0xFFFFE000  }
0x9a: {  	[tilespmem:s26], [sflag:$0x2] =	stream.indirect.gather [spmem:s2], $0x80, s21, s14, $0xb8;
	[tilespmem:$0x1C440] =	vst v63  }
0x9b: {  	s28 =	sadd.s32 $0x1, s28;
	_ =	swait.ge [sflag:s17], $0x2000  }
0x9c: {  	p0 =	sne.s32 s28, s8;
	[sflag:s17] =	ssyncset.done $0x0  }
.Ltmp4:
0x9d: {  	[sflag:s17] =	ssyncadd.s32 $0xFFFFE000;
	(pc) =	sbr.rel @p0 .LBB2_1-.Ltmp4, $4  }
0x9e: {  	[hbm4b:s13+s3] =	stream.linear.scatter [tilespmem:s26], [sflag:$0x2], $0x2000, $0x38;
	[tilespmem:$0x1C440] =	vst v63  }
0x9f: {  	_ =	swait.ge [sflag:s17], $0x2000  }
0xa0: {  	[sflag:s17] =	ssyncset.done $0x0  }
0xa1: {  	[sflag:s17] =	ssyncadd.s32 $0xFFFFE000  }
0xa2: {  	_ =	sfence.sel $0x180000  }
0xa3: {  	[bflag:$0x0] =	sbarrier.arrive $0xFFFF  }
0xa4: {  	_ =	strace $0x9000004D  }
0xa5: {  	s0 =	stileid.u32;
	[bflag:$0x2] =	sbarrier.arrive $0xFFFF  }
0xa6: {  	p0 =	sne.s32 s0, $0x0;
	s0 =	rddreg [dreg:$0x2]  }
0xa7: {  	s0 =	sadd.s32 @!p0 $0x100000, s0  }
0xa8: {  	[sflag:s0] =	ssyncadd.tile.s32 @!p0 $0x1;
	_ =	shalt  }
.Lfunc_end2:
_tile_overlayer_lowered:
.L_overlay_start_2:
0xa9: {  	(tag) =	ssettag $0x2  }
0xaa: {  	s0 =	rddreg [dreg:$0x0];
	s2 =	stileid.u32  }
0xab: {  	s1 =	rddreg [dreg:$0x1];
	p0 =	sne.s32 s2, $0x0  }
0xac: {  	s3 =	rddreg [dreg:$0x2];
	[bflag:$0x3] =	sbarrier.arrive $0xFFFF;
	s2 =	simm.s32 @!p0 $0x1C02  }
0xad: {  	[timem:s3], [sflag:s2] =	dma.local @!p0 [hbm:s0], s1  }
0xae: {  	s0 =	simm.s32 @!p0 $0x2  }
0xaf: {  	_ =	swait.ge @!p0 [sflag:s0], s1  }
0xb0: {  	s1 =	ssub.s32 @!p0 $0x0, s1;
	[sflag:s0] =	ssyncset.done @!p0 $0x0  }
0xb1: {  	[sflag:s0] =	ssyncadd.s32 @!p0 s1  }
0xb2: {  	[bflag:$0x3] =	sbarrier.arrive $0xFFFF  }
0xb3: {  	_ =	shalt  }

// kernel: kernel.8.cloned.1.call-start
scs
__scs_entry_jumppad:
0x0: {  	(pc) =	sbr.rel $0x88, $3  }
0x1: {  	(tag) =	ssettag $0x0;
	lr =	simm.s32 $0x1  }
0x2: {  	[smem:$0x3F96] =	sst lr;
	_ =	strace $0xD0000000  }
0x3: {  	_ = 	snop  }
0x4: {  	_ = 	snop  }
0x5: {  	_ = 	snop  }
0x6: {  	_ = 	snop  }
0x7: {  	_ = 	snop  }
__scs_overlays_trampoline_lowered:
0x8: {  	[smem:$0x3FA5] =	sst s0  }
0x9: {  	[smem:$0x3FA6] =	sst s1  }
0xa: {  	[smem:$0x3FA7] =	sst s2  }
0xb: {  	[smem:$0x3FA8] =	sst s3  }
0xc: {  	[smem:$0x3FA9] =	sst s4  }
0xd: {  	[smem:$0x3FAA] =	sst s5  }
0xe: {  	[smem:$0x3FAB] =	sst s6  }
0xf: {  	[smem:$0x3FAC] =	sst s7  }
0x10: {  	[smem:$0x3FAD] =	sst s8  }
0x11: {  	[smem:$0x3FAE] =	sst s9;
	s0 =	simm.s32 @!p0 $0x0  }
0x12: {  	s1 =	sld [smem:$0x3F94];
	s0 =	simm.s32 @p0 $0x1  }
0x13: {  	[smem:$0x3FAF] =	sst s0;
	s0 =	simm.s32 @!p1 $0x0  }
0x14: {  	s2 =	sld [smem:$0x3F93];
	s0 =	simm.s32 @p1 $0x1  }
0x15: {  	[smem:$0x3FB0] =	sst s0;
	s0 =	simm.s32 @!p2 $0x0  }
0x16: {  	s3 =	sld [smem:$0x3FDB];
	s0 =	simm.s32 @p2 $0x1  }
0x17: {  	s4 =	simm.s32 $0x1BF5;
	[smem:$0x3FB2] =	sst s0  }
0x18: {  	s0 =	sld [smem:$0x3F95];
	_ =	swait.ge [sflag:s4], $0x0  }
0x19: {  	s7 =	sld [smem:$0x3F96]  }
0x1a: {  	s8 =	sadd.s32 $0xFFFFE003, lr  }
0x1b: {  	s9 =	sadd.s32 $0xFFFFFEF7, lr;
	s5 =	simm.s32 $0xFFFFFFFF;
	p2 =	slt.u32 s8, $0xFFFFF086  }
0x1c: {  	p1 =	slt.u32 s9, $0xF7A;
	s5 =	simm.s32 @!p2 $0x0  }
0x1d: {  	s5 =	simm.s32 @p1 $0x1;
	p0 =	seq.s32 s7, s2  }
0x1e: {  	s7 =	smul.u32 @!p0 $0xF7A, s2;
	p2 =	seq.s32 @!p0 s5, $0x0  }
0x1f: {  	s9 =	smul.u32 $0xF7A, s1;
	s8 =	simm.s32 @!p0 $0x1BF5;
	p2 =	por !p2, p0  }
0x20: {  	[sflag:s8] =	ssyncset.s32 @!p0 $0xFFFFF086;
	s6 =	sadd.s32 @!p0 s3, s7;
	s7 =	simm.s32 @!p0 $0x108  }
0x21: {  	s3 =	sadd.s32 s3, s9;
	s6 =	sadd.s32 @!p0 $0x88, s6;
	s7 =	simm.s32 @p2 $0x1082  }
0x22: {  	[simem:s7], [sflag:s8] =	dma.local @!p0 [hbm:s6], $0xF7A  }
0x23: {  	s9 =	sor.u32 $0xD0000000, s2;
	s6 =	simm.s32 $0x108;
	_ =	swait.ge @!p0 [sflag:s8], $0x0  }
0x24: {  	s3 =	sadd.s32 $0x88, s3;
	s6 =	simm.s32 @!p1 $0x1082;
	[sflag:s4] =	ssyncset.s32 $0xFFFFF086  }
0x25: {  	[simem:s6], [sflag:s4] =	dma.local [hbm:s3], $0xF7A  }
0x26: {  	[smem:$0x3F96] =	sst s1;
	(tag) =	ssettag s2;
	_ =	strace s9  }
0x27: {  	s1 =	sld [smem:$0x3FA6]  }
0x28: {  	s2 =	sld [smem:$0x3FA7]  }
0x29: {  	s4 =	sld [smem:$0x3FA9]  }
0x2a: {  	p0 =	seq.s32 s5, $0x0;
	s5 =	sld [smem:$0x3FAA]  }
0x2b: {  	s6 =	sld [smem:$0x3FAB]  }
0x2c: {  	s7 =	sld [smem:$0x3FAC]  }
0x2d: {  	s3 =	simm.s32 $0x108;
	s8 =	sld [smem:$0x3FAD]  }
0x2e: {  	s3 =	simm.s32 @!p0 $0x1082;
	s9 =	sld [smem:$0x3FAE]  }
0x2f: {  	lr =	sadd.s32 s0, s3;
	s0 =	sld [smem:$0x3FA5]  }
0x30: {  	s3 =	sld [smem:$0x3FA8]  }
0x31: {  	[smem:$0x3FB1] =	sst s10  }
0x32: {  	s10 =	sld [smem:$0x3FAF];
	_ =	sdelay $0x3  }
0x33: {  	p0 =	seq.s32 s10, $0x1;
	s10 =	sld [smem:$0x3FB1];
	_ =	sdelay $0x3  }
0x34: {  	[smem:$0x3FB1] =	sst s10  }
0x35: {  	s10 =	sld [smem:$0x3FB0];
	_ =	sdelay $0x3  }
0x36: {  	p1 =	seq.s32 s10, $0x1;
	s10 =	sld [smem:$0x3FB1];
	_ =	sdelay $0x3  }
0x37: {  	[smem:$0x3FB1] =	sst s10  }
0x38: {  	s10 =	sld [smem:$0x3FB2]  }
0x39: {  	_ = 	snop;
	(pc) =	sbr.ind lr, $3  }
0x3a: {  	_ = 	snop  }
0x3b: {  	_ = 	snop  }
0x3c: {  	p2 =	seq.s32 s10, $0x1;
	s10 =	sld [smem:$0x3FB1]  }
0x3d: {  	_ =	shalt  }
0x3e: {  	_ =	shalt  }
0x3f: {  	_ =	shalt  }
0x40: {  	_ =	shalt  }
0x41: {  	_ =	shalt  }
0x42: {  	_ =	shalt  }
0x43: {  	_ =	shalt  }
0x44: {  	_ =	shalt  }
0x45: {  	_ =	shalt  }
0x46: {  	_ =	shalt  }
0x47: {  	_ =	shalt  }
0x48: {  	_ =	shalt  }
0x49: {  	_ =	shalt  }
0x4a: {  	_ =	shalt  }
0x4b: {  	_ =	shalt  }
0x4c: {  	_ =	shalt  }
0x4d: {  	_ =	shalt  }
0x4e: {  	_ =	shalt  }
0x4f: {  	_ =	shalt  }
0x50: {  	_ =	shalt  }
0x51: {  	_ =	shalt  }
0x52: {  	_ =	shalt  }
0x53: {  	_ =	shalt  }
0x54: {  	_ =	shalt  }
0x55: {  	_ =	shalt  }
0x56: {  	_ =	shalt  }
0x57: {  	_ =	shalt  }
0x58: {  	_ =	shalt  }
0x59: {  	_ =	shalt  }
0x5a: {  	_ =	shalt  }
0x5b: {  	_ =	shalt  }
0x5c: {  	_ =	shalt  }
0x5d: {  	_ =	shalt  }
0x5e: {  	_ =	shalt  }
0x5f: {  	_ =	shalt  }
0x60: {  	_ =	shalt  }
0x61: {  	_ =	shalt  }
0x62: {  	_ =	shalt  }
0x63: {  	_ =	shalt  }
0x64: {  	_ =	shalt  }
0x65: {  	_ =	shalt  }
0x66: {  	_ =	shalt  }
0x67: {  	_ =	shalt  }
0x68: {  	_ =	shalt  }
0x69: {  	_ =	shalt  }
0x6a: {  	_ =	shalt  }
0x6b: {  	_ =	shalt  }
0x6c: {  	_ =	shalt  }
0x6d: {  	_ =	shalt  }
0x6e: {  	_ =	shalt  }
0x6f: {  	_ =	shalt  }
0x70: {  	_ =	shalt  }
0x71: {  	_ =	shalt  }
0x72: {  	_ =	shalt  }
0x73: {  	_ =	shalt  }
0x74: {  	_ =	shalt  }
0x75: {  	_ =	shalt  }
0x76: {  	_ =	shalt  }
0x77: {  	_ =	shalt  }
0x78: {  	_ =	shalt  }
0x79: {  	_ =	shalt  }
0x7a: {  	_ =	shalt  }
0x7b: {  	_ =	shalt  }
0x7c: {  	_ =	shalt  }
0x7d: {  	_ =	shalt  }
0x7e: {  	_ =	shalt  }
0x7f: {  	_ =	shalt  }
0x80: {  	_ =	shalt  }
0x81: {  	_ =	shalt  }
0x82: {  	_ =	shalt  }
0x83: {  	_ =	shalt  }
0x84: {  	_ =	shalt  }
0x85: {  	_ =	shalt  }
0x86: {  	_ =	shalt  }
0x87: {  	_ =	shalt  }
.Lfunc_end0:
.L_simem_size_0:
called_computation_lowered:
.L_overlay_start_0:
0x88: {  	s2 =	sld [smem:$0x3FD9]  }
0x89: {  	s3 =	sld [smem:$0x3FFE];
	_ =	sdelay $0x1  }
0x8a: {  	s1 =	srdreg.scid  }
0x8b: {  	s0 =	sand.u32 $0x1, s1  }
0x8c: {  	s16 =	sshll.u32 s0, $0xA;
	s2 =	sadd.s32 s3, s2  }
0x8d: {  	s2 =	sadd.s32 s2, s16  }
0x8e: {  	[smem:$0x3FBD] =	sst s2  }
0x8f: {  	_ = 	snop  }
0x90: {  	(tm) =	ssettm $0x1  }
0x91: {  	s17 =	sld [smem:$0x3FFB];
	_ =	sdelay $0x3  }
0x92: {  	_ =	strace s17  }
0x93: {  	s2 =	sld [smem:$0x3FFC];
	_ =	sdelay $0x3  }
0x94: {  	_ =	strace s2  }
0x95: {  	s2 =	sld [smem:$0x3FFD];
	_ =	sdelay $0x3  }
0x96: {  	_ =	strace s2  }
0x97: {  	_ =	strace $0x8FFFFFFF  }
0x98: {  	s18 =	sld [smem:$0x3FDB];
	_ =	sdelay $0x1  }
0x99: {  	s19 =	simm.s32 $_scs_section_size  }
0x9a: {  	s4 =	simm.s32 $_size__tile_overlayer_lowered;
	s5 =	simm.s32 $_tile_overlayer_lowered  }
0x9b: {  	s22 =	simm.s32 $0x1BFF;
	s21 =	sshll.u32 s5, $0x1;
	s2 =	sadd.s32 s19, s18  }
0x9c: {  	s6 =	simm.s32 $0x0;
	s20 =	sshll.u32 s4, $0x1;
	s4 =	sadd.s32 s21, s2  }
0x9d: {  	[timem:s6], [sflag:s22] =	dma.local [hbm:s4], s20  }
0x9e: {  	_ =	swait.ge [sflag:s22], s20  }
0x9f: {  	s3 =	ssub.s32 $0x0, s20;
	[sflag:s22] =	ssyncset.done $0x0  }
0xa0: {  	[sflag:s22] =	ssyncadd.s32 s3;
	_ =	sdelay $0x1  }
0xa1: {  	s23 =	simm.s32 $0x1B8B  }
0xa2: {  	_ =	swait.ge [sflag:s23], $0x1  }
0xa3: {  	[sflag:s23] =	ssyncset.done $0x0  }
0xa4: {  	s25 =	simm.s32 $0x1B8E;
	s24 =	sld [smem:$0x3FFE];
	[sflag:s23] =	ssyncadd.s32 $0xFFFFFFFF  }
0xa5: {  	s26 =	simm.s32 $execute0_lowered;
	[smem:$0x3FD2] =	sst s25  }
0xa6: {  	s4 =	sshll.u32 s26, $0x1;
	_ =	strace $0x80000046;
	[dreg:$0x1] =	wrdreg $0xFFFFFFFF  }
0xa7: {  	s28 =	simm.s32 $_size_execute0_lowered;
	s2 =	sadd.s32 s2, s4;
	[dreg:$0x0] =	wrdreg $0x0  }
0xa8: {  	s4 =	sshll.u32 s28, $0x1;
	[dreg:$0x2] =	wrdreg s2  }
0xa9: {  	[dreg:$0x3] =	wrdreg s4  }
0xaa: {  	[dreg:$0x4] =	wrdreg $0xC0  }
0xab: {  	_ =	task [dreg:s6], $0x5FFFF  }
0xac: {  	[dreg:$0x1] =	wrdreg $0xFFFFFFFF  }
0xad: {  	[dreg:$0x0] =	wrdreg $0x60  }
0xae: {  	[dreg:$0x2] =	wrdreg s24  }
0xaf: {  	[dreg:$0x3] =	wrdreg $0xD4000  }
0xb0: {  	[dreg:$0x4] =	wrdreg $0x9  }
0xb1: {  	_ =	task.clear_ibuf [dreg:s6], $0x5FFFF;
	_ =	strace $0x90000046  }
0xb2: {  	s29 =	simm.s32 $0x9;
	_ =	strace $0x80000048  }
0xb3: {  	_ =	swait.ge [sflag:s29], $0x1  }
0xb4: {  	[sflag:s29] =	ssyncadd.s32 $0xFFFFFFFF  }
0xb5: {  	_ =	strace $0x90000048  }
0xb6: {  	_ =	sfence  }
0xb7: {  	s30 =	sld [smem:$0x0];
	_ =	sdelay $0x2  }
0xb8: {  	s31 =	sshll.u32 s1, $0xD;
	s1 =	sshrl.u32 s1, $0x2  }
0xb9: {  	s3 =	sand.u32 $0x4000, s31;
	s1 =	sadd.s32 s1, s30  }
0xba: {  	s0 =	sor.u32 s3, s0;
	s1 =	sshll.u32 s1, $0x11  }
0xbb: {  	s0 =	sor.u32 s1, s0  }
0xbc: {  	s0 =	sadd.s32 $0x8F2B, s0  }
0xbd: {  	[sflag:s0] =	ssyncadd.remote.s32 $0x1  }
0xbe: {  	_ =	sfence.sel $0xFFFF  }
0xbf: {  	[dreg:$0x0] =	wrdreg $0xFFFFFFFF;
	(pc) =	sbr.abs _section_cstart, $3  }
0xc0: {  	[dreg:$0x1] =	wrdreg $0xFFFFFFFF  }
0xc1: {  	_ =	task.clear_ibuf [dreg:s6], $0x2FFFF;
	_ =	strace $0x9FFFFFFF  }
0xc2: {  	(tm) =	ssettm $0x7FFFFFFF  }
0xc3: {  	_ =	shalt  }
tec
execute0_lowered:
.L_overlay_start_1:
0x0: {  	(tag) =	ssettag $0x1  }
0x1: {  	s4 =	rddreg [dreg:$0x0];
	s0 =	srdreg.scid  }
0x2: {  	s2 =	rddreg [dreg:$0x1];
	s1 =	stileid.u32  }
0x3: {  	s3 =	simm.s32 $0x0;
	s12 =	simm.s32 $0x40;
	s13 =	simm.s32 $0xB000  }
0x4: {  	s14 =	simm.s32 $0x9000;
	s15 =	simm.s32 $0x1;
	s16 =	simm.s32 $0xB080  }
0x5: {  	s17 =	simm.s32 $0xB100;
	s19 =	simm.s32 $0xB200;
	s20 =	simm.s32 $0x80  }
0x6: {  	s21 =	simm.s32 $0x5000;
	s22 =	simm.s32 $0xB400;
	s7 =	smul.u32 $0xA000, s1  }
0x7: {  	s5 =	sand.u32 $0x1, s0;
	s0 =	rddreg [dreg:$0x2];
	s8 =	smul.u32 $0xA00, s1  }
0x8: {  	s23 =	simm.s32 $0x0;
	[smem:$0x7FF] =	sst s3;
	s6 =	smul.u32 $0xA0000, s5  }
0x9: {  	_ =	strace $0x80000047;
	s29 =	ssub.s32 $0x2, s5;
	s18 =	smul.u32 $0x1400, s5  }
0xa: {  	s28 =	sadd.s32 s8, s4;
	s30 =	sshrl.u32 s29, $0x1;
	s6 =	sadd.s32 s7, s6  }
0xb: {  	s31 =	ssub.s32 s29, s30;
	s5 =	sadd.s32 $0x3200, s28;
	s6 =	sshrl.u32 s6, $0x3  }
0xc: {  	v0 =	vmov s18;
	s18 =	simm.s32 $0xB180;
	s11 =	sadd.s32 s6, s4;
	s4 =	smul.u32 $0x140, s1  }
0xd: {  	s6 =	smax.u32 s31, $0x1;
	s7 =	sadd.s32 $0xD200, s11;
	s8 =	sadd.s32 $0xD600, s11  }
0xe: {  	v1 =	vimm.f32 $1.000000000e+00;
	v2 =	vimm.f32 $0.0e+00;
	v3 =	vlaneseq.u32;
	s9 =	sadd.s32 $0xDA00, s11;
	s10 =	sadd.s32 $0xDE00, s11;
	s11 =	sadd.s32 $0xE200, s11  }
.LBB2_1:
0xf: {  	s24 =	simm.s32 $0x200;
	s25 =	simm.s32 $0x0  }
.LBB2_2:
0x10: {  	p0 =	sne.s32 s24, $0xFE00;
	[tilespmem:s25+$0x5000] =	vst v1;
	s25 =	smov.u32 s24;
	s24 =	sadd.s32 $0x200, s24  }
.Ltmp0:
0x11: {  	(pc) =	sbr.rel @p0 .LBB2_2-.Ltmp0, $2  }
0x12: {  	_ =	sdelay $0x2  }
0x13: {  	s25 =	sshra.s32 s25, $0x2  }
0x14: {  	[tilespmem:s25+$0x5000] =	vst v1  }
0x15: {  	[tilespmem:$0x9000] =	vst v2  }
0x16: {  	[tilespmem:$0x9080] =	vst v2  }
0x17: {  	[tilespmem:$0x9100] =	vst v2  }
0x18: {  	[tilespmem:$0x9180] =	vst v2  }
0x19: {  	[tilespmem:$0x9200] =	vst v2  }
0x1a: {  	[tilespmem:$0x9280] =	vst v2  }
0x1b: {  	[tilespmem:$0x9300] =	vst v2  }
0x1c: {  	[tilespmem:$0x9380] =	vst v2  }
0x1d: {  	[tilespmem:$0x9400] =	vst v2  }
0x1e: {  	[tilespmem:$0x9480] =	vst v2  }
0x1f: {  	[tilespmem:$0x9500] =	vst v2  }
0x20: {  	[tilespmem:$0x9580] =	vst v2  }
0x21: {  	[tilespmem:$0x9600] =	vst v2  }
0x22: {  	[tilespmem:$0x9680] =	vst v2  }
0x23: {  	[tilespmem:$0x9700] =	vst v2  }
0x24: {  	[tilespmem:$0x9780] =	vst v2  }
0x25: {  	[tilespmem:$0x9800] =	vst v2  }
0x26: {  	[tilespmem:$0x9880] =	vst v2  }
0x27: {  	[tilespmem:$0x9900] =	vst v2  }
0x28: {  	[tilespmem:$0x9980] =	vst v2  }
0x29: {  	[tilespmem:$0x9A00] =	vst v2  }
0x2a: {  	[tilespmem:$0x9A80] =	vst v2  }
0x2b: {  	[tilespmem:$0x9B00] =	vst v2  }
0x2c: {  	[tilespmem:$0x9B80] =	vst v2  }
0x2d: {  	[tilespmem:$0x9C00] =	vst v2  }
0x2e: {  	[tilespmem:$0x9C80] =	vst v2  }
0x2f: {  	[tilespmem:$0x9D00] =	vst v2  }
0x30: {  	[tilespmem:$0x9D80] =	vst v2  }
0x31: {  	[tilespmem:$0x9E00] =	vst v2  }
0x32: {  	[tilespmem:$0x9E80] =	vst v2  }
0x33: {  	[tilespmem:$0x9F00] =	vst v2  }
0x34: {  	[tilespmem:$0x9F80] =	vst v2  }
0x35: {  	[tilespmem:$0xA000] =	vst v2  }
0x36: {  	[tilespmem:$0xA080] =	vst v2  }
0x37: {  	[tilespmem:$0xA100] =	vst v2  }
0x38: {  	[tilespmem:$0xA180] =	vst v2  }
0x39: {  	[tilespmem:$0xA200] =	vst v2  }
0x3a: {  	[tilespmem:$0xA280] =	vst v2  }
0x3b: {  	[tilespmem:$0xA300] =	vst v2  }
0x3c: {  	[tilespmem:$0xA380] =	vst v2  }
0x3d: {  	[tilespmem:$0xA400] =	vst v2  }
0x3e: {  	[tilespmem:$0xA480] =	vst v2  }
0x3f: {  	[tilespmem:$0xA500] =	vst v2  }
0x40: {  	[tilespmem:$0xA580] =	vst v2  }
0x41: {  	[tilespmem:$0xA600] =	vst v2  }
0x42: {  	[tilespmem:$0xA680] =	vst v2  }
0x43: {  	[tilespmem:$0xA700] =	vst v2  }
0x44: {  	[tilespmem:$0xA780] =	vst v2  }
0x45: {  	[tilespmem:$0xA800] =	vst v2  }
0x46: {  	[tilespmem:$0xA880] =	vst v2  }
0x47: {  	[tilespmem:$0xA900] =	vst v2  }
0x48: {  	[tilespmem:$0xA980] =	vst v2  }
0x49: {  	[tilespmem:$0xAA00] =	vst v2  }
0x4a: {  	[tilespmem:$0xAA80] =	vst v2  }
0x4b: {  	[tilespmem:$0xAB00] =	vst v2  }
0x4c: {  	[tilespmem:$0xAB80] =	vst v2  }
0x4d: {  	[tilespmem:$0xAC00] =	vst v2  }
0x4e: {  	[tilespmem:$0xAC80] =	vst v2  }
0x4f: {  	[tilespmem:$0xAD00] =	vst v2  }
0x50: {  	[tilespmem:$0xAD80] =	vst v2  }
0x51: {  	[tilespmem:$0xAE00] =	vst v2  }
0x52: {  	s26 =	sadd.s32 $0x0, s4;
	[tilespmem:$0xAE80] =	vst v2  }
0x53: {  	[tilespmem:$0xAF00] =	vst v2;
	s30 =	sadd.s32 $0x30, s26  }
0x54: {  	s24 =	simm.s32 $0xB020;
	[tilespmem:$0xAF80] =	vst v2;
	s28 =	sadd.s32 $0x10, s26;
	v4 =	vor.u32 s30, v3  }
0x55: {  	s31 =	sadd.s32 $0x20, s26;
	v5 =	vor.u32 s28, v3;
	[tilespmem:s24+$0x10] =	vst v4  }
0x56: {  	v6 =	vor.u32 s31, v3;
	[tilespmem:s24+$0xFFFFFFF0] =	vst v5  }
0x57: {  	s25 =	simm.s32 $0x40;
	v4 =	vor.u32 s26, v3;
	[tilespmem:s24+$0x0] =	vst v6  }
.LBB2_4:
0x58: {  	s26 =	sadd.s32 s25, s4  }
0x59: {  	p0 =	sne.s32 s25, $0x100;
	s25 =	sadd.s32 $0x40, s25;
	[tilespmem:s24+$0xFFFFFFE0] =	vst v4;
	s28 =	sadd.s32 $0x10, s26  }
.Ltmp1:
0x5a: {  	v4 =	vor.u32 s26, v3;
	s29 =	sadd.s32 $0x20, s26;
	s26 =	sadd.s32 $0x30, s26;
	(pc) =	sbr.rel @p0 .LBB2_4-.Ltmp1, $4  }
0x5b: {  	s24 =	sadd.s32 $0x80, s24;
	v5 =	vor.u32 s28, v3;
	v6 =	vor.u32 s29, v3;
	v7 =	vor.u32 s26, v3  }
0x5c: {  	[tilespmem:s24+$0x10] =	vst v7  }
0x5d: {  	[tilespmem:s24+$0xFFFFFFF0] =	vst v5  }
0x5e: {  	[tilespmem:s24+$0x0] =	vst v6  }
0x5f: {  	[tilespmem:s24+$0xFFFFFFE0] =	vst v4  }
0x60: {  	[spmem:s2] =	stream.indirect.scatter [tilespmem:s14], [sflag:$0x1], $0x10, s13, s12, $0xb8;
	[tilespmem:$0xE808] =	vst v63  }
0x61: {  	_ =	swait.ge [sflag:s15], $0x400  }
0x62: {  	[sflag:s15] =	ssyncset.done $0x0  }
0x63: {  	[sflag:s15] =	ssyncadd.s32 $0xFFFFFC00  }
0x64: {  	[spmem:s2] =	stream.indirect.scatter [tilespmem:s14], [sflag:$0x1], $0x10, s16, s12, $0xb8;
	[tilespmem:$0xE808] =	vst v63  }
0x65: {  	_ =	swait.ge [sflag:s15], $0x400  }
0x66: {  	[sflag:s15] =	ssyncset.done $0x0  }
0x67: {  	[sflag:s15] =	ssyncadd.s32 $0xFFFFFC00  }
0x68: {  	[spmem:s2] =	stream.indirect.scatter [tilespmem:s14], [sflag:$0x1], $0x10, s17, s12, $0xb8;
	[tilespmem:$0xE808] =	vst v63  }
0x69: {  	_ =	swait.ge [sflag:s15], $0x400  }
0x6a: {  	[sflag:s15] =	ssyncset.done $0x0  }
0x6b: {  	[sflag:s15] =	ssyncadd.s32 $0xFFFFFC00  }
0x6c: {  	[spmem:s2] =	stream.indirect.scatter [tilespmem:s14], [sflag:$0x1], $0x10, s18, s12, $0xb8;
	[tilespmem:$0xE808] =	vst v63  }
0x6d: {  	_ =	swait.ge [sflag:s15], $0x400  }
0x6e: {  	[sflag:s15] =	ssyncset.done $0x0  }
0x6f: {  	[sflag:s15] =	ssyncadd.s32 $0xFFFFFC00  }
0x70: {  	[spmem:s2] =	stream.indirect.scatter [tilespmem:s14], [sflag:$0x1], $0x10, s19, s12, $0xb8;
	[tilespmem:$0xE808] =	vst v63  }
0x71: {  	_ =	swait.ge [sflag:s15], $0x400  }
0x72: {  	[sflag:s15] =	ssyncset.done $0x0  }
0x73: {  	[sflag:s15] =	ssyncadd.s32 $0xFFFFFC00  }
0x74: {  	s31 =	simm.s32 $0x0;
	[bflag:$0x0] =	sbarrier.arrive $0xFFFF  }
0x75: {  	[tilespmem:s31], [sflag:$0x1] =	stream.linear.gather [hbm4b:s5+s31], $0x5000, $0x38;
	[tilespmem:$0xE808] =	vst v63  }
0x76: {  	_ =	swait.ge [sflag:s15], $0x5000  }
0x77: {  	[sflag:s15] =	ssyncset.done $0x0  }
0x78: {  	s24 =	simm.s32 $0x0;
	[sflag:s15] =	ssyncadd.s32 $0xFFFFB000  }
0x79: {  	v5 =	vld [tilespmem:s24+$0x0]  }
0x7a: {  	v6 =	vld [tilespmem:s24+$0x10]  }
0x7b: {  	v8 =	vld [tilespmem:s24+$0x20]  }
0x7c: {  	v7 =	vld [tilespmem:s24+$0x30]  }
0x7d: {  	v4 =	vld [tilespmem:s24+$0x40]  }
0x7e: {  	v9 =	vsub.s32 v5, v0;
	v5 =	vld [tilespmem:s24+$0x50]  }
0x7f: {  	s26 =	simm.s32 $0x200;
	s25 =	simm.s32 $0x0;
	v10 =	vsub.s32 v6, v0;
	v6 =	vld [tilespmem:s24+$0x60];
	v9 =	vmin.u32 v9, $0x1400  }
.LBB2_6:
0x80: {  	s28 =	sshra.s32 s26, $0x2;
	p0 =	sne.s32 s26, $0x13E00;
	[tilespmem:s25+$0x0] =	vst v9;
	v9 =	vmin.u32 v10, $0x1400;
	v8 =	vsub.s32 v8, v0;
	v10 =	vld [tilespmem:s25+$0x70]  }
0x81: {  	v11 =	vld [tilespmem:s28+$0x0];
	[tilespmem:s25+$0x10] =	vst v9;
	v8 =	vmin.u32 v8, $0x1400;
	v7 =	vsub.s32 v7, v0  }
0x82: {  	v12 =	vld [tilespmem:s28+$0x10];
	[tilespmem:s25+$0x20] =	vst v8;
	v7 =	vmin.u32 v7, $0x1400;
	v4 =	vsub.s32 v4, v0  }
.Ltmp2:
0x83: {  	v8 =	vld [tilespmem:s28+$0x20];
	[tilespmem:s25+$0x30] =	vst v7;
	v4 =	vmin.u32 v4, $0x1400;
	v5 =	vsub.s32 v5, v0;
	(pc) =	sbr.rel @p0 .LBB2_6-.Ltmp2, $4  }
0x84: {  	v7 =	vld [tilespmem:s28+$0x30];
	[tilespmem:s25+$0x40] =	vst v4;
	v5 =	vmin.u32 v5, $0x1400;
	v6 =	vsub.s32 v6, v0  }
0x85: {  	v4 =	vld [tilespmem:s28+$0x40];
	[tilespmem:s25+$0x50] =	vst v5;
	v6 =	vmin.u32 v6, $0x1400;
	v9 =	vsub.s32 v10, v0  }
0x86: {  	v10 =	vsub.s32 v11, v0;
	v5 =	vld [tilespmem:s28+$0x50];
	[tilespmem:s25+$0x60] =	vst v6;
	v11 =	vmin.u32 v9, $0x1400  }
0x87: {  	s26 =	sadd.s32 $0x200, s26;
	v9 =	vmin.u32 v10, $0x1400;
	v10 =	vsub.s32 v12, v0;
	v6 =	vld [tilespmem:s28+$0x60];
	[tilespmem:s25+$0x70] =	vst v11;
	s25 =	smov.u32 s28  }
0x88: {  	[tilespmem:s25+$0x0] =	vst v9;
	v62 =	vmin.u32 v10, $0x1400;
	v8 =	vsub.s32 v8, v0;
	v63 =	vld [tilespmem:s25+$0x70]  }
0x89: {  	[tilespmem:s25+$0x10] =	vst v62;
	v8 =	vmin.u32 v8, $0x1400;
	v7 =	vsub.s32 v7, v0  }
0x8a: {  	[tilespmem:s25+$0x20] =	vst v8;
	v7 =	vmin.u32 v7, $0x1400;
	v4 =	vsub.s32 v4, v0  }
0x8b: {  	[tilespmem:s25+$0x30] =	vst v7;
	v4 =	vmin.u32 v4, $0x1400;
	v5 =	vsub.s32 v5, v0  }
0x8c: {  	[tilespmem:s25+$0x40] =	vst v4;
	v4 =	vmin.u32 v5, $0x1400;
	v5 =	vsub.s32 v6, v0  }
0x8d: {  	[tilespmem:s25+$0x50] =	vst v4;
	v4 =	vmin.u32 v5, $0x1400;
	v5 =	vsub.s32 v63, v0  }
0x8e: {  	[tilespmem:s25+$0x60] =	vst v4;
	v4 =	vmin.u32 v5, $0x1400  }
0x8f: {  	[tilespmem:s25+$0x70] =	vst v4  }
0x90: {  	[spmem:s2] =	stream.indirect.scatter.add.f32 [tilespmem:s21], [sflag:$0x1], $0x10, s24, s20, $0xb8;
	[tilespmem:$0xE808] =	vst v63  }
0x91: {  	_ =	swait.ge [sflag:s15], $0x800  }
0x92: {  	s24 =	simm.s32 $0x200;
	[sflag:s15] =	ssyncset.done $0x0  }
.LBB2_8:
0x93: {  	s25 =	sshra.s32 s24, $0x2;
	[sflag:s15] =	ssyncadd.s32 $0xFFFFF800;
	p0 =	sne.s32 s24, $0x13E00  }
0x94: {  	[spmem:s2] =	stream.indirect.scatter.add.f32 [tilespmem:s21], [sflag:$0x1], $0x10, s25, s20, $0xb8;
	[tilespmem:$0xE808] =	vst v63  }
.Ltmp3:
0x95: {  	_ = 	snop;
	(pc) =	sbr.rel @p0 .LBB2_8-.Ltmp3, $4  }
0x96: {  	_ = 	snop  }
0x97: {  	s24 =	sadd.s32 $0x200, s24  }
0x98: {  	_ =	swait.ge [sflag:s15], $0x800  }
0x99: {  	[sflag:s15] =	ssyncset.done $0x0  }
0x9a: {  	[sflag:s15] =	ssyncadd.s32 $0xFFFFF800  }
0x9b: {  	[bflag:$0x0] =	sbarrier.arrive $0xFFFF  }
0x9c: {  	[tilespmem:s22], [sflag:$0x1] =	stream.indirect.gather [spmem:s2], $0x10, s13, s12, $0xb8;
	[tilespmem:$0xE808] =	vst v63  }
0x9d: {  	_ =	swait.ge [sflag:s15], $0x400  }
0x9e: {  	[sflag:s15] =	ssyncset.done $0x0  }
0x9f: {  	[sflag:s15] =	ssyncadd.s32 $0xFFFFFC00  }
0xa0: {  	[hbm4b:s7+s3] =	stream.linear.scatter [tilespmem:s22], [sflag:$0x1], $0x2000, $0x38;
	[tilespmem:$0xE808] =	vst v63  }
0xa1: {  	_ =	swait.ge [sflag:s15], $0x2000  }
0xa2: {  	[sflag:s15] =	ssyncset.done $0x0  }
0xa3: {  	[sflag:s15] =	ssyncadd.s32 $0xFFFFE000  }
0xa4: {  	[tilespmem:s22], [sflag:$0x1] =	stream.indirect.gather [spmem:s2], $0x10, s16, s12, $0xb8;
	[tilespmem:$0xE808] =	vst v63  }
0xa5: {  	_ =	swait.ge [sflag:s15], $0x400  }
0xa6: {  	[sflag:s15] =	ssyncset.done $0x0  }
0xa7: {  	[sflag:s15] =	ssyncadd.s32 $0xFFFFFC00  }
0xa8: {  	[hbm4b:s8+s3] =	stream.linear.scatter [tilespmem:s22], [sflag:$0x1], $0x2000, $0x38;
	[tilespmem:$0xE808] =	vst v63  }
0xa9: {  	_ =	swait.ge [sflag:s15], $0x2000  }
0xaa: {  	[sflag:s15] =	ssyncset.done $0x0  }
0xab: {  	[sflag:s15] =	ssyncadd.s32 $0xFFFFE000  }
0xac: {  	[tilespmem:s22], [sflag:$0x1] =	stream.indirect.gather [spmem:s2], $0x10, s17, s12, $0xb8;
	[tilespmem:$0xE808] =	vst v63  }
0xad: {  	_ =	swait.ge [sflag:s15], $0x400  }
0xae: {  	[sflag:s15] =	ssyncset.done $0x0  }
0xaf: {  	[sflag:s15] =	ssyncadd.s32 $0xFFFFFC00  }
0xb0: {  	[hbm4b:s9+s3] =	stream.linear.scatter [tilespmem:s22], [sflag:$0x1], $0x2000, $0x38;
	[tilespmem:$0xE808] =	vst v63  }
0xb1: {  	_ =	swait.ge [sflag:s15], $0x2000  }
0xb2: {  	[sflag:s15] =	ssyncset.done $0x0  }
0xb3: {  	[sflag:s15] =	ssyncadd.s32 $0xFFFFE000  }
0xb4: {  	[tilespmem:s22], [sflag:$0x1] =	stream.indirect.gather [spmem:s2], $0x10, s18, s12, $0xb8;
	[tilespmem:$0xE808] =	vst v63  }
0xb5: {  	_ =	swait.ge [sflag:s15], $0x400  }
0xb6: {  	[sflag:s15] =	ssyncset.done $0x0  }
0xb7: {  	[sflag:s15] =	ssyncadd.s32 $0xFFFFFC00  }
0xb8: {  	[hbm4b:s10+s3] =	stream.linear.scatter [tilespmem:s22], [sflag:$0x1], $0x2000, $0x38;
	[tilespmem:$0xE808] =	vst v63  }
0xb9: {  	_ =	swait.ge [sflag:s15], $0x2000  }
0xba: {  	[sflag:s15] =	ssyncset.done $0x0  }
0xbb: {  	[sflag:s15] =	ssyncadd.s32 $0xFFFFE000  }
0xbc: {  	[tilespmem:s22], [sflag:$0x1] =	stream.indirect.gather [spmem:s2], $0x10, s19, s12, $0xb8;
	[tilespmem:$0xE808] =	vst v63  }
0xbd: {  	s23 =	sadd.s32 $0x1, s23;
	_ =	swait.ge [sflag:s15], $0x400  }
0xbe: {  	p0 =	sne.s32 s23, s6;
	[sflag:s15] =	ssyncset.done $0x0  }
.Ltmp4:
0xbf: {  	[sflag:s15] =	ssyncadd.s32 $0xFFFFFC00;
	(pc) =	sbr.rel @p0 .LBB2_1-.Ltmp4, $4  }
0xc0: {  	[hbm4b:s11+s3] =	stream.linear.scatter [tilespmem:s22], [sflag:$0x1], $0x2000, $0x38;
	[tilespmem:$0xE808] =	vst v63  }
0xc1: {  	_ =	swait.ge [sflag:s15], $0x2000  }
0xc2: {  	[sflag:s15] =	ssyncset.done $0x0  }
0xc3: {  	[sflag:s15] =	ssyncadd.s32 $0xFFFFE000  }
0xc4: {  	_ =	sfence.sel $0x180000  }
0xc5: {  	[bflag:$0x0] =	sbarrier.arrive $0xFFFF  }
0xc6: {  	p0 =	sne.s32 s1, $0x0;
	_ =	strace $0x90000047  }
0xc7: {  	s0 =	sadd.s32 @!p0 $0x100000, s0;
	[bflag:$0x2] =	sbarrier.arrive $0xFFFF  }
0xc8: {  	[sflag:s0] =	ssyncadd.tile.s32 @!p0 $0x1;
	_ =	shalt  }
.Lfunc_end2:
_tile_overlayer_lowered:
.L_overlay_start_2:
0xc9: {  	(tag) =	ssettag $0x2  }
0xca: {  	s0 =	rddreg [dreg:$0x0];
	s2 =	stileid.u32  }
0xcb: {  	s1 =	rddreg [dreg:$0x1];
	p0 =	sne.s32 s2, $0x0  }
0xcc: {  	s3 =	rddreg [dreg:$0x2];
	[bflag:$0x3] =	sbarrier.arrive $0xFFFF;
	s2 =	simm.s32 @!p0 $0x1C01  }
0xcd: {  	[timem:s3], [sflag:s2] =	dma.local @!p0 [hbm:s0], s1  }
0xce: {  	s0 =	simm.s32 @!p0 $0x1  }
0xcf: {  	_ =	swait.ge @!p0 [sflag:s0], s1  }
0xd0: {  	s1 =	ssub.s32 @!p0 $0x0, s1;
	[sflag:s0] =	ssyncset.done @!p0 $0x0  }
0xd1: {  	[sflag:s0] =	ssyncadd.s32 @!p0 s1  }
0xd2: {  	[bflag:$0x3] =	sbarrier.arrive $0xFFFF  }
0xd3: {  	_ =	shalt  }

</sc_bundles>
